<compile_context>
chip_gen: v7x
topology: tpu7x:2x2x1
jax: 0.10.2.dev20260603
libtpu: 0.0.44.dev20260713+nightly
codegen_flags: <defaults>
</compile_context>

<pallas_src>
import functools

import jax
import jax.numpy as jnp
from jax import lax
from jax.experimental import pallas as pl
from jax.experimental.pallas import tpu as pltpu
from jax.experimental.pallas import tpu_sc as plsc


def _row_lse(table):
    V, C = table.shape

    def body(t_ref, o_ref):
        x = t_ref[...]
        m = jnp.max(x, axis=1, keepdims=True)
        s = jnp.sum(jnp.exp(x - m), axis=1, keepdims=True)
        o_ref[...] = m + jnp.log(s)

    out = pl.pallas_call(
        body,
        out_shape=jax.ShapeDtypeStruct((V, 1), jnp.float32),
    )(table)
    return out.reshape(V)


def _make_sc_gather(V, C, N, n_workers, chunk, lanes):
    per_w = N // n_workers
    n_chunks = per_w // chunk
    ct = C // 8
    nt = N // 128
    tiles_per_w = per_w // 128
    qs = 128 // chunk
    mesh = plsc.VectorSubcoreMesh(core_axis_name="c", subcore_axis_name="s")
    info = plsc.get_sparse_core_info()
    nc, ns = info.num_cores, info.num_subcores

    @functools.partial(
        pl.kernel,
        mesh=mesh,
        compiler_params=pltpu.CompilerParams(
            use_tc_tiling_on_sc=False, needs_layout_passes=False),
        out_type=[
            jax.ShapeDtypeStruct((ct, nt, 8, 128), jnp.float32),
            jax.ShapeDtypeStruct((n_workers, lanes), jnp.float32),
        ],
        scratch_types=[
            pltpu.VMEM((per_w,), jnp.int32),
            pltpu.VMEM((per_w,), jnp.int32),
            pltpu.VMEM((V,), jnp.float32),
            pltpu.VMEM((chunk, C), jnp.float32),
            pltpu.VMEM((chunk, C), jnp.float32),
            pltpu.VMEM((ct, 8, 2 * chunk), jnp.float32),
            pltpu.VMEM((ct, 8, 2 * chunk), jnp.float32),
            pltpu.VMEM((lanes,), jnp.float32),
            pltpu.SemaphoreType.DMA,
            pltpu.SemaphoreType.DMA,
            pltpu.SemaphoreType.DMA,
            pltpu.SemaphoreType.DMA,
        ],
    )
    def sc_kernel(table_hbm, idx_hbm, tgt_hbm, lse_hbm,
                  out_hbm, part_hbm,
                  idx_f, tgt_f, lse_v, rows0, rows1, tr0, tr1,
                  acc, gsem0, gsem1, ssem0, ssem1):
        wid = lax.axis_index("s") * nc + lax.axis_index("c")
        base_tile = wid * tiles_per_w

        pltpu.sync_copy(idx_hbm.at[wid], idx_f)
        pltpu.sync_copy(tgt_hbm.at[wid], tgt_f)
        pltpu.sync_copy(lse_hbm, lse_v)
        acc[...] = jnp.zeros((lanes,), jnp.float32)

        rows = (rows0, rows1)
        trs = (tr0, tr1)
        gsems = (gsem0, gsem1)
        ssems = (ssem0, ssem1)

        def g_copy(c, b):
            return pltpu.make_async_copy(
                table_hbm.at[idx_f.at[pl.ds(c * chunk, chunk)]],
                rows[b], gsems[b])

        def s_copy(k, tb):
            bt = base_tile + k // (qs // 2)
            w = (k % (qs // 2)) * (2 * chunk)
            return pltpu.make_async_copy(
                trs[tb],
                out_hbm.at[:, bt, :, pl.ds(w, 2 * chunk)],
                ssems[tb])

        g_copy(0, 0).start()
        g_copy(1, 1).start()

        tok = lax.iota(jnp.int32, lanes)

        def quad_body(p, carry):
            for b in range(4):
                c = 4 * p + b
                rb = b % 2
                tb = b // 2
                toff = (b % 2) * chunk
                k = 2 * p + tb
                g_copy(c, rb).wait()

                if b % 2 == 0:
                    @pl.when(k >= 2)
                    def _():
                        s_copy(k - 2, tb).wait()

                @plsc.parallel_loop(0, ct, unroll=8)
                def _(a):
                    for s in range(8):
                        colv = jnp.full((lanes,), a * 8 + s, jnp.int32)
                        g = plsc.load_gather(rows[rb], [tok, colv])
                        trs[tb][a, s, pl.ds(toff, chunk)] = g

                if b % 2 == 1:
                    s_copy(k, tb).start()

                tv = tgt_f[pl.ds(c * chunk, chunk)]
                iv = idx_f[pl.ds(c * chunk, chunk)]
                picked = plsc.load_gather(rows[rb], [tok, tv])
                lg = plsc.load_gather(lse_v, [iv])
                acc[...] = acc[...] + (lg - picked)

                @pl.when(c + 2 < n_chunks)
                def _():
                    g_copy(c + 2, rb).start()
            return carry

        lax.fori_loop(0, n_chunks // 4, quad_body, 0)
        s_copy(n_chunks // 2 - 2, 0).wait()
        s_copy(n_chunks // 2 - 1, 1).wait()
        pltpu.sync_copy(acc, part_hbm.at[wid])

    return sc_kernel


def kernel(idx, target, table):
    V, C = table.shape
    N = idx.size

    info = plsc.get_sparse_core_info()
    n_workers = info.num_cores * info.num_subcores
    lanes = info.num_lanes
    chunk = 16
    per_w = N // n_workers
    assert N % n_workers == 0 and per_w % chunk == 0 and per_w % 128 == 0
    assert (per_w // chunk) % 4 == 0 and C % 8 == 0 and N % 128 == 0

    idx_f = idx.reshape(n_workers, per_w).astype(jnp.int32)
    tgt_f = target.reshape(n_workers, per_w).astype(jnp.int32)

    lse = _row_lse(table)
    out4d, parts = _make_sc_gather(V, C, N, n_workers, chunk, lanes)(
        table, idx_f, tgt_f, lse)
    logits2 = out4d.transpose(1, 3, 0, 2).reshape(N, C)
    loss = jnp.sum(parts) / jnp.float32(N)
    return (logits2, loss)

# --- scband reference (transcript-rebuilt; emitter-appended) ---
"""Pipeline reference for scband-bigram-language-model-27822798143949 (READ-ONLY COPY).

The authoritative reference and input builder live on the scoring server;
editing this copy changes nothing except your own understanding.
"""

import jax, jax.numpy as jnp
import numpy as np

VOCAB = 1000
B = 4096
T = 50

def setup_inputs(seed: int = 0) -> dict:
    key = jax.random.key(seed)
    k1, k2, k3 = jax.random.split(key, 3)
    idx = jax.random.randint(k1, (B, T), 0, VOCAB, dtype=jnp.int64 if jax.config.jax_enable_x64 else jnp.int32)
    target = jax.random.randint(k2, (B, T), 0, VOCAB, dtype=jnp.int64 if jax.config.jax_enable_x64 else jnp.int32)
    table = jax.random.normal(k3, (VOCAB, VOCAB), dtype=jnp.float32)
    return {"idx": idx, "target": target, "table": table}

def reference(idx, target, table):
    # logits = token_embedding_table(idx): gather rows of [VOCAB, VOCAB] table
    logits = jnp.take(table, idx, axis=0)  # [B, T, C]
    Bb, Tt, C = logits.shape
    logits2 = logits.reshape(Bb * Tt, C)
    tgt = target.reshape(Bb * Tt)
    # cross_entropy with mean reduction
    logz = jax.nn.logsumexp(logits2, axis=-1)
    picked = jnp.take_along_axis(logits2, tgt[:, None], axis=1)[:, 0]
    loss = jnp.mean(logz - picked)
    return (logits2, loss)

if __name__ == "__main__":
    import jax
    _d = setup_inputs()
    print(jax.jit(kernel)(*tuple(_d.values())))

</pallas_src>

<mosaic_0001>
#map = affine_map<(d0, d1) -> (0, 0)>
#map1 = affine_map<(d0, d1) -> (0)>
#map2 = affine_map<(d0, d1) -> (0, 0, 0, 0)>
module attributes {stable_mosaic.version = 14 : i64} {
  func.func @sc_kernel(%arg0: i32, %arg1: i32, %arg2: memref<1000x1000xf32, #tpu.memory_space<hbm>>, %arg3: memref<32x6400xi32, #tpu.memory_space<hbm>>, %arg4: memref<32x6400xi32, #tpu.memory_space<hbm>>, %arg5: memref<1000xf32, #tpu.memory_space<hbm>>, %arg6: memref<125x1600x8x128xf32, #tpu.memory_space<hbm>>, %arg7: memref<32x16xf32, #tpu.memory_space<hbm>>, %arg8: memref<6400xi32, #tpu.memory_space<vmem>>, %arg9: memref<6400xi32, #tpu.memory_space<vmem>>, %arg10: memref<1000xf32, #tpu.memory_space<vmem>>, %arg11: memref<16x1000xf32, #tpu.memory_space<vmem>>, %arg12: memref<16x1000xf32, #tpu.memory_space<vmem>>, %arg13: memref<125x8x32xf32, #tpu.memory_space<vmem>>, %arg14: memref<125x8x32xf32, #tpu.memory_space<vmem>>, %arg15: memref<16xf32, #tpu.memory_space<vmem>>, %arg16: memref<!tpu.dma_semaphore, #tpu.memory_space<semaphore_mem>>, %arg17: memref<!tpu.dma_semaphore, #tpu.memory_space<semaphore_mem>>, %arg18: memref<!tpu.dma_semaphore, #tpu.memory_space<semaphore_mem>>, %arg19: memref<!tpu.dma_semaphore, #tpu.memory_space<semaphore_mem>>) attributes {dimension_semantics = [#tpu.dimension_semantics<core_parallel>, #tpu.dimension_semantics<subcore_parallel>], iteration_bounds = array<i64: 2, 16>, scalar_prefetch = 0 : i64, scratch_operands = 12 : i64, tpu.core_type = #tpu.core_type<sc_vector_subcore>, window_params = [{transform_indices = #map}, {transform_indices = #map}, {transform_indices = #map}, {transform_indices = #map1}, {transform_indices = #map2}, {transform_indices = #map}]} {
    %mul3A = arith.constant 2 : i32
    %mul3A_0 = arith.muli %arg1, %mul3A : i32
    %add3A = arith.addi %mul3A_0, %arg0 : i32
    %mul3A_1 = arith.constant 50 : i32
    %mul3A_2 = arith.muli %add3A, %mul3A_1 : i32
    "tpu.region"() ({
      %run_scoped3A = tpu.sem_alloc : memref<!tpu.dma_semaphore, #tpu.memory_space<semaphore_mem>>
      %dma_start3A_42 = arith.constant 0 : i32
      %dma_start3A_43 = tpu.memref_slice %arg3[%add3A, %dma_start3A_42] : memref<32x6400xi32, #tpu.memory_space<hbm>> -> memref<1x6400xi32, #tpu.memory_space<hbm>>
      %dma_start3A_44 = tpu.memref_squeeze %dma_start3A_43 : memref<1x6400xi32, #tpu.memory_space<hbm>> -> memref<6400xi32, #tpu.memory_space<hbm>>
      %dma_start3A_45 = arith.constant 0 : i32
      %dma_start3A_46 = tpu.memref_slice %arg3[%add3A, %dma_start3A_45] : memref<32x6400xi32, #tpu.memory_space<hbm>> -> memref<1x6400xi32, #tpu.memory_space<hbm>>
      %dma_start3A_47 = tpu.memref_squeeze %dma_start3A_46 : memref<1x6400xi32, #tpu.memory_space<hbm>> -> memref<6400xi32, #tpu.memory_space<hbm>>
      tpu.enqueue_dma source(%dma_start3A_47 : memref<6400xi32, #tpu.memory_space<hbm>>) target(%arg8 : memref<6400xi32, #tpu.memory_space<vmem>>) target_semaphore(%run_scoped3A : memref<!tpu.dma_semaphore, #tpu.memory_space<semaphore_mem>>)
      %dma_wait3A_48 = arith.constant 0 : i32
      %dma_wait3A_49 = tpu.memref_slice %arg3[%add3A, %dma_wait3A_48] : memref<32x6400xi32, #tpu.memory_space<hbm>> -> memref<1x6400xi32, #tpu.memory_space<hbm>>
      %dma_wait3A_50 = tpu.memref_squeeze %dma_wait3A_49 : memref<1x6400xi32, #tpu.memory_space<hbm>> -> memref<6400xi32, #tpu.memory_space<hbm>>
      %dma_wait3A_51 = arith.constant 0 : i32
      %dma_wait3A_52 = tpu.memref_slice %arg3[%add3A, %dma_wait3A_51] : memref<32x6400xi32, #tpu.memory_space<hbm>> -> memref<1x6400xi32, #tpu.memory_space<hbm>>
      %dma_wait3A_53 = tpu.memref_squeeze %dma_wait3A_52 : memref<1x6400xi32, #tpu.memory_space<hbm>> -> memref<6400xi32, #tpu.memory_space<hbm>>
      tpu.wait_dma2 semaphore(%run_scoped3A : memref<!tpu.dma_semaphore, #tpu.memory_space<semaphore_mem>>) src(%dma_wait3A_53 : memref<6400xi32, #tpu.memory_space<hbm>>) dst(%arg8 : memref<6400xi32, #tpu.memory_space<vmem>>)
      tpu.yield
    }) : () -> ()
    "tpu.region"() ({
      %run_scoped3A = tpu.sem_alloc : memref<!tpu.dma_semaphore, #tpu.memory_space<semaphore_mem>>
      %dma_start3A_42 = arith.constant 0 : i32
      %dma_start3A_43 = tpu.memref_slice %arg4[%add3A, %dma_start3A_42] : memref<32x6400xi32, #tpu.memory_space<hbm>> -> memref<1x6400xi32, #tpu.memory_space<hbm>>
      %dma_start3A_44 = tpu.memref_squeeze %dma_start3A_43 : memref<1x6400xi32, #tpu.memory_space<hbm>> -> memref<6400xi32, #tpu.memory_space<hbm>>
      %dma_start3A_45 = arith.constant 0 : i32
      %dma_start3A_46 = tpu.memref_slice %arg4[%add3A, %dma_start3A_45] : memref<32x6400xi32, #tpu.memory_space<hbm>> -> memref<1x6400xi32, #tpu.memory_space<hbm>>
      %dma_start3A_47 = tpu.memref_squeeze %dma_start3A_46 : memref<1x6400xi32, #tpu.memory_space<hbm>> -> memref<6400xi32, #tpu.memory_space<hbm>>
      tpu.enqueue_dma source(%dma_start3A_47 : memref<6400xi32, #tpu.memory_space<hbm>>) target(%arg9 : memref<6400xi32, #tpu.memory_space<vmem>>) target_semaphore(%run_scoped3A : memref<!tpu.dma_semaphore, #tpu.memory_space<semaphore_mem>>)
      %dma_wait3A_48 = arith.constant 0 : i32
      %dma_wait3A_49 = tpu.memref_slice %arg4[%add3A, %dma_wait3A_48] : memref<32x6400xi32, #tpu.memory_space<hbm>> -> memref<1x6400xi32, #tpu.memory_space<hbm>>
      %dma_wait3A_50 = tpu.memref_squeeze %dma_wait3A_49 : memref<1x6400xi32, #tpu.memory_space<hbm>> -> memref<6400xi32, #tpu.memory_space<hbm>>
      %dma_wait3A_51 = arith.constant 0 : i32
      %dma_wait3A_52 = tpu.memref_slice %arg4[%add3A, %dma_wait3A_51] : memref<32x6400xi32, #tpu.memory_space<hbm>> -> memref<1x6400xi32, #tpu.memory_space<hbm>>
      %dma_wait3A_53 = tpu.memref_squeeze %dma_wait3A_52 : memref<1x6400xi32, #tpu.memory_space<hbm>> -> memref<6400xi32, #tpu.memory_space<hbm>>
      tpu.wait_dma2 semaphore(%run_scoped3A : memref<!tpu.dma_semaphore, #tpu.memory_space<semaphore_mem>>) src(%dma_wait3A_53 : memref<6400xi32, #tpu.memory_space<hbm>>) dst(%arg9 : memref<6400xi32, #tpu.memory_space<vmem>>)
      tpu.yield
    }) : () -> ()
    "tpu.region"() ({
      %run_scoped3A = tpu.sem_alloc : memref<!tpu.dma_semaphore, #tpu.memory_space<semaphore_mem>>
      tpu.enqueue_dma source(%arg5 : memref<1000xf32, #tpu.memory_space<hbm>>) target(%arg10 : memref<1000xf32, #tpu.memory_space<vmem>>) target_semaphore(%run_scoped3A : memref<!tpu.dma_semaphore, #tpu.memory_space<semaphore_mem>>)
      tpu.wait_dma2 semaphore(%run_scoped3A : memref<!tpu.dma_semaphore, #tpu.memory_space<semaphore_mem>>) src(%arg5 : memref<1000xf32, #tpu.memory_space<hbm>>) dst(%arg10 : memref<1000xf32, #tpu.memory_space<vmem>>)
      tpu.yield
    }) : () -> ()
    %broadcast_in_dim3A = arith.constant 0.000000e+00 : f32
    %broadcast_in_dim3A_3 = vector.broadcast %broadcast_in_dim3A : f32 to vector<16xf32>
    %swap3A = arith.constant 0 : index
    %swap3A_4 = tpu.vector_load %arg15[%swap3A] {strides = array<i32>} : memref<16xf32, #tpu.memory_space<vmem>>, vector<16xf32>,
    tpu.vector_store %arg15[%swap3A], %broadcast_in_dim3A_3 {strides = array<i32>} : memref<16xf32, #tpu.memory_space<vmem>>, vector<16xf32>,
    %dma_start3A = arith.constant 0 : i32
    %dma_start3A_5 = tpu.memref_slice %arg8[%dma_start3A] : memref<6400xi32, #tpu.memory_space<vmem>> -> memref<16xi32, #tpu.memory_space<vmem>>
    %dma_start3A_6 = arith.constant 0 : i32
    %dma_start3A_7 = arith.constant 0 : i32
    %dma_start3A_8 = tpu.memref_slice %arg2[%dma_start3A_6, %dma_start3A_7] : memref<1000x1000xf32, #tpu.memory_space<hbm>> -> memref<1000x1000xf32, #tpu.memory_space<hbm>>
    tpu.enqueue_indirect_dma source(%dma_start3A_8 : memref<1000x1000xf32, #tpu.memory_space<hbm>>) target(%arg11 : memref<16x1000xf32, #tpu.memory_space<vmem>>) offsets(%dma_start3A_5 : memref<16xi32, #tpu.memory_space<vmem>>) semaphore(%arg16 : memref<!tpu.dma_semaphore, #tpu.memory_space<semaphore_mem>>)
    %dma_start3A_9 = arith.constant 16 : i32
    %dma_start3A_10 = tpu.memref_slice %arg8[%dma_start3A_9] : memref<6400xi32, #tpu.memory_space<vmem>> -> memref<16xi32, #tpu.memory_space<vmem>>
    %dma_start3A_11 = arith.constant 0 : i32
    %dma_start3A_12 = arith.constant 0 : i32
    %dma_start3A_13 = tpu.memref_slice %arg2[%dma_start3A_11, %dma_start3A_12] : memref<1000x1000xf32, #tpu.memory_space<hbm>> -> memref<1000x1000xf32, #tpu.memory_space<hbm>>
    tpu.enqueue_indirect_dma source(%dma_start3A_13 : memref<1000x1000xf32, #tpu.memory_space<hbm>>) target(%arg12 : memref<16x1000xf32, #tpu.memory_space<vmem>>) offsets(%dma_start3A_10 : memref<16xi32, #tpu.memory_space<vmem>>) semaphore(%arg17 : memref<!tpu.dma_semaphore, #tpu.memory_space<semaphore_mem>>)
    %iota3A = tpu.iota {dimensions = array<i32: 0>} : vector<16xi32>
    %scan3A = arith.constant 0 : i32
    %scan3A_14 = arith.constant 0 : i32
    %scan3A_15 = arith.constant 100 : i32
    %scan3A_16 = arith.addi %scan3A_14, %scan3A_15 : i32
    %scan3A_17 = arith.constant 1 : i32
    scf.for %scan3A_42 = %scan3A_14 to %scan3A_16 step %scan3A_17  : i32 {
      %mul3A_43 = arith.constant 4 : i32
      %mul3A_44 = arith.muli %mul3A_43, %scan3A_42 : i32
      %add3A_45 = arith.constant 0 : i32
      %add3A_46 = arith.addi %mul3A_44, %add3A_45 : i32
      %mul3A_47 = arith.constant 2 : i32
      %mul3A_48 = arith.muli %mul3A_47, %scan3A_42 : i32
      %add3A_49 = arith.constant 0 : i32
      %add3A_50 = arith.addi %mul3A_48, %add3A_49 : i32
      %mul3A_51 = arith.constant 16 : i32
      %mul3A_52 = arith.muli %add3A_46, %mul3A_51 : i32
      %dma_wait3A_53 = tpu.memref_slice %arg8[%mul3A_52] : memref<6400xi32, #tpu.memory_space<vmem>> -> memref<16xi32, #tpu.memory_space<vmem>>
      %dma_wait3A_54 = arith.constant 0 : i32
      %dma_wait3A_55 = arith.constant 0 : i32
      %dma_wait3A_56 = tpu.memref_slice %arg2[%dma_wait3A_54, %dma_wait3A_55] : memref<1000x1000xf32, #tpu.memory_space<hbm>> -> memref<1000x1000xf32, #tpu.memory_space<hbm>>
      tpu.wait_indirect_dma semaphore(%arg16 : memref<!tpu.dma_semaphore, #tpu.memory_space<semaphore_mem>>) src(%dma_wait3A_56 : memref<1000x1000xf32, #tpu.memory_space<hbm>>) dst(%arg11 : memref<16x1000xf32, #tpu.memory_space<vmem>>)
      %ge3A = arith.constant 2 : i32
      %ge3A_57 = arith.cmpi sge, %add3A_50, %ge3A : i32
      %convert_element_type3A = arith.extui %ge3A_57 : i1 to i32
      %cond3A = arith.constant 0 : i32
      %cond3A_58 = arith.cmpi ne, %convert_element_type3A, %cond3A : i32
      scf.if %cond3A_58 {
        %sub3A_299 = arith.constant 2 : i32
        %sub3A_300 = arith.subi %add3A_50, %sub3A_299 : i32
        %jit3A_301 = arith.constant 4 : i32
        %div3A_302 = arith.divsi %sub3A_300, %jit3A_301 : i32
        %sign3A_303 = arith.constant 0 : i32
        %sign3A_304 = arith.cmpi sgt, %sub3A_300, %sign3A_303 : i32
        %sign3A_305 = arith.extui %sign3A_304 : i1 to i32
        %sign3A_306 = arith.constant 0 : i32
        %sign3A_307 = arith.cmpi slt, %sub3A_300, %sign3A_306 : i32
        %sign3A_308 = arith.extui %sign3A_307 : i1 to i32
        %sign3A_309 = arith.subi %sign3A_305, %sign3A_308 : i32
        %sign3A_310 = arith.constant 0 : i32
        %sign3A_311 = arith.cmpi sgt, %jit3A_301, %sign3A_310 : i32
        %sign3A_312 = arith.extui %sign3A_311 : i1 to i32
        %sign3A_313 = arith.constant 0 : i32
        %sign3A_314 = arith.cmpi slt, %jit3A_301, %sign3A_313 : i32
        %sign3A_315 = arith.extui %sign3A_314 : i1 to i32
        %sign3A_316 = arith.subi %sign3A_312, %sign3A_315 : i32
        %ne3A_317 = arith.cmpi ne, %sign3A_309, %sign3A_316 : i32
        %rem3A_318 = arith.remsi %sub3A_300, %jit3A_301 : i32
        %ne3A_319 = arith.constant 0 : i32
        %ne3A_320 = arith.cmpi ne, %rem3A_318, %ne3A_319 : i32
        %and3A_321 = arith.andi %ne3A_317, %ne3A_320 : i1
        %sub3A_322 = arith.constant 1 : i32
        %sub3A_323 = arith.subi %div3A_302, %sub3A_322 : i32
        %select_n3A_324 = arith.select %and3A_321, %sub3A_323, %div3A_302 : i32
        %add3A_325 = arith.addi %mul3A_2, %select_n3A_324 : i32
        %jit3A_326 = arith.constant 4 : i32
        %eq3A_327 = arith.constant 0 : i32
        %eq3A_328 = arith.cmpi eq, %jit3A_326, %eq3A_327 : i32
        %jit3A_329 = arith.constant 1 : i32
        %select_n3A_330 = arith.select %eq3A_328, %jit3A_329, %jit3A_326 : i32
        %rem3A_331 = arith.remsi %sub3A_300, %select_n3A_330 : i32
        %ne3A_332 = arith.constant 0 : i32
        %ne3A_333 = arith.cmpi ne, %rem3A_331, %ne3A_332 : i32
        %lt3A_334 = arith.constant 0 : i32
        %lt3A_335 = arith.cmpi slt, %rem3A_331, %lt3A_334 : i32
        %lt3A_336 = arith.constant 0 : i32
        %lt3A_337 = arith.cmpi slt, %select_n3A_330, %lt3A_336 : i32
        %ne3A_338 = arith.xori %lt3A_335, %lt3A_337 : i1
        %and3A_339 = arith.andi %ne3A_338, %ne3A_333 : i1
        %add3A_340 = arith.addi %rem3A_331, %select_n3A_330 : i32
        %select_n3A_341 = arith.select %and3A_339, %add3A_340, %rem3A_331 : i32
        %mul3A_342 = arith.constant 32 : i32
        %mul3A_343 = arith.muli %select_n3A_341, %mul3A_342 : i32
        %dma_wait3A_344 = arith.constant 0 : i32
        %dma_wait3A_345 = arith.constant 0 : i32
        %dma_wait3A_346 = tpu.memref_slice %arg6[%dma_wait3A_344, %add3A_325, %dma_wait3A_345, %mul3A_343] : memref<125x1600x8x128xf32, #tpu.memory_space<hbm>> -> memref<125x1x8x32xf32, #tpu.memory_space<hbm>>
        %dma_wait3A_347 = tpu.memref_squeeze %dma_wait3A_346 : memref<125x1x8x32xf32, #tpu.memory_space<hbm>> -> memref<125x8x32xf32, #tpu.memory_space<hbm>>
        %dma_wait3A_348 = arith.constant 0 : i32
        %dma_wait3A_349 = arith.constant 0 : i32
        %dma_wait3A_350 = tpu.memref_slice %arg6[%dma_wait3A_348, %add3A_325, %dma_wait3A_349, %mul3A_343] : memref<125x1600x8x128xf32, #tpu.memory_space<hbm>> -> memref<125x1x8x32xf32, #tpu.memory_space<hbm>>
        %dma_wait3A_351 = tpu.memref_squeeze %dma_wait3A_350 : memref<125x1x8x32xf32, #tpu.memory_space<hbm>> -> memref<125x8x32xf32, #tpu.memory_space<hbm>>
        tpu.wait_dma2 semaphore(%arg18 : memref<!tpu.dma_semaphore, #tpu.memory_space<semaphore_mem>>) src(%arg13 : memref<125x8x32xf32, #tpu.memory_space<vmem>>) dst(%dma_wait3A_351 : memref<125x8x32xf32, #tpu.memory_space<hbm>>)
      } else {
      }
      %parallel_loop3A = arith.constant 0 : i32
      %parallel_loop3A_59 = arith.constant 125 : i32
      %parallel_loop3A_60 = arith.constant 1 : i32
      scf.for %parallel_loop3A_299 = %parallel_loop3A to %parallel_loop3A_59 step %parallel_loop3A_60  : i32 {
        %parallel_loop3A_300 = arith.constant 8 : i32
        %parallel_loop3A_301 = arith.muli %parallel_loop3A_299, %parallel_loop3A_300 : i32
        %parallel_loop3A_302 = arith.constant 0 : i32
        %parallel_loop3A_303 = arith.addi %parallel_loop3A_301, %parallel_loop3A_302 : i32
        %parallel_loop3A_304 = vector.broadcast %parallel_loop3A_303 : i32 to vector<16xi32>
        %parallel_loop3A_305 = tpu.vector_load_idx %arg11[%iota3A, %parallel_loop3A_304] : memref<16x1000xf32, #tpu.memory_space<vmem>>[vector<16xi32>, vector<16xi32>], vector<16xf32>,
        %parallel_loop3A_306 = arith.constant 0 : i32
        %parallel_loop3A_307 = arith.index_cast %parallel_loop3A_299 : i32 to index
        %parallel_loop3A_308 = arith.index_cast %parallel_loop3A_306 : i32 to index
        %parallel_loop3A_309 = arith.constant 0 : index
        %parallel_loop3A_310 = tpu.vector_load %arg13[%parallel_loop3A_307, %parallel_loop3A_308, %parallel_loop3A_309] {strides = array<i32>} : memref<125x8x32xf32, #tpu.memory_space<vmem>>, vector<16xf32>,
        tpu.vector_store %arg13[%parallel_loop3A_307, %parallel_loop3A_308, %parallel_loop3A_309], %parallel_loop3A_305 {strides = array<i32>} : memref<125x8x32xf32, #tpu.memory_space<vmem>>, vector<16xf32>,
        %parallel_loop3A_311 = arith.constant 8 : i32
        %parallel_loop3A_312 = arith.muli %parallel_loop3A_299, %parallel_loop3A_311 : i32
        %parallel_loop3A_313 = arith.constant 1 : i32
        %parallel_loop3A_314 = arith.addi %parallel_loop3A_312, %parallel_loop3A_313 : i32
        %parallel_loop3A_315 = vector.broadcast %parallel_loop3A_314 : i32 to vector<16xi32>
        %parallel_loop3A_316 = tpu.vector_load_idx %arg11[%iota3A, %parallel_loop3A_315] : memref<16x1000xf32, #tpu.memory_space<vmem>>[vector<16xi32>, vector<16xi32>], vector<16xf32>,
        %parallel_loop3A_317 = arith.constant 1 : i32
        %parallel_loop3A_318 = arith.index_cast %parallel_loop3A_299 : i32 to index
        %parallel_loop3A_319 = arith.index_cast %parallel_loop3A_317 : i32 to index
        %parallel_loop3A_320 = arith.constant 0 : index
        %parallel_loop3A_321 = tpu.vector_load %arg13[%parallel_loop3A_318, %parallel_loop3A_319, %parallel_loop3A_320] {strides = array<i32>} : memref<125x8x32xf32, #tpu.memory_space<vmem>>, vector<16xf32>,
        tpu.vector_store %arg13[%parallel_loop3A_318, %parallel_loop3A_319, %parallel_loop3A_320], %parallel_loop3A_316 {strides = array<i32>} : memref<125x8x32xf32, #tpu.memory_space<vmem>>, vector<16xf32>,
        %parallel_loop3A_322 = arith.constant 8 : i32
        %parallel_loop3A_323 = arith.muli %parallel_loop3A_299, %parallel_loop3A_322 : i32
        %parallel_loop3A_324 = arith.constant 2 : i32
        %parallel_loop3A_325 = arith.addi %parallel_loop3A_323, %parallel_loop3A_324 : i32
        %parallel_loop3A_326 = vector.broadcast %parallel_loop3A_325 : i32 to vector<16xi32>
        %parallel_loop3A_327 = tpu.vector_load_idx %arg11[%iota3A, %parallel_loop3A_326] : memref<16x1000xf32, #tpu.memory_space<vmem>>[vector<16xi32>, vector<16xi32>], vector<16xf32>,
        %parallel_loop3A_328 = arith.constant 2 : i32
        %parallel_loop3A_329 = arith.index_cast %parallel_loop3A_299 : i32 to index
        %parallel_loop3A_330 = arith.index_cast %parallel_loop3A_328 : i32 to index
        %parallel_loop3A_331 = arith.constant 0 : index
        %parallel_loop3A_332 = tpu.vector_load %arg13[%parallel_loop3A_329, %parallel_loop3A_330, %parallel_loop3A_331] {strides = array<i32>} : memref<125x8x32xf32, #tpu.memory_space<vmem>>, vector<16xf32>,
        tpu.vector_store %arg13[%parallel_loop3A_329, %parallel_loop3A_330, %parallel_loop3A_331], %parallel_loop3A_327 {strides = array<i32>} : memref<125x8x32xf32, #tpu.memory_space<vmem>>, vector<16xf32>,
        %parallel_loop3A_333 = arith.constant 8 : i32
        %parallel_loop3A_334 = arith.muli %parallel_loop3A_299, %parallel_loop3A_333 : i32
        %parallel_loop3A_335 = arith.constant 3 : i32
        %parallel_loop3A_336 = arith.addi %parallel_loop3A_334, %parallel_loop3A_335 : i32
        %parallel_loop3A_337 = vector.broadcast %parallel_loop3A_336 : i32 to vector<16xi32>
        %parallel_loop3A_338 = tpu.vector_load_idx %arg11[%iota3A, %parallel_loop3A_337] : memref<16x1000xf32, #tpu.memory_space<vmem>>[vector<16xi32>, vector<16xi32>], vector<16xf32>,
        %parallel_loop3A_339 = arith.constant 3 : i32
        %parallel_loop3A_340 = arith.index_cast %parallel_loop3A_299 : i32 to index
        %parallel_loop3A_341 = arith.index_cast %parallel_loop3A_339 : i32 to index
        %parallel_loop3A_342 = arith.constant 0 : index
        %parallel_loop3A_343 = tpu.vector_load %arg13[%parallel_loop3A_340, %parallel_loop3A_341, %parallel_loop3A_342] {strides = array<i32>} : memref<125x8x32xf32, #tpu.memory_space<vmem>>, vector<16xf32>,
        tpu.vector_store %arg13[%parallel_loop3A_340, %parallel_loop3A_341, %parallel_loop3A_342], %parallel_loop3A_338 {strides = array<i32>} : memref<125x8x32xf32, #tpu.memory_space<vmem>>, vector<16xf32>,
        %parallel_loop3A_344 = arith.constant 8 : i32
        %parallel_loop3A_345 = arith.muli %parallel_loop3A_299, %parallel_loop3A_344 : i32
        %parallel_loop3A_346 = arith.constant 4 : i32
        %parallel_loop3A_347 = arith.addi %parallel_loop3A_345, %parallel_loop3A_346 : i32
        %parallel_loop3A_348 = vector.broadcast %parallel_loop3A_347 : i32 to vector<16xi32>
        %parallel_loop3A_349 = tpu.vector_load_idx %arg11[%iota3A, %parallel_loop3A_348] : memref<16x1000xf32, #tpu.memory_space<vmem>>[vector<16xi32>, vector<16xi32>], vector<16xf32>,
        %parallel_loop3A_350 = arith.constant 4 : i32
        %parallel_loop3A_351 = arith.index_cast %parallel_loop3A_299 : i32 to index
        %parallel_loop3A_352 = arith.index_cast %parallel_loop3A_350 : i32 to index
        %parallel_loop3A_353 = arith.constant 0 : index
        %parallel_loop3A_354 = tpu.vector_load %arg13[%parallel_loop3A_351, %parallel_loop3A_352, %parallel_loop3A_353] {strides = array<i32>} : memref<125x8x32xf32, #tpu.memory_space<vmem>>, vector<16xf32>,
        tpu.vector_store %arg13[%parallel_loop3A_351, %parallel_loop3A_352, %parallel_loop3A_353], %parallel_loop3A_349 {strides = array<i32>} : memref<125x8x32xf32, #tpu.memory_space<vmem>>, vector<16xf32>,
        %parallel_loop3A_355 = arith.constant 8 : i32
        %parallel_loop3A_356 = arith.muli %parallel_loop3A_299, %parallel_loop3A_355 : i32
        %parallel_loop3A_357 = arith.constant 5 : i32
        %parallel_loop3A_358 = arith.addi %parallel_loop3A_356, %parallel_loop3A_357 : i32
        %parallel_loop3A_359 = vector.broadcast %parallel_loop3A_358 : i32 to vector<16xi32>
        %parallel_loop3A_360 = tpu.vector_load_idx %arg11[%iota3A, %parallel_loop3A_359] : memref<16x1000xf32, #tpu.memory_space<vmem>>[vector<16xi32>, vector<16xi32>], vector<16xf32>,
        %parallel_loop3A_361 = arith.constant 5 : i32
        %parallel_loop3A_362 = arith.index_cast %parallel_loop3A_299 : i32 to index
        %parallel_loop3A_363 = arith.index_cast %parallel_loop3A_361 : i32 to index
        %parallel_loop3A_364 = arith.constant 0 : index
        %parallel_loop3A_365 = tpu.vector_load %arg13[%parallel_loop3A_362, %parallel_loop3A_363, %parallel_loop3A_364] {strides = array<i32>} : memref<125x8x32xf32, #tpu.memory_space<vmem>>, vector<16xf32>,
        tpu.vector_store %arg13[%parallel_loop3A_362, %parallel_loop3A_363, %parallel_loop3A_364], %parallel_loop3A_360 {strides = array<i32>} : memref<125x8x32xf32, #tpu.memory_space<vmem>>, vector<16xf32>,
        %parallel_loop3A_366 = arith.constant 8 : i32
        %parallel_loop3A_367 = arith.muli %parallel_loop3A_299, %parallel_loop3A_366 : i32
        %parallel_loop3A_368 = arith.constant 6 : i32
        %parallel_loop3A_369 = arith.addi %parallel_loop3A_367, %parallel_loop3A_368 : i32
        %parallel_loop3A_370 = vector.broadcast %parallel_loop3A_369 : i32 to vector<16xi32>
        %parallel_loop3A_371 = tpu.vector_load_idx %arg11[%iota3A, %parallel_loop3A_370] : memref<16x1000xf32, #tpu.memory_space<vmem>>[vector<16xi32>, vector<16xi32>], vector<16xf32>,
        %parallel_loop3A_372 = arith.constant 6 : i32
        %parallel_loop3A_373 = arith.index_cast %parallel_loop3A_299 : i32 to index
        %parallel_loop3A_374 = arith.index_cast %parallel_loop3A_372 : i32 to index
        %parallel_loop3A_375 = arith.constant 0 : index
        %parallel_loop3A_376 = tpu.vector_load %arg13[%parallel_loop3A_373, %parallel_loop3A_374, %parallel_loop3A_375] {strides = array<i32>} : memref<125x8x32xf32, #tpu.memory_space<vmem>>, vector<16xf32>,
        tpu.vector_store %arg13[%parallel_loop3A_373, %parallel_loop3A_374, %parallel_loop3A_375], %parallel_loop3A_371 {strides = array<i32>} : memref<125x8x32xf32, #tpu.memory_space<vmem>>, vector<16xf32>,
        %parallel_loop3A_377 = arith.constant 8 : i32
        %parallel_loop3A_378 = arith.muli %parallel_loop3A_299, %parallel_loop3A_377 : i32
        %parallel_loop3A_379 = arith.constant 7 : i32
        %parallel_loop3A_380 = arith.addi %parallel_loop3A_378, %parallel_loop3A_379 : i32
        %parallel_loop3A_381 = vector.broadcast %parallel_loop3A_380 : i32 to vector<16xi32>
        %parallel_loop3A_382 = tpu.vector_load_idx %arg11[%iota3A, %parallel_loop3A_381] : memref<16x1000xf32, #tpu.memory_space<vmem>>[vector<16xi32>, vector<16xi32>], vector<16xf32>,
        %parallel_loop3A_383 = arith.constant 7 : i32
        %parallel_loop3A_384 = arith.index_cast %parallel_loop3A_299 : i32 to index
        %parallel_loop3A_385 = arith.index_cast %parallel_loop3A_383 : i32 to index
        %parallel_loop3A_386 = arith.constant 0 : index
        %parallel_loop3A_387 = tpu.vector_load %arg13[%parallel_loop3A_384, %parallel_loop3A_385, %parallel_loop3A_386] {strides = array<i32>} : memref<125x8x32xf32, #tpu.memory_space<vmem>>, vector<16xf32>,
        tpu.vector_store %arg13[%parallel_loop3A_384, %parallel_loop3A_385, %parallel_loop3A_386], %parallel_loop3A_382 {strides = array<i32>} : memref<125x8x32xf32, #tpu.memory_space<vmem>>, vector<16xf32>,
      } {sc.loop_unroll_factor = 8 : i64, sc.parallel_access}
      %mul3A_61 = arith.constant 16 : i32
      %mul3A_62 = arith.muli %add3A_46, %mul3A_61 : i32
      %get3A = arith.index_cast %mul3A_62 : i32 to index
      %get3A_63 = tpu.vector_load %arg9[%get3A] {strides = array<i32>} : memref<6400xi32, #tpu.memory_space<vmem>>, vector<16xi32>,
      %mul3A_64 = arith.constant 16 : i32
      %mul3A_65 = arith.muli %add3A_46, %mul3A_64 : i32
      %get3A_66 = arith.index_cast %mul3A_65 : i32 to index
      %get3A_67 = tpu.vector_load %arg8[%get3A_66] {strides = array<i32>} : memref<6400xi32, #tpu.memory_space<vmem>>, vector<16xi32>,
      %gather3A = tpu.vector_load_idx %arg11[%iota3A, %get3A_63] : memref<16x1000xf32, #tpu.memory_space<vmem>>[vector<16xi32>, vector<16xi32>], vector<16xf32>,
      %gather3A_68 = tpu.vector_load_idx %arg10[%get3A_67] : memref<1000xf32, #tpu.memory_space<vmem>>[vector<16xi32>], vector<16xf32>,
      %get3A_69 = arith.constant 0 : index
      %get3A_70 = tpu.vector_load %arg15[%get3A_69] {strides = array<i32>} : memref<16xf32, #tpu.memory_space<vmem>>, vector<16xf32>,
      %sub3A = arith.subf %gather3A_68, %gather3A : vector<16xf32>
      %add3A_71 = arith.addf %get3A_70, %sub3A : vector<16xf32>
      %swap3A_72 = arith.constant 0 : index
      %swap3A_73 = tpu.vector_load %arg15[%swap3A_72] {strides = array<i32>} : memref<16xf32, #tpu.memory_space<vmem>>, vector<16xf32>,
      tpu.vector_store %arg15[%swap3A_72], %add3A_71 {strides = array<i32>} : memref<16xf32, #tpu.memory_space<vmem>>, vector<16xf32>,
      %add3A_74 = arith.constant 2 : i32
      %add3A_75 = arith.addi %add3A_46, %add3A_74 : i32
      %lt3A = arith.constant 400 : i32
      %lt3A_76 = arith.cmpi slt, %add3A_75, %lt3A : i32
      %convert_element_type3A_77 = arith.extui %lt3A_76 : i1 to i32
      %cond3A_78 = arith.constant 0 : i32
      %cond3A_79 = arith.cmpi ne, %convert_element_type3A_77, %cond3A_78 : i32
      scf.if %cond3A_79 {
        %add3A_299 = arith.constant 2 : i32
        %add3A_300 = arith.addi %add3A_46, %add3A_299 : i32
        %mul3A_301 = arith.constant 16 : i32
        %mul3A_302 = arith.muli %add3A_300, %mul3A_301 : i32
        %dma_start3A_303 = tpu.memref_slice %arg8[%mul3A_302] : memref<6400xi32, #tpu.memory_space<vmem>> -> memref<16xi32, #tpu.memory_space<vmem>>
        %dma_start3A_304 = arith.constant 0 : i32
        %dma_start3A_305 = arith.constant 0 : i32
        %dma_start3A_306 = tpu.memref_slice %arg2[%dma_start3A_304, %dma_start3A_305] : memref<1000x1000xf32, #tpu.memory_space<hbm>> -> memref<1000x1000xf32, #tpu.memory_space<hbm>>
        tpu.enqueue_indirect_dma source(%dma_start3A_306 : memref<1000x1000xf32, #tpu.memory_space<hbm>>) target(%arg11 : memref<16x1000xf32, #tpu.memory_space<vmem>>) offsets(%dma_start3A_303 : memref<16xi32, #tpu.memory_space<vmem>>) semaphore(%arg16 : memref<!tpu.dma_semaphore, #tpu.memory_space<semaphore_mem>>)
      } else {
      }
      %mul3A_80 = arith.constant 4 : i32
      %mul3A_81 = arith.muli %mul3A_80, %scan3A_42 : i32
      %add3A_82 = arith.constant 1 : i32
      %add3A_83 = arith.addi %mul3A_81, %add3A_82 : i32
      %mul3A_84 = arith.constant 2 : i32
      %mul3A_85 = arith.muli %mul3A_84, %scan3A_42 : i32
      %add3A_86 = arith.constant 0 : i32
      %add3A_87 = arith.addi %mul3A_85, %add3A_86 : i32
      %mul3A_88 = arith.constant 16 : i32
      %mul3A_89 = arith.muli %add3A_83, %mul3A_88 : i32
      %dma_wait3A_90 = tpu.memref_slice %arg8[%mul3A_89] : memref<6400xi32, #tpu.memory_space<vmem>> -> memref<16xi32, #tpu.memory_space<vmem>>
      %dma_wait3A_91 = arith.constant 0 : i32
      %dma_wait3A_92 = arith.constant 0 : i32
      %dma_wait3A_93 = tpu.memref_slice %arg2[%dma_wait3A_91, %dma_wait3A_92] : memref<1000x1000xf32, #tpu.memory_space<hbm>> -> memref<1000x1000xf32, #tpu.memory_space<hbm>>
      tpu.wait_indirect_dma semaphore(%arg17 : memref<!tpu.dma_semaphore, #tpu.memory_space<semaphore_mem>>) src(%dma_wait3A_93 : memref<1000x1000xf32, #tpu.memory_space<hbm>>) dst(%arg12 : memref<16x1000xf32, #tpu.memory_space<vmem>>)
      %parallel_loop3A_94 = arith.constant 0 : i32
      %parallel_loop3A_95 = arith.constant 125 : i32
      %parallel_loop3A_96 = arith.constant 1 : i32
      scf.for %parallel_loop3A_299 = %parallel_loop3A_94 to %parallel_loop3A_95 step %parallel_loop3A_96  : i32 {
        %parallel_loop3A_300 = arith.constant 8 : i32
        %parallel_loop3A_301 = arith.muli %parallel_loop3A_299, %parallel_loop3A_300 : i32
        %parallel_loop3A_302 = arith.constant 0 : i32
        %parallel_loop3A_303 = arith.addi %parallel_loop3A_301, %parallel_loop3A_302 : i32
        %parallel_loop3A_304 = vector.broadcast %parallel_loop3A_303 : i32 to vector<16xi32>
        %parallel_loop3A_305 = tpu.vector_load_idx %arg12[%iota3A, %parallel_loop3A_304] : memref<16x1000xf32, #tpu.memory_space<vmem>>[vector<16xi32>, vector<16xi32>], vector<16xf32>,
        %parallel_loop3A_306 = arith.constant 0 : i32
        %parallel_loop3A_307 = arith.index_cast %parallel_loop3A_299 : i32 to index
        %parallel_loop3A_308 = arith.index_cast %parallel_loop3A_306 : i32 to index
        %parallel_loop3A_309 = arith.constant 16 : index
        %parallel_loop3A_310 = tpu.vector_load %arg13[%parallel_loop3A_307, %parallel_loop3A_308, %parallel_loop3A_309] {strides = array<i32>} : memref<125x8x32xf32, #tpu.memory_space<vmem>>, vector<16xf32>,
        tpu.vector_store %arg13[%parallel_loop3A_307, %parallel_loop3A_308, %parallel_loop3A_309], %parallel_loop3A_305 {strides = array<i32>} : memref<125x8x32xf32, #tpu.memory_space<vmem>>, vector<16xf32>,
        %parallel_loop3A_311 = arith.constant 8 : i32
        %parallel_loop3A_312 = arith.muli %parallel_loop3A_299, %parallel_loop3A_311 : i32
        %parallel_loop3A_313 = arith.constant 1 : i32
        %parallel_loop3A_314 = arith.addi %parallel_loop3A_312, %parallel_loop3A_313 : i32
        %parallel_loop3A_315 = vector.broadcast %parallel_loop3A_314 : i32 to vector<16xi32>
        %parallel_loop3A_316 = tpu.vector_load_idx %arg12[%iota3A, %parallel_loop3A_315] : memref<16x1000xf32, #tpu.memory_space<vmem>>[vector<16xi32>, vector<16xi32>], vector<16xf32>,
        %parallel_loop3A_317 = arith.constant 1 : i32
        %parallel_loop3A_318 = arith.index_cast %parallel_loop3A_299 : i32 to index
        %parallel_loop3A_319 = arith.index_cast %parallel_loop3A_317 : i32 to index
        %parallel_loop3A_320 = arith.constant 16 : index
        %parallel_loop3A_321 = tpu.vector_load %arg13[%parallel_loop3A_318, %parallel_loop3A_319, %parallel_loop3A_320] {strides = array<i32>} : memref<125x8x32xf32, #tpu.memory_space<vmem>>, vector<16xf32>,
        tpu.vector_store %arg13[%parallel_loop3A_318, %parallel_loop3A_319, %parallel_loop3A_320], %parallel_loop3A_316 {strides = array<i32>} : memref<125x8x32xf32, #tpu.memory_space<vmem>>, vector<16xf32>,
        %parallel_loop3A_322 = arith.constant 8 : i32
        %parallel_loop3A_323 = arith.muli %parallel_loop3A_299, %parallel_loop3A_322 : i32
        %parallel_loop3A_324 = arith.constant 2 : i32
        %parallel_loop3A_325 = arith.addi %parallel_loop3A_323, %parallel_loop3A_324 : i32
        %parallel_loop3A_326 = vector.broadcast %parallel_loop3A_325 : i32 to vector<16xi32>
        %parallel_loop3A_327 = tpu.vector_load_idx %arg12[%iota3A, %parallel_loop3A_326] : memref<16x1000xf32, #tpu.memory_space<vmem>>[vector<16xi32>, vector<16xi32>], vector<16xf32>,
        %parallel_loop3A_328 = arith.constant 2 : i32
        %parallel_loop3A_329 = arith.index_cast %parallel_loop3A_299 : i32 to index
        %parallel_loop3A_330 = arith.index_cast %parallel_loop3A_328 : i32 to index
        %parallel_loop3A_331 = arith.constant 16 : index
        %parallel_loop3A_332 = tpu.vector_load %arg13[%parallel_loop3A_329, %parallel_loop3A_330, %parallel_loop3A_331] {strides = array<i32>} : memref<125x8x32xf32, #tpu.memory_space<vmem>>, vector<16xf32>,
        tpu.vector_store %arg13[%parallel_loop3A_329, %parallel_loop3A_330, %parallel_loop3A_331], %parallel_loop3A_327 {strides = array<i32>} : memref<125x8x32xf32, #tpu.memory_space<vmem>>, vector<16xf32>,
        %parallel_loop3A_333 = arith.constant 8 : i32
        %parallel_loop3A_334 = arith.muli %parallel_loop3A_299, %parallel_loop3A_333 : i32
        %parallel_loop3A_335 = arith.constant 3 : i32
        %parallel_loop3A_336 = arith.addi %parallel_loop3A_334, %parallel_loop3A_335 : i32
        %parallel_loop3A_337 = vector.broadcast %parallel_loop3A_336 : i32 to vector<16xi32>
        %parallel_loop3A_338 = tpu.vector_load_idx %arg12[%iota3A, %parallel_loop3A_337] : memref<16x1000xf32, #tpu.memory_space<vmem>>[vector<16xi32>, vector<16xi32>], vector<16xf32>,
        %parallel_loop3A_339 = arith.constant 3 : i32
        %parallel_loop3A_340 = arith.index_cast %parallel_loop3A_299 : i32 to index
        %parallel_loop3A_341 = arith.index_cast %parallel_loop3A_339 : i32 to index
        %parallel_loop3A_342 = arith.constant 16 : index
        %parallel_loop3A_343 = tpu.vector_load %arg13[%parallel_loop3A_340, %parallel_loop3A_341, %parallel_loop3A_342] {strides = array<i32>} : memref<125x8x32xf32, #tpu.memory_space<vmem>>, vector<16xf32>,
        tpu.vector_store %arg13[%parallel_loop3A_340, %parallel_loop3A_341, %parallel_loop3A_342], %parallel_loop3A_338 {strides = array<i32>} : memref<125x8x32xf32, #tpu.memory_space<vmem>>, vector<16xf32>,
        %parallel_loop3A_344 = arith.constant 8 : i32
        %parallel_loop3A_345 = arith.muli %parallel_loop3A_299, %parallel_loop3A_344 : i32
        %parallel_loop3A_346 = arith.constant 4 : i32
        %parallel_loop3A_347 = arith.addi %parallel_loop3A_345, %parallel_loop3A_346 : i32
        %parallel_loop3A_348 = vector.broadcast %parallel_loop3A_347 : i32 to vector<16xi32>
        %parallel_loop3A_349 = tpu.vector_load_idx %arg12[%iota3A, %parallel_loop3A_348] : memref<16x1000xf32, #tpu.memory_space<vmem>>[vector<16xi32>, vector<16xi32>], vector<16xf32>,
        %parallel_loop3A_350 = arith.constant 4 : i32
        %parallel_loop3A_351 = arith.index_cast %parallel_loop3A_299 : i32 to index
        %parallel_loop3A_352 = arith.index_cast %parallel_loop3A_350 : i32 to index
        %parallel_loop3A_353 = arith.constant 16 : index
        %parallel_loop3A_354 = tpu.vector_load %arg13[%parallel_loop3A_351, %parallel_loop3A_352, %parallel_loop3A_353] {strides = array<i32>} : memref<125x8x32xf32, #tpu.memory_space<vmem>>, vector<16xf32>,
        tpu.vector_store %arg13[%parallel_loop3A_351, %parallel_loop3A_352, %parallel_loop3A_353], %parallel_loop3A_349 {strides = array<i32>} : memref<125x8x32xf32, #tpu.memory_space<vmem>>, vector<16xf32>,
        %parallel_loop3A_355 = arith.constant 8 : i32
        %parallel_loop3A_356 = arith.muli %parallel_loop3A_299, %parallel_loop3A_355 : i32
        %parallel_loop3A_357 = arith.constant 5 : i32
        %parallel_loop3A_358 = arith.addi %parallel_loop3A_356, %parallel_loop3A_357 : i32
        %parallel_loop3A_359 = vector.broadcast %parallel_loop3A_358 : i32 to vector<16xi32>
        %parallel_loop3A_360 = tpu.vector_load_idx %arg12[%iota3A, %parallel_loop3A_359] : memref<16x1000xf32, #tpu.memory_space<vmem>>[vector<16xi32>, vector<16xi32>], vector<16xf32>,
        %parallel_loop3A_361 = arith.constant 5 : i32
        %parallel_loop3A_362 = arith.index_cast %parallel_loop3A_299 : i32 to index
        %parallel_loop3A_363 = arith.index_cast %parallel_loop3A_361 : i32 to index
        %parallel_loop3A_364 = arith.constant 16 : index
        %parallel_loop3A_365 = tpu.vector_load %arg13[%parallel_loop3A_362, %parallel_loop3A_363, %parallel_loop3A_364] {strides = array<i32>} : memref<125x8x32xf32, #tpu.memory_space<vmem>>, vector<16xf32>,
        tpu.vector_store %arg13[%parallel_loop3A_362, %parallel_loop3A_363, %parallel_loop3A_364], %parallel_loop3A_360 {strides = array<i32>} : memref<125x8x32xf32, #tpu.memory_space<vmem>>, vector<16xf32>,
        %parallel_loop3A_366 = arith.constant 8 : i32
        %parallel_loop3A_367 = arith.muli %parallel_loop3A_299, %parallel_loop3A_366 : i32
        %parallel_loop3A_368 = arith.constant 6 : i32
        %parallel_loop3A_369 = arith.addi %parallel_loop3A_367, %parallel_loop3A_368 : i32
        %parallel_loop3A_370 = vector.broadcast %parallel_loop3A_369 : i32 to vector<16xi32>
        %parallel_loop3A_371 = tpu.vector_load_idx %arg12[%iota3A, %parallel_loop3A_370] : memref<16x1000xf32, #tpu.memory_space<vmem>>[vector<16xi32>, vector<16xi32>], vector<16xf32>,
        %parallel_loop3A_372 = arith.constant 6 : i32
        %parallel_loop3A_373 = arith.index_cast %parallel_loop3A_299 : i32 to index
        %parallel_loop3A_374 = arith.index_cast %parallel_loop3A_372 : i32 to index
        %parallel_loop3A_375 = arith.constant 16 : index
        %parallel_loop3A_376 = tpu.vector_load %arg13[%parallel_loop3A_373, %parallel_loop3A_374, %parallel_loop3A_375] {strides = array<i32>} : memref<125x8x32xf32, #tpu.memory_space<vmem>>, vector<16xf32>,
        tpu.vector_store %arg13[%parallel_loop3A_373, %parallel_loop3A_374, %parallel_loop3A_375], %parallel_loop3A_371 {strides = array<i32>} : memref<125x8x32xf32, #tpu.memory_space<vmem>>, vector<16xf32>,
        %parallel_loop3A_377 = arith.constant 8 : i32
        %parallel_loop3A_378 = arith.muli %parallel_loop3A_299, %parallel_loop3A_377 : i32
        %parallel_loop3A_379 = arith.constant 7 : i32
        %parallel_loop3A_380 = arith.addi %parallel_loop3A_378, %parallel_loop3A_379 : i32
        %parallel_loop3A_381 = vector.broadcast %parallel_loop3A_380 : i32 to vector<16xi32>
        %parallel_loop3A_382 = tpu.vector_load_idx %arg12[%iota3A, %parallel_loop3A_381] : memref<16x1000xf32, #tpu.memory_space<vmem>>[vector<16xi32>, vector<16xi32>], vector<16xf32>,
        %parallel_loop3A_383 = arith.constant 7 : i32
        %parallel_loop3A_384 = arith.index_cast %parallel_loop3A_299 : i32 to index
        %parallel_loop3A_385 = arith.index_cast %parallel_loop3A_383 : i32 to index
        %parallel_loop3A_386 = arith.constant 16 : index
        %parallel_loop3A_387 = tpu.vector_load %arg13[%parallel_loop3A_384, %parallel_loop3A_385, %parallel_loop3A_386] {strides = array<i32>} : memref<125x8x32xf32, #tpu.memory_space<vmem>>, vector<16xf32>,
        tpu.vector_store %arg13[%parallel_loop3A_384, %parallel_loop3A_385, %parallel_loop3A_386], %parallel_loop3A_382 {strides = array<i32>} : memref<125x8x32xf32, #tpu.memory_space<vmem>>, vector<16xf32>,
      } {sc.loop_unroll_factor = 8 : i64, sc.parallel_access}
      %jit3A = arith.constant 4 : i32
      %div3A = arith.divsi %add3A_87, %jit3A : i32
      %sign3A = arith.constant 0 : i32
      %sign3A_97 = arith.cmpi sgt, %add3A_87, %sign3A : i32
      %sign3A_98 = arith.extui %sign3A_97 : i1 to i32
      %sign3A_99 = arith.constant 0 : i32
      %sign3A_100 = arith.cmpi slt, %add3A_87, %sign3A_99 : i32
      %sign3A_101 = arith.extui %sign3A_100 : i1 to i32
      %sign3A_102 = arith.subi %sign3A_98, %sign3A_101 : i32
      %sign3A_103 = arith.constant 0 : i32
      %sign3A_104 = arith.cmpi sgt, %jit3A, %sign3A_103 : i32
      %sign3A_105 = arith.extui %sign3A_104 : i1 to i32
      %sign3A_106 = arith.constant 0 : i32
      %sign3A_107 = arith.cmpi slt, %jit3A, %sign3A_106 : i32
      %sign3A_108 = arith.extui %sign3A_107 : i1 to i32
      %sign3A_109 = arith.subi %sign3A_105, %sign3A_108 : i32
      %ne3A = arith.cmpi ne, %sign3A_102, %sign3A_109 : i32
      %rem3A = arith.remsi %add3A_87, %jit3A : i32
      %ne3A_110 = arith.constant 0 : i32
      %ne3A_111 = arith.cmpi ne, %rem3A, %ne3A_110 : i32
      %and3A = arith.andi %ne3A, %ne3A_111 : i1
      %sub3A_112 = arith.constant 1 : i32
      %sub3A_113 = arith.subi %div3A, %sub3A_112 : i32
      %select_n3A = arith.select %and3A, %sub3A_113, %div3A : i32
      %add3A_114 = arith.addi %mul3A_2, %select_n3A : i32
      %jit3A_115 = arith.constant 4 : i32
      %eq3A = arith.constant 0 : i32
      %eq3A_116 = arith.cmpi eq, %jit3A_115, %eq3A : i32
      %jit3A_117 = arith.constant 1 : i32
      %select_n3A_118 = arith.select %eq3A_116, %jit3A_117, %jit3A_115 : i32
      %rem3A_119 = arith.remsi %add3A_87, %select_n3A_118 : i32
      %ne3A_120 = arith.constant 0 : i32
      %ne3A_121 = arith.cmpi ne, %rem3A_119, %ne3A_120 : i32
      %lt3A_122 = arith.constant 0 : i32
      %lt3A_123 = arith.cmpi slt, %rem3A_119, %lt3A_122 : i32
      %lt3A_124 = arith.constant 0 : i32
      %lt3A_125 = arith.cmpi slt, %select_n3A_118, %lt3A_124 : i32
      %ne3A_126 = arith.xori %lt3A_123, %lt3A_125 : i1
      %and3A_127 = arith.andi %ne3A_126, %ne3A_121 : i1
      %add3A_128 = arith.addi %rem3A_119, %select_n3A_118 : i32
      %select_n3A_129 = arith.select %and3A_127, %add3A_128, %rem3A_119 : i32
      %mul3A_130 = arith.constant 32 : i32
      %mul3A_131 = arith.muli %select_n3A_129, %mul3A_130 : i32
      %dma_start3A_132 = arith.constant 0 : i32
      %dma_start3A_133 = arith.constant 0 : i32
      %dma_start3A_134 = tpu.memref_slice %arg6[%dma_start3A_132, %add3A_114, %dma_start3A_133, %mul3A_131] : memref<125x1600x8x128xf32, #tpu.memory_space<hbm>> -> memref<125x1x8x32xf32, #tpu.memory_space<hbm>>
      %dma_start3A_135 = tpu.memref_squeeze %dma_start3A_134 : memref<125x1x8x32xf32, #tpu.memory_space<hbm>> -> memref<125x8x32xf32, #tpu.memory_space<hbm>>
      %dma_start3A_136 = arith.constant 0 : i32
      %dma_start3A_137 = arith.constant 0 : i32
      %dma_start3A_138 = tpu.memref_slice %arg6[%dma_start3A_136, %add3A_114, %dma_start3A_137, %mul3A_131] : memref<125x1600x8x128xf32, #tpu.memory_space<hbm>> -> memref<125x1x8x32xf32, #tpu.memory_space<hbm>>
      %dma_start3A_139 = tpu.memref_squeeze %dma_start3A_138 : memref<125x1x8x32xf32, #tpu.memory_space<hbm>> -> memref<125x8x32xf32, #tpu.memory_space<hbm>>
      tpu.enqueue_dma source(%arg13 : memref<125x8x32xf32, #tpu.memory_space<vmem>>) target(%dma_start3A_139 : memref<125x8x32xf32, #tpu.memory_space<hbm>>) target_semaphore(%arg18 : memref<!tpu.dma_semaphore, #tpu.memory_space<semaphore_mem>>)
      %mul3A_140 = arith.constant 16 : i32
      %mul3A_141 = arith.muli %add3A_83, %mul3A_140 : i32
      %get3A_142 = arith.index_cast %mul3A_141 : i32 to index
      %get3A_143 = tpu.vector_load %arg9[%get3A_142] {strides = array<i32>} : memref<6400xi32, #tpu.memory_space<vmem>>, vector<16xi32>,
      %mul3A_144 = arith.constant 16 : i32
      %mul3A_145 = arith.muli %add3A_83, %mul3A_144 : i32
      %get3A_146 = arith.index_cast %mul3A_145 : i32 to index
      %get3A_147 = tpu.vector_load %arg8[%get3A_146] {strides = array<i32>} : memref<6400xi32, #tpu.memory_space<vmem>>, vector<16xi32>,
      %gather3A_148 = tpu.vector_load_idx %arg12[%iota3A, %get3A_143] : memref<16x1000xf32, #tpu.memory_space<vmem>>[vector<16xi32>, vector<16xi32>], vector<16xf32>,
      %gather3A_149 = tpu.vector_load_idx %arg10[%get3A_147] : memref<1000xf32, #tpu.memory_space<vmem>>[vector<16xi32>], vector<16xf32>,
      %get3A_150 = arith.constant 0 : index
      %get3A_151 = tpu.vector_load %arg15[%get3A_150] {strides = array<i32>} : memref<16xf32, #tpu.memory_space<vmem>>, vector<16xf32>,
      %sub3A_152 = arith.subf %gather3A_149, %gather3A_148 : vector<16xf32>
      %add3A_153 = arith.addf %get3A_151, %sub3A_152 : vector<16xf32>
      %swap3A_154 = arith.constant 0 : index
      %swap3A_155 = tpu.vector_load %arg15[%swap3A_154] {strides = array<i32>} : memref<16xf32, #tpu.memory_space<vmem>>, vector<16xf32>,
      tpu.vector_store %arg15[%swap3A_154], %add3A_153 {strides = array<i32>} : memref<16xf32, #tpu.memory_space<vmem>>, vector<16xf32>,
      %add3A_156 = arith.constant 2 : i32
      %add3A_157 = arith.addi %add3A_83, %add3A_156 : i32
      %lt3A_158 = arith.constant 400 : i32
      %lt3A_159 = arith.cmpi slt, %add3A_157, %lt3A_158 : i32
      %convert_element_type3A_160 = arith.extui %lt3A_159 : i1 to i32
      %cond3A_161 = arith.constant 0 : i32
      %cond3A_162 = arith.cmpi ne, %convert_element_type3A_160, %cond3A_161 : i32
      scf.if %cond3A_162 {
        %add3A_299 = arith.constant 2 : i32
        %add3A_300 = arith.addi %add3A_83, %add3A_299 : i32
        %mul3A_301 = arith.constant 16 : i32
        %mul3A_302 = arith.muli %add3A_300, %mul3A_301 : i32
        %dma_start3A_303 = tpu.memref_slice %arg8[%mul3A_302] : memref<6400xi32, #tpu.memory_space<vmem>> -> memref<16xi32, #tpu.memory_space<vmem>>
        %dma_start3A_304 = arith.constant 0 : i32
        %dma_start3A_305 = arith.constant 0 : i32
        %dma_start3A_306 = tpu.memref_slice %arg2[%dma_start3A_304, %dma_start3A_305] : memref<1000x1000xf32, #tpu.memory_space<hbm>> -> memref<1000x1000xf32, #tpu.memory_space<hbm>>
        tpu.enqueue_indirect_dma source(%dma_start3A_306 : memref<1000x1000xf32, #tpu.memory_space<hbm>>) target(%arg12 : memref<16x1000xf32, #tpu.memory_space<vmem>>) offsets(%dma_start3A_303 : memref<16xi32, #tpu.memory_space<vmem>>) semaphore(%arg17 : memref<!tpu.dma_semaphore, #tpu.memory_space<semaphore_mem>>)
      } else {
      }
      %mul3A_163 = arith.constant 4 : i32
      %mul3A_164 = arith.muli %mul3A_163, %scan3A_42 : i32
      %add3A_165 = arith.constant 2 : i32
      %add3A_166 = arith.addi %mul3A_164, %add3A_165 : i32
      %mul3A_167 = arith.constant 2 : i32
      %mul3A_168 = arith.muli %mul3A_167, %scan3A_42 : i32
      %add3A_169 = arith.constant 1 : i32
      %add3A_170 = arith.addi %mul3A_168, %add3A_169 : i32
      %mul3A_171 = arith.constant 16 : i32
      %mul3A_172 = arith.muli %add3A_166, %mul3A_171 : i32
      %dma_wait3A_173 = tpu.memref_slice %arg8[%mul3A_172] : memref<6400xi32, #tpu.memory_space<vmem>> -> memref<16xi32, #tpu.memory_space<vmem>>
      %dma_wait3A_174 = arith.constant 0 : i32
      %dma_wait3A_175 = arith.constant 0 : i32
      %dma_wait3A_176 = tpu.memref_slice %arg2[%dma_wait3A_174, %dma_wait3A_175] : memref<1000x1000xf32, #tpu.memory_space<hbm>> -> memref<1000x1000xf32, #tpu.memory_space<hbm>>
      tpu.wait_indirect_dma semaphore(%arg16 : memref<!tpu.dma_semaphore, #tpu.memory_space<semaphore_mem>>) src(%dma_wait3A_176 : memref<1000x1000xf32, #tpu.memory_space<hbm>>) dst(%arg11 : memref<16x1000xf32, #tpu.memory_space<vmem>>)
      %ge3A_177 = arith.constant 2 : i32
      %ge3A_178 = arith.cmpi sge, %add3A_170, %ge3A_177 : i32
      %convert_element_type3A_179 = arith.extui %ge3A_178 : i1 to i32
      %cond3A_180 = arith.constant 0 : i32
      %cond3A_181 = arith.cmpi ne, %convert_element_type3A_179, %cond3A_180 : i32
      scf.if %cond3A_181 {
        %sub3A_299 = arith.constant 2 : i32
        %sub3A_300 = arith.subi %add3A_170, %sub3A_299 : i32
        %jit3A_301 = arith.constant 4 : i32
        %div3A_302 = arith.divsi %sub3A_300, %jit3A_301 : i32
        %sign3A_303 = arith.constant 0 : i32
        %sign3A_304 = arith.cmpi sgt, %sub3A_300, %sign3A_303 : i32
        %sign3A_305 = arith.extui %sign3A_304 : i1 to i32
        %sign3A_306 = arith.constant 0 : i32
        %sign3A_307 = arith.cmpi slt, %sub3A_300, %sign3A_306 : i32
        %sign3A_308 = arith.extui %sign3A_307 : i1 to i32
        %sign3A_309 = arith.subi %sign3A_305, %sign3A_308 : i32
        %sign3A_310 = arith.constant 0 : i32
        %sign3A_311 = arith.cmpi sgt, %jit3A_301, %sign3A_310 : i32
        %sign3A_312 = arith.extui %sign3A_311 : i1 to i32
        %sign3A_313 = arith.constant 0 : i32
        %sign3A_314 = arith.cmpi slt, %jit3A_301, %sign3A_313 : i32
        %sign3A_315 = arith.extui %sign3A_314 : i1 to i32
        %sign3A_316 = arith.subi %sign3A_312, %sign3A_315 : i32
        %ne3A_317 = arith.cmpi ne, %sign3A_309, %sign3A_316 : i32
        %rem3A_318 = arith.remsi %sub3A_300, %jit3A_301 : i32
        %ne3A_319 = arith.constant 0 : i32
        %ne3A_320 = arith.cmpi ne, %rem3A_318, %ne3A_319 : i32
        %and3A_321 = arith.andi %ne3A_317, %ne3A_320 : i1
        %sub3A_322 = arith.constant 1 : i32
        %sub3A_323 = arith.subi %div3A_302, %sub3A_322 : i32
        %select_n3A_324 = arith.select %and3A_321, %sub3A_323, %div3A_302 : i32
        %add3A_325 = arith.addi %mul3A_2, %select_n3A_324 : i32
        %jit3A_326 = arith.constant 4 : i32
        %eq3A_327 = arith.constant 0 : i32
        %eq3A_328 = arith.cmpi eq, %jit3A_326, %eq3A_327 : i32
        %jit3A_329 = arith.constant 1 : i32
        %select_n3A_330 = arith.select %eq3A_328, %jit3A_329, %jit3A_326 : i32
        %rem3A_331 = arith.remsi %sub3A_300, %select_n3A_330 : i32
        %ne3A_332 = arith.constant 0 : i32
        %ne3A_333 = arith.cmpi ne, %rem3A_331, %ne3A_332 : i32
        %lt3A_334 = arith.constant 0 : i32
        %lt3A_335 = arith.cmpi slt, %rem3A_331, %lt3A_334 : i32
        %lt3A_336 = arith.constant 0 : i32
        %lt3A_337 = arith.cmpi slt, %select_n3A_330, %lt3A_336 : i32
        %ne3A_338 = arith.xori %lt3A_335, %lt3A_337 : i1
        %and3A_339 = arith.andi %ne3A_338, %ne3A_333 : i1
        %add3A_340 = arith.addi %rem3A_331, %select_n3A_330 : i32
        %select_n3A_341 = arith.select %and3A_339, %add3A_340, %rem3A_331 : i32
        %mul3A_342 = arith.constant 32 : i32
        %mul3A_343 = arith.muli %select_n3A_341, %mul3A_342 : i32
        %dma_wait3A_344 = arith.constant 0 : i32
        %dma_wait3A_345 = arith.constant 0 : i32
        %dma_wait3A_346 = tpu.memref_slice %arg6[%dma_wait3A_344, %add3A_325, %dma_wait3A_345, %mul3A_343] : memref<125x1600x8x128xf32, #tpu.memory_space<hbm>> -> memref<125x1x8x32xf32, #tpu.memory_space<hbm>>
        %dma_wait3A_347 = tpu.memref_squeeze %dma_wait3A_346 : memref<125x1x8x32xf32, #tpu.memory_space<hbm>> -> memref<125x8x32xf32, #tpu.memory_space<hbm>>
        %dma_wait3A_348 = arith.constant 0 : i32
        %dma_wait3A_349 = arith.constant 0 : i32
        %dma_wait3A_350 = tpu.memref_slice %arg6[%dma_wait3A_348, %add3A_325, %dma_wait3A_349, %mul3A_343] : memref<125x1600x8x128xf32, #tpu.memory_space<hbm>> -> memref<125x1x8x32xf32, #tpu.memory_space<hbm>>
        %dma_wait3A_351 = tpu.memref_squeeze %dma_wait3A_350 : memref<125x1x8x32xf32, #tpu.memory_space<hbm>> -> memref<125x8x32xf32, #tpu.memory_space<hbm>>
        tpu.wait_dma2 semaphore(%arg19 : memref<!tpu.dma_semaphore, #tpu.memory_space<semaphore_mem>>) src(%arg14 : memref<125x8x32xf32, #tpu.memory_space<vmem>>) dst(%dma_wait3A_351 : memref<125x8x32xf32, #tpu.memory_space<hbm>>)
      } else {
      }
      %parallel_loop3A_182 = arith.constant 0 : i32
      %parallel_loop3A_183 = arith.constant 125 : i32
      %parallel_loop3A_184 = arith.constant 1 : i32
      scf.for %parallel_loop3A_299 = %parallel_loop3A_182 to %parallel_loop3A_183 step %parallel_loop3A_184  : i32 {
        %parallel_loop3A_300 = arith.constant 8 : i32
        %parallel_loop3A_301 = arith.muli %parallel_loop3A_299, %parallel_loop3A_300 : i32
        %parallel_loop3A_302 = arith.constant 0 : i32
        %parallel_loop3A_303 = arith.addi %parallel_loop3A_301, %parallel_loop3A_302 : i32
        %parallel_loop3A_304 = vector.broadcast %parallel_loop3A_303 : i32 to vector<16xi32>
        %parallel_loop3A_305 = tpu.vector_load_idx %arg11[%iota3A, %parallel_loop3A_304] : memref<16x1000xf32, #tpu.memory_space<vmem>>[vector<16xi32>, vector<16xi32>], vector<16xf32>,
        %parallel_loop3A_306 = arith.constant 0 : i32
        %parallel_loop3A_307 = arith.index_cast %parallel_loop3A_299 : i32 to index
        %parallel_loop3A_308 = arith.index_cast %parallel_loop3A_306 : i32 to index
        %parallel_loop3A_309 = arith.constant 0 : index
        %parallel_loop3A_310 = tpu.vector_load %arg14[%parallel_loop3A_307, %parallel_loop3A_308, %parallel_loop3A_309] {strides = array<i32>} : memref<125x8x32xf32, #tpu.memory_space<vmem>>, vector<16xf32>,
        tpu.vector_store %arg14[%parallel_loop3A_307, %parallel_loop3A_308, %parallel_loop3A_309], %parallel_loop3A_305 {strides = array<i32>} : memref<125x8x32xf32, #tpu.memory_space<vmem>>, vector<16xf32>,
        %parallel_loop3A_311 = arith.constant 8 : i32
        %parallel_loop3A_312 = arith.muli %parallel_loop3A_299, %parallel_loop3A_311 : i32
        %parallel_loop3A_313 = arith.constant 1 : i32
        %parallel_loop3A_314 = arith.addi %parallel_loop3A_312, %parallel_loop3A_313 : i32
        %parallel_loop3A_315 = vector.broadcast %parallel_loop3A_314 : i32 to vector<16xi32>
        %parallel_loop3A_316 = tpu.vector_load_idx %arg11[%iota3A, %parallel_loop3A_315] : memref<16x1000xf32, #tpu.memory_space<vmem>>[vector<16xi32>, vector<16xi32>], vector<16xf32>,
        %parallel_loop3A_317 = arith.constant 1 : i32
        %parallel_loop3A_318 = arith.index_cast %parallel_loop3A_299 : i32 to index
        %parallel_loop3A_319 = arith.index_cast %parallel_loop3A_317 : i32 to index
        %parallel_loop3A_320 = arith.constant 0 : index
        %parallel_loop3A_321 = tpu.vector_load %arg14[%parallel_loop3A_318, %parallel_loop3A_319, %parallel_loop3A_320] {strides = array<i32>} : memref<125x8x32xf32, #tpu.memory_space<vmem>>, vector<16xf32>,
        tpu.vector_store %arg14[%parallel_loop3A_318, %parallel_loop3A_319, %parallel_loop3A_320], %parallel_loop3A_316 {strides = array<i32>} : memref<125x8x32xf32, #tpu.memory_space<vmem>>, vector<16xf32>,
        %parallel_loop3A_322 = arith.constant 8 : i32
        %parallel_loop3A_323 = arith.muli %parallel_loop3A_299, %parallel_loop3A_322 : i32
        %parallel_loop3A_324 = arith.constant 2 : i32
        %parallel_loop3A_325 = arith.addi %parallel_loop3A_323, %parallel_loop3A_324 : i32
        %parallel_loop3A_326 = vector.broadcast %parallel_loop3A_325 : i32 to vector<16xi32>
        %parallel_loop3A_327 = tpu.vector_load_idx %arg11[%iota3A, %parallel_loop3A_326] : memref<16x1000xf32, #tpu.memory_space<vmem>>[vector<16xi32>, vector<16xi32>], vector<16xf32>,
        %parallel_loop3A_328 = arith.constant 2 : i32
        %parallel_loop3A_329 = arith.index_cast %parallel_loop3A_299 : i32 to index
        %parallel_loop3A_330 = arith.index_cast %parallel_loop3A_328 : i32 to index
        %parallel_loop3A_331 = arith.constant 0 : index
        %parallel_loop3A_332 = tpu.vector_load %arg14[%parallel_loop3A_329, %parallel_loop3A_330, %parallel_loop3A_331] {strides = array<i32>} : memref<125x8x32xf32, #tpu.memory_space<vmem>>, vector<16xf32>,
        tpu.vector_store %arg14[%parallel_loop3A_329, %parallel_loop3A_330, %parallel_loop3A_331], %parallel_loop3A_327 {strides = array<i32>} : memref<125x8x32xf32, #tpu.memory_space<vmem>>, vector<16xf32>,
        %parallel_loop3A_333 = arith.constant 8 : i32
        %parallel_loop3A_334 = arith.muli %parallel_loop3A_299, %parallel_loop3A_333 : i32
        %parallel_loop3A_335 = arith.constant 3 : i32
        %parallel_loop3A_336 = arith.addi %parallel_loop3A_334, %parallel_loop3A_335 : i32
        %parallel_loop3A_337 = vector.broadcast %parallel_loop3A_336 : i32 to vector<16xi32>
        %parallel_loop3A_338 = tpu.vector_load_idx %arg11[%iota3A, %parallel_loop3A_337] : memref<16x1000xf32, #tpu.memory_space<vmem>>[vector<16xi32>, vector<16xi32>], vector<16xf32>,
        %parallel_loop3A_339 = arith.constant 3 : i32
        %parallel_loop3A_340 = arith.index_cast %parallel_loop3A_299 : i32 to index
        %parallel_loop3A_341 = arith.index_cast %parallel_loop3A_339 : i32 to index
        %parallel_loop3A_342 = arith.constant 0 : index
        %parallel_loop3A_343 = tpu.vector_load %arg14[%parallel_loop3A_340, %parallel_loop3A_341, %parallel_loop3A_342] {strides = array<i32>} : memref<125x8x32xf32, #tpu.memory_space<vmem>>, vector<16xf32>,
        tpu.vector_store %arg14[%parallel_loop3A_340, %parallel_loop3A_341, %parallel_loop3A_342], %parallel_loop3A_338 {strides = array<i32>} : memref<125x8x32xf32, #tpu.memory_space<vmem>>, vector<16xf32>,
        %parallel_loop3A_344 = arith.constant 8 : i32
        %parallel_loop3A_345 = arith.muli %parallel_loop3A_299, %parallel_loop3A_344 : i32
        %parallel_loop3A_346 = arith.constant 4 : i32
        %parallel_loop3A_347 = arith.addi %parallel_loop3A_345, %parallel_loop3A_346 : i32
        %parallel_loop3A_348 = vector.broadcast %parallel_loop3A_347 : i32 to vector<16xi32>
        %parallel_loop3A_349 = tpu.vector_load_idx %arg11[%iota3A, %parallel_loop3A_348] : memref<16x1000xf32, #tpu.memory_space<vmem>>[vector<16xi32>, vector<16xi32>], vector<16xf32>,
        %parallel_loop3A_350 = arith.constant 4 : i32
        %parallel_loop3A_351 = arith.index_cast %parallel_loop3A_299 : i32 to index
        %parallel_loop3A_352 = arith.index_cast %parallel_loop3A_350 : i32 to index
        %parallel_loop3A_353 = arith.constant 0 : index
        %parallel_loop3A_354 = tpu.vector_load %arg14[%parallel_loop3A_351, %parallel_loop3A_352, %parallel_loop3A_353] {strides = array<i32>} : memref<125x8x32xf32, #tpu.memory_space<vmem>>, vector<16xf32>,
        tpu.vector_store %arg14[%parallel_loop3A_351, %parallel_loop3A_352, %parallel_loop3A_353], %parallel_loop3A_349 {strides = array<i32>} : memref<125x8x32xf32, #tpu.memory_space<vmem>>, vector<16xf32>,
        %parallel_loop3A_355 = arith.constant 8 : i32
        %parallel_loop3A_356 = arith.muli %parallel_loop3A_299, %parallel_loop3A_355 : i32
        %parallel_loop3A_357 = arith.constant 5 : i32
        %parallel_loop3A_358 = arith.addi %parallel_loop3A_356, %parallel_loop3A_357 : i32
        %parallel_loop3A_359 = vector.broadcast %parallel_loop3A_358 : i32 to vector<16xi32>
        %parallel_loop3A_360 = tpu.vector_load_idx %arg11[%iota3A, %parallel_loop3A_359] : memref<16x1000xf32, #tpu.memory_space<vmem>>[vector<16xi32>, vector<16xi32>], vector<16xf32>,
        %parallel_loop3A_361 = arith.constant 5 : i32
        %parallel_loop3A_362 = arith.index_cast %parallel_loop3A_299 : i32 to index
        %parallel_loop3A_363 = arith.index_cast %parallel_loop3A_361 : i32 to index
        %parallel_loop3A_364 = arith.constant 0 : index
        %parallel_loop3A_365 = tpu.vector_load %arg14[%parallel_loop3A_362, %parallel_loop3A_363, %parallel_loop3A_364] {strides = array<i32>} : memref<125x8x32xf32, #tpu.memory_space<vmem>>, vector<16xf32>,
        tpu.vector_store %arg14[%parallel_loop3A_362, %parallel_loop3A_363, %parallel_loop3A_364], %parallel_loop3A_360 {strides = array<i32>} : memref<125x8x32xf32, #tpu.memory_space<vmem>>, vector<16xf32>,
        %parallel_loop3A_366 = arith.constant 8 : i32
        %parallel_loop3A_367 = arith.muli %parallel_loop3A_299, %parallel_loop3A_366 : i32
        %parallel_loop3A_368 = arith.constant 6 : i32
        %parallel_loop3A_369 = arith.addi %parallel_loop3A_367, %parallel_loop3A_368 : i32
        %parallel_loop3A_370 = vector.broadcast %parallel_loop3A_369 : i32 to vector<16xi32>
        %parallel_loop3A_371 = tpu.vector_load_idx %arg11[%iota3A, %parallel_loop3A_370] : memref<16x1000xf32, #tpu.memory_space<vmem>>[vector<16xi32>, vector<16xi32>], vector<16xf32>,
        %parallel_loop3A_372 = arith.constant 6 : i32
        %parallel_loop3A_373 = arith.index_cast %parallel_loop3A_299 : i32 to index
        %parallel_loop3A_374 = arith.index_cast %parallel_loop3A_372 : i32 to index
        %parallel_loop3A_375 = arith.constant 0 : index
        %parallel_loop3A_376 = tpu.vector_load %arg14[%parallel_loop3A_373, %parallel_loop3A_374, %parallel_loop3A_375] {strides = array<i32>} : memref<125x8x32xf32, #tpu.memory_space<vmem>>, vector<16xf32>,
        tpu.vector_store %arg14[%parallel_loop3A_373, %parallel_loop3A_374, %parallel_loop3A_375], %parallel_loop3A_371 {strides = array<i32>} : memref<125x8x32xf32, #tpu.memory_space<vmem>>, vector<16xf32>,
        %parallel_loop3A_377 = arith.constant 8 : i32
        %parallel_loop3A_378 = arith.muli %parallel_loop3A_299, %parallel_loop3A_377 : i32
        %parallel_loop3A_379 = arith.constant 7 : i32
        %parallel_loop3A_380 = arith.addi %parallel_loop3A_378, %parallel_loop3A_379 : i32
        %parallel_loop3A_381 = vector.broadcast %parallel_loop3A_380 : i32 to vector<16xi32>
        %parallel_loop3A_382 = tpu.vector_load_idx %arg11[%iota3A, %parallel_loop3A_381] : memref<16x1000xf32, #tpu.memory_space<vmem>>[vector<16xi32>, vector<16xi32>], vector<16xf32>,
        %parallel_loop3A_383 = arith.constant 7 : i32
        %parallel_loop3A_384 = arith.index_cast %parallel_loop3A_299 : i32 to index
        %parallel_loop3A_385 = arith.index_cast %parallel_loop3A_383 : i32 to index
        %parallel_loop3A_386 = arith.constant 0 : index
        %parallel_loop3A_387 = tpu.vector_load %arg14[%parallel_loop3A_384, %parallel_loop3A_385, %parallel_loop3A_386] {strides = array<i32>} : memref<125x8x32xf32, #tpu.memory_space<vmem>>, vector<16xf32>,
        tpu.vector_store %arg14[%parallel_loop3A_384, %parallel_loop3A_385, %parallel_loop3A_386], %parallel_loop3A_382 {strides = array<i32>} : memref<125x8x32xf32, #tpu.memory_space<vmem>>, vector<16xf32>,
      } {sc.loop_unroll_factor = 8 : i64, sc.parallel_access}
      %mul3A_185 = arith.constant 16 : i32
      %mul3A_186 = arith.muli %add3A_166, %mul3A_185 : i32
      %get3A_187 = arith.index_cast %mul3A_186 : i32 to index
      %get3A_188 = tpu.vector_load %arg9[%get3A_187] {strides = array<i32>} : memref<6400xi32, #tpu.memory_space<vmem>>, vector<16xi32>,
      %mul3A_189 = arith.constant 16 : i32
      %mul3A_190 = arith.muli %add3A_166, %mul3A_189 : i32
      %get3A_191 = arith.index_cast %mul3A_190 : i32 to index
      %get3A_192 = tpu.vector_load %arg8[%get3A_191] {strides = array<i32>} : memref<6400xi32, #tpu.memory_space<vmem>>, vector<16xi32>,
      %gather3A_193 = tpu.vector_load_idx %arg11[%iota3A, %get3A_188] : memref<16x1000xf32, #tpu.memory_space<vmem>>[vector<16xi32>, vector<16xi32>], vector<16xf32>,
      %gather3A_194 = tpu.vector_load_idx %arg10[%get3A_192] : memref<1000xf32, #tpu.memory_space<vmem>>[vector<16xi32>], vector<16xf32>,
      %get3A_195 = arith.constant 0 : index
      %get3A_196 = tpu.vector_load %arg15[%get3A_195] {strides = array<i32>} : memref<16xf32, #tpu.memory_space<vmem>>, vector<16xf32>,
      %sub3A_197 = arith.subf %gather3A_194, %gather3A_193 : vector<16xf32>
      %add3A_198 = arith.addf %get3A_196, %sub3A_197 : vector<16xf32>
      %swap3A_199 = arith.constant 0 : index
      %swap3A_200 = tpu.vector_load %arg15[%swap3A_199] {strides = array<i32>} : memref<16xf32, #tpu.memory_space<vmem>>, vector<16xf32>,
      tpu.vector_store %arg15[%swap3A_199], %add3A_198 {strides = array<i32>} : memref<16xf32, #tpu.memory_space<vmem>>, vector<16xf32>,
      %add3A_201 = arith.constant 2 : i32
      %add3A_202 = arith.addi %add3A_166, %add3A_201 : i32
      %lt3A_203 = arith.constant 400 : i32
      %lt3A_204 = arith.cmpi slt, %add3A_202, %lt3A_203 : i32
      %convert_element_type3A_205 = arith.extui %lt3A_204 : i1 to i32
      %cond3A_206 = arith.constant 0 : i32
      %cond3A_207 = arith.cmpi ne, %convert_element_type3A_205, %cond3A_206 : i32
      scf.if %cond3A_207 {
        %add3A_299 = arith.constant 2 : i32
        %add3A_300 = arith.addi %add3A_166, %add3A_299 : i32
        %mul3A_301 = arith.constant 16 : i32
        %mul3A_302 = arith.muli %add3A_300, %mul3A_301 : i32
        %dma_start3A_303 = tpu.memref_slice %arg8[%mul3A_302] : memref<6400xi32, #tpu.memory_space<vmem>> -> memref<16xi32, #tpu.memory_space<vmem>>
        %dma_start3A_304 = arith.constant 0 : i32
        %dma_start3A_305 = arith.constant 0 : i32
        %dma_start3A_306 = tpu.memref_slice %arg2[%dma_start3A_304, %dma_start3A_305] : memref<1000x1000xf32, #tpu.memory_space<hbm>> -> memref<1000x1000xf32, #tpu.memory_space<hbm>>
        tpu.enqueue_indirect_dma source(%dma_start3A_306 : memref<1000x1000xf32, #tpu.memory_space<hbm>>) target(%arg11 : memref<16x1000xf32, #tpu.memory_space<vmem>>) offsets(%dma_start3A_303 : memref<16xi32, #tpu.memory_space<vmem>>) semaphore(%arg16 : memref<!tpu.dma_semaphore, #tpu.memory_space<semaphore_mem>>)
      } else {
      }
      %mul3A_208 = arith.constant 4 : i32
      %mul3A_209 = arith.muli %mul3A_208, %scan3A_42 : i32
      %add3A_210 = arith.constant 3 : i32
      %add3A_211 = arith.addi %mul3A_209, %add3A_210 : i32
      %mul3A_212 = arith.constant 2 : i32
      %mul3A_213 = arith.muli %mul3A_212, %scan3A_42 : i32
      %add3A_214 = arith.constant 1 : i32
      %add3A_215 = arith.addi %mul3A_213, %add3A_214 : i32
      %mul3A_216 = arith.constant 16 : i32
      %mul3A_217 = arith.muli %add3A_211, %mul3A_216 : i32
      %dma_wait3A_218 = tpu.memref_slice %arg8[%mul3A_217] : memref<6400xi32, #tpu.memory_space<vmem>> -> memref<16xi32, #tpu.memory_space<vmem>>
      %dma_wait3A_219 = arith.constant 0 : i32
      %dma_wait3A_220 = arith.constant 0 : i32
      %dma_wait3A_221 = tpu.memref_slice %arg2[%dma_wait3A_219, %dma_wait3A_220] : memref<1000x1000xf32, #tpu.memory_space<hbm>> -> memref<1000x1000xf32, #tpu.memory_space<hbm>>
      tpu.wait_indirect_dma semaphore(%arg17 : memref<!tpu.dma_semaphore, #tpu.memory_space<semaphore_mem>>) src(%dma_wait3A_221 : memref<1000x1000xf32, #tpu.memory_space<hbm>>) dst(%arg12 : memref<16x1000xf32, #tpu.memory_space<vmem>>)
      %parallel_loop3A_222 = arith.constant 0 : i32
      %parallel_loop3A_223 = arith.constant 125 : i32
      %parallel_loop3A_224 = arith.constant 1 : i32
      scf.for %parallel_loop3A_299 = %parallel_loop3A_222 to %parallel_loop3A_223 step %parallel_loop3A_224  : i32 {
        %parallel_loop3A_300 = arith.constant 8 : i32
        %parallel_loop3A_301 = arith.muli %parallel_loop3A_299, %parallel_loop3A_300 : i32
        %parallel_loop3A_302 = arith.constant 0 : i32
        %parallel_loop3A_303 = arith.addi %parallel_loop3A_301, %parallel_loop3A_302 : i32
        %parallel_loop3A_304 = vector.broadcast %parallel_loop3A_303 : i32 to vector<16xi32>
        %parallel_loop3A_305 = tpu.vector_load_idx %arg12[%iota3A, %parallel_loop3A_304] : memref<16x1000xf32, #tpu.memory_space<vmem>>[vector<16xi32>, vector<16xi32>], vector<16xf32>,
        %parallel_loop3A_306 = arith.constant 0 : i32
        %parallel_loop3A_307 = arith.index_cast %parallel_loop3A_299 : i32 to index
        %parallel_loop3A_308 = arith.index_cast %parallel_loop3A_306 : i32 to index
        %parallel_loop3A_309 = arith.constant 16 : index
        %parallel_loop3A_310 = tpu.vector_load %arg14[%parallel_loop3A_307, %parallel_loop3A_308, %parallel_loop3A_309] {strides = array<i32>} : memref<125x8x32xf32, #tpu.memory_space<vmem>>, vector<16xf32>,
        tpu.vector_store %arg14[%parallel_loop3A_307, %parallel_loop3A_308, %parallel_loop3A_309], %parallel_loop3A_305 {strides = array<i32>} : memref<125x8x32xf32, #tpu.memory_space<vmem>>, vector<16xf32>,
        %parallel_loop3A_311 = arith.constant 8 : i32
        %parallel_loop3A_312 = arith.muli %parallel_loop3A_299, %parallel_loop3A_311 : i32
        %parallel_loop3A_313 = arith.constant 1 : i32
        %parallel_loop3A_314 = arith.addi %parallel_loop3A_312, %parallel_loop3A_313 : i32
        %parallel_loop3A_315 = vector.broadcast %parallel_loop3A_314 : i32 to vector<16xi32>
        %parallel_loop3A_316 = tpu.vector_load_idx %arg12[%iota3A, %parallel_loop3A_315] : memref<16x1000xf32, #tpu.memory_space<vmem>>[vector<16xi32>, vector<16xi32>], vector<16xf32>,
        %parallel_loop3A_317 = arith.constant 1 : i32
        %parallel_loop3A_318 = arith.index_cast %parallel_loop3A_299 : i32 to index
        %parallel_loop3A_319 = arith.index_cast %parallel_loop3A_317 : i32 to index
        %parallel_loop3A_320 = arith.constant 16 : index
        %parallel_loop3A_321 = tpu.vector_load %arg14[%parallel_loop3A_318, %parallel_loop3A_319, %parallel_loop3A_320] {strides = array<i32>} : memref<125x8x32xf32, #tpu.memory_space<vmem>>, vector<16xf32>,
        tpu.vector_store %arg14[%parallel_loop3A_318, %parallel_loop3A_319, %parallel_loop3A_320], %parallel_loop3A_316 {strides = array<i32>} : memref<125x8x32xf32, #tpu.memory_space<vmem>>, vector<16xf32>,
        %parallel_loop3A_322 = arith.constant 8 : i32
        %parallel_loop3A_323 = arith.muli %parallel_loop3A_299, %parallel_loop3A_322 : i32
        %parallel_loop3A_324 = arith.constant 2 : i32
        %parallel_loop3A_325 = arith.addi %parallel_loop3A_323, %parallel_loop3A_324 : i32
        %parallel_loop3A_326 = vector.broadcast %parallel_loop3A_325 : i32 to vector<16xi32>
        %parallel_loop3A_327 = tpu.vector_load_idx %arg12[%iota3A, %parallel_loop3A_326] : memref<16x1000xf32, #tpu.memory_space<vmem>>[vector<16xi32>, vector<16xi32>], vector<16xf32>,
        %parallel_loop3A_328 = arith.constant 2 : i32
        %parallel_loop3A_329 = arith.index_cast %parallel_loop3A_299 : i32 to index
        %parallel_loop3A_330 = arith.index_cast %parallel_loop3A_328 : i32 to index
        %parallel_loop3A_331 = arith.constant 16 : index
        %parallel_loop3A_332 = tpu.vector_load %arg14[%parallel_loop3A_329, %parallel_loop3A_330, %parallel_loop3A_331] {strides = array<i32>} : memref<125x8x32xf32, #tpu.memory_space<vmem>>, vector<16xf32>,
        tpu.vector_store %arg14[%parallel_loop3A_329, %parallel_loop3A_330, %parallel_loop3A_331], %parallel_loop3A_327 {strides = array<i32>} : memref<125x8x32xf32, #tpu.memory_space<vmem>>, vector<16xf32>,
        %parallel_loop3A_333 = arith.constant 8 : i32
        %parallel_loop3A_334 = arith.muli %parallel_loop3A_299, %parallel_loop3A_333 : i32
        %parallel_loop3A_335 = arith.constant 3 : i32
        %parallel_loop3A_336 = arith.addi %parallel_loop3A_334, %parallel_loop3A_335 : i32
        %parallel_loop3A_337 = vector.broadcast %parallel_loop3A_336 : i32 to vector<16xi32>
        %parallel_loop3A_338 = tpu.vector_load_idx %arg12[%iota3A, %parallel_loop3A_337] : memref<16x1000xf32, #tpu.memory_space<vmem>>[vector<16xi32>, vector<16xi32>], vector<16xf32>,
        %parallel_loop3A_339 = arith.constant 3 : i32
        %parallel_loop3A_340 = arith.index_cast %parallel_loop3A_299 : i32 to index
        %parallel_loop3A_341 = arith.index_cast %parallel_loop3A_339 : i32 to index
        %parallel_loop3A_342 = arith.constant 16 : index
        %parallel_loop3A_343 = tpu.vector_load %arg14[%parallel_loop3A_340, %parallel_loop3A_341, %parallel_loop3A_342] {strides = array<i32>} : memref<125x8x32xf32, #tpu.memory_space<vmem>>, vector<16xf32>,
        tpu.vector_store %arg14[%parallel_loop3A_340, %parallel_loop3A_341, %parallel_loop3A_342], %parallel_loop3A_338 {strides = array<i32>} : memref<125x8x32xf32, #tpu.memory_space<vmem>>, vector<16xf32>,
        %parallel_loop3A_344 = arith.constant 8 : i32
        %parallel_loop3A_345 = arith.muli %parallel_loop3A_299, %parallel_loop3A_344 : i32
        %parallel_loop3A_346 = arith.constant 4 : i32
        %parallel_loop3A_347 = arith.addi %parallel_loop3A_345, %parallel_loop3A_346 : i32
        %parallel_loop3A_348 = vector.broadcast %parallel_loop3A_347 : i32 to vector<16xi32>
        %parallel_loop3A_349 = tpu.vector_load_idx %arg12[%iota3A, %parallel_loop3A_348] : memref<16x1000xf32, #tpu.memory_space<vmem>>[vector<16xi32>, vector<16xi32>], vector<16xf32>,
        %parallel_loop3A_350 = arith.constant 4 : i32
        %parallel_loop3A_351 = arith.index_cast %parallel_loop3A_299 : i32 to index
        %parallel_loop3A_352 = arith.index_cast %parallel_loop3A_350 : i32 to index
        %parallel_loop3A_353 = arith.constant 16 : index
        %parallel_loop3A_354 = tpu.vector_load %arg14[%parallel_loop3A_351, %parallel_loop3A_352, %parallel_loop3A_353] {strides = array<i32>} : memref<125x8x32xf32, #tpu.memory_space<vmem>>, vector<16xf32>,
        tpu.vector_store %arg14[%parallel_loop3A_351, %parallel_loop3A_352, %parallel_loop3A_353], %parallel_loop3A_349 {strides = array<i32>} : memref<125x8x32xf32, #tpu.memory_space<vmem>>, vector<16xf32>,
        %parallel_loop3A_355 = arith.constant 8 : i32
        %parallel_loop3A_356 = arith.muli %parallel_loop3A_299, %parallel_loop3A_355 : i32
        %parallel_loop3A_357 = arith.constant 5 : i32
        %parallel_loop3A_358 = arith.addi %parallel_loop3A_356, %parallel_loop3A_357 : i32
        %parallel_loop3A_359 = vector.broadcast %parallel_loop3A_358 : i32 to vector<16xi32>
        %parallel_loop3A_360 = tpu.vector_load_idx %arg12[%iota3A, %parallel_loop3A_359] : memref<16x1000xf32, #tpu.memory_space<vmem>>[vector<16xi32>, vector<16xi32>], vector<16xf32>,
        %parallel_loop3A_361 = arith.constant 5 : i32
        %parallel_loop3A_362 = arith.index_cast %parallel_loop3A_299 : i32 to index
        %parallel_loop3A_363 = arith.index_cast %parallel_loop3A_361 : i32 to index
        %parallel_loop3A_364 = arith.constant 16 : index
        %parallel_loop3A_365 = tpu.vector_load %arg14[%parallel_loop3A_362, %parallel_loop3A_363, %parallel_loop3A_364] {strides = array<i32>} : memref<125x8x32xf32, #tpu.memory_space<vmem>>, vector<16xf32>,
        tpu.vector_store %arg14[%parallel_loop3A_362, %parallel_loop3A_363, %parallel_loop3A_364], %parallel_loop3A_360 {strides = array<i32>} : memref<125x8x32xf32, #tpu.memory_space<vmem>>, vector<16xf32>,
        %parallel_loop3A_366 = arith.constant 8 : i32
        %parallel_loop3A_367 = arith.muli %parallel_loop3A_299, %parallel_loop3A_366 : i32
        %parallel_loop3A_368 = arith.constant 6 : i32
        %parallel_loop3A_369 = arith.addi %parallel_loop3A_367, %parallel_loop3A_368 : i32
        %parallel_loop3A_370 = vector.broadcast %parallel_loop3A_369 : i32 to vector<16xi32>
        %parallel_loop3A_371 = tpu.vector_load_idx %arg12[%iota3A, %parallel_loop3A_370] : memref<16x1000xf32, #tpu.memory_space<vmem>>[vector<16xi32>, vector<16xi32>], vector<16xf32>,
        %parallel_loop3A_372 = arith.constant 6 : i32
        %parallel_loop3A_373 = arith.index_cast %parallel_loop3A_299 : i32 to index
        %parallel_loop3A_374 = arith.index_cast %parallel_loop3A_372 : i32 to index
        %parallel_loop3A_375 = arith.constant 16 : index
        %parallel_loop3A_376 = tpu.vector_load %arg14[%parallel_loop3A_373, %parallel_loop3A_374, %parallel_loop3A_375] {strides = array<i32>} : memref<125x8x32xf32, #tpu.memory_space<vmem>>, vector<16xf32>,
        tpu.vector_store %arg14[%parallel_loop3A_373, %parallel_loop3A_374, %parallel_loop3A_375], %parallel_loop3A_371 {strides = array<i32>} : memref<125x8x32xf32, #tpu.memory_space<vmem>>, vector<16xf32>,
        %parallel_loop3A_377 = arith.constant 8 : i32
        %parallel_loop3A_378 = arith.muli %parallel_loop3A_299, %parallel_loop3A_377 : i32
        %parallel_loop3A_379 = arith.constant 7 : i32
        %parallel_loop3A_380 = arith.addi %parallel_loop3A_378, %parallel_loop3A_379 : i32
        %parallel_loop3A_381 = vector.broadcast %parallel_loop3A_380 : i32 to vector<16xi32>
        %parallel_loop3A_382 = tpu.vector_load_idx %arg12[%iota3A, %parallel_loop3A_381] : memref<16x1000xf32, #tpu.memory_space<vmem>>[vector<16xi32>, vector<16xi32>], vector<16xf32>,
        %parallel_loop3A_383 = arith.constant 7 : i32
        %parallel_loop3A_384 = arith.index_cast %parallel_loop3A_299 : i32 to index
        %parallel_loop3A_385 = arith.index_cast %parallel_loop3A_383 : i32 to index
        %parallel_loop3A_386 = arith.constant 16 : index
        %parallel_loop3A_387 = tpu.vector_load %arg14[%parallel_loop3A_384, %parallel_loop3A_385, %parallel_loop3A_386] {strides = array<i32>} : memref<125x8x32xf32, #tpu.memory_space<vmem>>, vector<16xf32>,
        tpu.vector_store %arg14[%parallel_loop3A_384, %parallel_loop3A_385, %parallel_loop3A_386], %parallel_loop3A_382 {strides = array<i32>} : memref<125x8x32xf32, #tpu.memory_space<vmem>>, vector<16xf32>,
      } {sc.loop_unroll_factor = 8 : i64, sc.parallel_access}
      %jit3A_225 = arith.constant 4 : i32
      %div3A_226 = arith.divsi %add3A_215, %jit3A_225 : i32
      %sign3A_227 = arith.constant 0 : i32
      %sign3A_228 = arith.cmpi sgt, %add3A_215, %sign3A_227 : i32
      %sign3A_229 = arith.extui %sign3A_228 : i1 to i32
      %sign3A_230 = arith.constant 0 : i32
      %sign3A_231 = arith.cmpi slt, %add3A_215, %sign3A_230 : i32
      %sign3A_232 = arith.extui %sign3A_231 : i1 to i32
      %sign3A_233 = arith.subi %sign3A_229, %sign3A_232 : i32
      %sign3A_234 = arith.constant 0 : i32
      %sign3A_235 = arith.cmpi sgt, %jit3A_225, %sign3A_234 : i32
      %sign3A_236 = arith.extui %sign3A_235 : i1 to i32
      %sign3A_237 = arith.constant 0 : i32
      %sign3A_238 = arith.cmpi slt, %jit3A_225, %sign3A_237 : i32
      %sign3A_239 = arith.extui %sign3A_238 : i1 to i32
      %sign3A_240 = arith.subi %sign3A_236, %sign3A_239 : i32
      %ne3A_241 = arith.cmpi ne, %sign3A_233, %sign3A_240 : i32
      %rem3A_242 = arith.remsi %add3A_215, %jit3A_225 : i32
      %ne3A_243 = arith.constant 0 : i32
      %ne3A_244 = arith.cmpi ne, %rem3A_242, %ne3A_243 : i32
      %and3A_245 = arith.andi %ne3A_241, %ne3A_244 : i1
      %sub3A_246 = arith.constant 1 : i32
      %sub3A_247 = arith.subi %div3A_226, %sub3A_246 : i32
      %select_n3A_248 = arith.select %and3A_245, %sub3A_247, %div3A_226 : i32
      %add3A_249 = arith.addi %mul3A_2, %select_n3A_248 : i32
      %jit3A_250 = arith.constant 4 : i32
      %eq3A_251 = arith.constant 0 : i32
      %eq3A_252 = arith.cmpi eq, %jit3A_250, %eq3A_251 : i32
      %jit3A_253 = arith.constant 1 : i32
      %select_n3A_254 = arith.select %eq3A_252, %jit3A_253, %jit3A_250 : i32
      %rem3A_255 = arith.remsi %add3A_215, %select_n3A_254 : i32
      %ne3A_256 = arith.constant 0 : i32
      %ne3A_257 = arith.cmpi ne, %rem3A_255, %ne3A_256 : i32
      %lt3A_258 = arith.constant 0 : i32
      %lt3A_259 = arith.cmpi slt, %rem3A_255, %lt3A_258 : i32
      %lt3A_260 = arith.constant 0 : i32
      %lt3A_261 = arith.cmpi slt, %select_n3A_254, %lt3A_260 : i32
      %ne3A_262 = arith.xori %lt3A_259, %lt3A_261 : i1
      %and3A_263 = arith.andi %ne3A_262, %ne3A_257 : i1
      %add3A_264 = arith.addi %rem3A_255, %select_n3A_254 : i32
      %select_n3A_265 = arith.select %and3A_263, %add3A_264, %rem3A_255 : i32
      %mul3A_266 = arith.constant 32 : i32
      %mul3A_267 = arith.muli %select_n3A_265, %mul3A_266 : i32
      %dma_start3A_268 = arith.constant 0 : i32
      %dma_start3A_269 = arith.constant 0 : i32
      %dma_start3A_270 = tpu.memref_slice %arg6[%dma_start3A_268, %add3A_249, %dma_start3A_269, %mul3A_267] : memref<125x1600x8x128xf32, #tpu.memory_space<hbm>> -> memref<125x1x8x32xf32, #tpu.memory_space<hbm>>
      %dma_start3A_271 = tpu.memref_squeeze %dma_start3A_270 : memref<125x1x8x32xf32, #tpu.memory_space<hbm>> -> memref<125x8x32xf32, #tpu.memory_space<hbm>>
      %dma_start3A_272 = arith.constant 0 : i32
      %dma_start3A_273 = arith.constant 0 : i32
      %dma_start3A_274 = tpu.memref_slice %arg6[%dma_start3A_272, %add3A_249, %dma_start3A_273, %mul3A_267] : memref<125x1600x8x128xf32, #tpu.memory_space<hbm>> -> memref<125x1x8x32xf32, #tpu.memory_space<hbm>>
      %dma_start3A_275 = tpu.memref_squeeze %dma_start3A_274 : memref<125x1x8x32xf32, #tpu.memory_space<hbm>> -> memref<125x8x32xf32, #tpu.memory_space<hbm>>
      tpu.enqueue_dma source(%arg14 : memref<125x8x32xf32, #tpu.memory_space<vmem>>) target(%dma_start3A_275 : memref<125x8x32xf32, #tpu.memory_space<hbm>>) target_semaphore(%arg19 : memref<!tpu.dma_semaphore, #tpu.memory_space<semaphore_mem>>)
      %mul3A_276 = arith.constant 16 : i32
      %mul3A_277 = arith.muli %add3A_211, %mul3A_276 : i32
      %get3A_278 = arith.index_cast %mul3A_277 : i32 to index
      %get3A_279 = tpu.vector_load %arg9[%get3A_278] {strides = array<i32>} : memref<6400xi32, #tpu.memory_space<vmem>>, vector<16xi32>,
      %mul3A_280 = arith.constant 16 : i32
      %mul3A_281 = arith.muli %add3A_211, %mul3A_280 : i32
      %get3A_282 = arith.index_cast %mul3A_281 : i32 to index
      %get3A_283 = tpu.vector_load %arg8[%get3A_282] {strides = array<i32>} : memref<6400xi32, #tpu.memory_space<vmem>>, vector<16xi32>,
      %gather3A_284 = tpu.vector_load_idx %arg12[%iota3A, %get3A_279] : memref<16x1000xf32, #tpu.memory_space<vmem>>[vector<16xi32>, vector<16xi32>], vector<16xf32>,
      %gather3A_285 = tpu.vector_load_idx %arg10[%get3A_283] : memref<1000xf32, #tpu.memory_space<vmem>>[vector<16xi32>], vector<16xf32>,
      %get3A_286 = arith.constant 0 : index
      %get3A_287 = tpu.vector_load %arg15[%get3A_286] {strides = array<i32>} : memref<16xf32, #tpu.memory_space<vmem>>, vector<16xf32>,
      %sub3A_288 = arith.subf %gather3A_285, %gather3A_284 : vector<16xf32>
      %add3A_289 = arith.addf %get3A_287, %sub3A_288 : vector<16xf32>
      %swap3A_290 = arith.constant 0 : index
      %swap3A_291 = tpu.vector_load %arg15[%swap3A_290] {strides = array<i32>} : memref<16xf32, #tpu.memory_space<vmem>>, vector<16xf32>,
      tpu.vector_store %arg15[%swap3A_290], %add3A_289 {strides = array<i32>} : memref<16xf32, #tpu.memory_space<vmem>>, vector<16xf32>,
      %add3A_292 = arith.constant 2 : i32
      %add3A_293 = arith.addi %add3A_211, %add3A_292 : i32
      %lt3A_294 = arith.constant 400 : i32
      %lt3A_295 = arith.cmpi slt, %add3A_293, %lt3A_294 : i32
      %convert_element_type3A_296 = arith.extui %lt3A_295 : i1 to i32
      %cond3A_297 = arith.constant 0 : i32
      %cond3A_298 = arith.cmpi ne, %convert_element_type3A_296, %cond3A_297 : i32
      scf.if %cond3A_298 {
        %add3A_299 = arith.constant 2 : i32
        %add3A_300 = arith.addi %add3A_211, %add3A_299 : i32
        %mul3A_301 = arith.constant 16 : i32
        %mul3A_302 = arith.muli %add3A_300, %mul3A_301 : i32
        %dma_start3A_303 = tpu.memref_slice %arg8[%mul3A_302] : memref<6400xi32, #tpu.memory_space<vmem>> -> memref<16xi32, #tpu.memory_space<vmem>>
        %dma_start3A_304 = arith.constant 0 : i32
        %dma_start3A_305 = arith.constant 0 : i32
        %dma_start3A_306 = tpu.memref_slice %arg2[%dma_start3A_304, %dma_start3A_305] : memref<1000x1000xf32, #tpu.memory_space<hbm>> -> memref<1000x1000xf32, #tpu.memory_space<hbm>>
        tpu.enqueue_indirect_dma source(%dma_start3A_306 : memref<1000x1000xf32, #tpu.memory_space<hbm>>) target(%arg12 : memref<16x1000xf32, #tpu.memory_space<vmem>>) offsets(%dma_start3A_303 : memref<16xi32, #tpu.memory_space<vmem>>) semaphore(%arg17 : memref<!tpu.dma_semaphore, #tpu.memory_space<semaphore_mem>>)
      } else {
      }
    }
    %scan3A_18 = arith.constant 100 : i32
    %add3A_19 = arith.constant 49 : i32
    %add3A_20 = arith.addi %mul3A_2, %add3A_19 : i32
    %dma_wait3A = arith.constant 0 : i32
    %dma_wait3A_21 = arith.constant 0 : i32
    %dma_wait3A_22 = arith.constant 64 : i32
    %dma_wait3A_23 = tpu.memref_slice %arg6[%dma_wait3A, %add3A_20, %dma_wait3A_21, %dma_wait3A_22] : memref<125x1600x8x128xf32, #tpu.memory_space<hbm>> -> memref<125x1x8x32xf32, #tpu.memory_space<hbm>>
    %dma_wait3A_24 = tpu.memref_squeeze %dma_wait3A_23 : memref<125x1x8x32xf32, #tpu.memory_space<hbm>> -> memref<125x8x32xf32, #tpu.memory_space<hbm>>
    %dma_wait3A_25 = arith.constant 0 : i32
    %dma_wait3A_26 = arith.constant 0 : i32
    %dma_wait3A_27 = arith.constant 64 : i32
    %dma_wait3A_28 = tpu.memref_slice %arg6[%dma_wait3A_25, %add3A_20, %dma_wait3A_26, %dma_wait3A_27] : memref<125x1600x8x128xf32, #tpu.memory_space<hbm>> -> memref<125x1x8x32xf32, #tpu.memory_space<hbm>>
    %dma_wait3A_29 = tpu.memref_squeeze %dma_wait3A_28 : memref<125x1x8x32xf32, #tpu.memory_space<hbm>> -> memref<125x8x32xf32, #tpu.memory_space<hbm>>
    tpu.wait_dma2 semaphore(%arg18 : memref<!tpu.dma_semaphore, #tpu.memory_space<semaphore_mem>>) src(%arg13 : memref<125x8x32xf32, #tpu.memory_space<vmem>>) dst(%dma_wait3A_29 : memref<125x8x32xf32, #tpu.memory_space<hbm>>)
    %add3A_30 = arith.constant 49 : i32
    %add3A_31 = arith.addi %mul3A_2, %add3A_30 : i32
    %dma_wait3A_32 = arith.constant 0 : i32
    %dma_wait3A_33 = arith.constant 0 : i32
    %dma_wait3A_34 = arith.constant 96 : i32
    %dma_wait3A_35 = tpu.memref_slice %arg6[%dma_wait3A_32, %add3A_31, %dma_wait3A_33, %dma_wait3A_34] : memref<125x1600x8x128xf32, #tpu.memory_space<hbm>> -> memref<125x1x8x32xf32, #tpu.memory_space<hbm>>
    %dma_wait3A_36 = tpu.memref_squeeze %dma_wait3A_35 : memref<125x1x8x32xf32, #tpu.memory_space<hbm>> -> memref<125x8x32xf32, #tpu.memory_space<hbm>>
    %dma_wait3A_37 = arith.constant 0 : i32
    %dma_wait3A_38 = arith.constant 0 : i32
    %dma_wait3A_39 = arith.constant 96 : i32
    %dma_wait3A_40 = tpu.memref_slice %arg6[%dma_wait3A_37, %add3A_31, %dma_wait3A_38, %dma_wait3A_39] : memref<125x1600x8x128xf32, #tpu.memory_space<hbm>> -> memref<125x1x8x32xf32, #tpu.memory_space<hbm>>
    %dma_wait3A_41 = tpu.memref_squeeze %dma_wait3A_40 : memref<125x1x8x32xf32, #tpu.memory_space<hbm>> -> memref<125x8x32xf32, #tpu.memory_space<hbm>>
    tpu.wait_dma2 semaphore(%arg19 : memref<!tpu.dma_semaphore, #tpu.memory_space<semaphore_mem>>) src(%arg14 : memref<125x8x32xf32, #tpu.memory_space<vmem>>) dst(%dma_wait3A_41 : memref<125x8x32xf32, #tpu.memory_space<hbm>>)
    "tpu.region"() ({
      %run_scoped3A = tpu.sem_alloc : memref<!tpu.dma_semaphore, #tpu.memory_space<semaphore_mem>>
      %dma_start3A_42 = arith.constant 0 : i32
      %dma_start3A_43 = tpu.memref_slice %arg7[%add3A, %dma_start3A_42] : memref<32x16xf32, #tpu.memory_space<hbm>> -> memref<1x16xf32, #tpu.memory_space<hbm>>
      %dma_start3A_44 = tpu.memref_squeeze %dma_start3A_43 : memref<1x16xf32, #tpu.memory_space<hbm>> -> memref<16xf32, #tpu.memory_space<hbm>>
      %dma_start3A_45 = arith.constant 0 : i32
      %dma_start3A_46 = tpu.memref_slice %arg7[%add3A, %dma_start3A_45] : memref<32x16xf32, #tpu.memory_space<hbm>> -> memref<1x16xf32, #tpu.memory_space<hbm>>
      %dma_start3A_47 = tpu.memref_squeeze %dma_start3A_46 : memref<1x16xf32, #tpu.memory_space<hbm>> -> memref<16xf32, #tpu.memory_space<hbm>>
      tpu.enqueue_dma source(%arg15 : memref<16xf32, #tpu.memory_space<vmem>>) target(%dma_start3A_47 : memref<16xf32, #tpu.memory_space<hbm>>) target_semaphore(%run_scoped3A : memref<!tpu.dma_semaphore, #tpu.memory_space<semaphore_mem>>)
      %dma_wait3A_48 = arith.constant 0 : i32
      %dma_wait3A_49 = tpu.memref_slice %arg7[%add3A, %dma_wait3A_48] : memref<32x16xf32, #tpu.memory_space<hbm>> -> memref<1x16xf32, #tpu.memory_space<hbm>>
      %dma_wait3A_50 = tpu.memref_squeeze %dma_wait3A_49 : memref<1x16xf32, #tpu.memory_space<hbm>> -> memref<16xf32, #tpu.memory_space<hbm>>
      %dma_wait3A_51 = arith.constant 0 : i32
      %dma_wait3A_52 = tpu.memref_slice %arg7[%add3A, %dma_wait3A_51] : memref<32x16xf32, #tpu.memory_space<hbm>> -> memref<1x16xf32, #tpu.memory_space<hbm>>
      %dma_wait3A_53 = tpu.memref_squeeze %dma_wait3A_52 : memref<1x16xf32, #tpu.memory_space<hbm>> -> memref<16xf32, #tpu.memory_space<hbm>>
      tpu.wait_dma2 semaphore(%run_scoped3A : memref<!tpu.dma_semaphore, #tpu.memory_space<semaphore_mem>>) src(%arg15 : memref<16xf32, #tpu.memory_space<vmem>>) dst(%dma_wait3A_53 : memref<16xf32, #tpu.memory_space<hbm>>)
      tpu.yield
    }) : () -> ()
    return
  }
}

module attributes {stable_mosaic.version = 14 : i64} {
  func.func @body(%arg0: memref<1000x1000xf32, #tpu.memory_space<vmem>>, %arg1: memref<1000x1xf32, #tpu.memory_space<vmem>>) attributes {dimension_semantics = [], scalar_prefetch = 0 : i64, scratch_operands = 0 : i64, tpu.core_type = #tpu.core_type<tc>} {
    %get3A = arith.constant 0 : index
    %get3A_0 = arith.constant 0 : index
    %get3A_1 = vector.load %arg0[%get3A, %get3A_0] : memref<1000x1000xf32, #tpu.memory_space<vmem>>, vector<1000x1000xf32>
    %reduce_max3A = arith.constant dense<0xFF800000> : vector<1000xf32>
    %reduce_max3A_2 = vector.multi_reduction <maximumf>, %get3A_1, %reduce_max3A [1] : vector<1000x1000xf32> to vector<1000xf32>
    %broadcast_in_dim3A = vector.shape_cast %reduce_max3A_2 : vector<1000xf32> to vector<1000x1xf32>
    %sub3A = vector.broadcast %broadcast_in_dim3A : vector<1000x1xf32> to vector<1000x1000xf32>
    %sub3A_3 = arith.subf %get3A_1, %sub3A : vector<1000x1000xf32>
    %exp3A = math.exp %sub3A_3 : vector<1000x1000xf32>
    %reduce_sum3A = arith.constant dense<0.000000e+00> : vector<1000xf32>
    %reduce_sum3A_4 = vector.multi_reduction <add>, %exp3A, %reduce_sum3A [1] : vector<1000x1000xf32> to vector<1000xf32>
    %broadcast_in_dim3A_5 = vector.shape_cast %reduce_sum3A_4 : vector<1000xf32> to vector<1000x1xf32>
    %log3A = math.log %broadcast_in_dim3A_5 : vector<1000x1xf32>
    %add3A = arith.addf %broadcast_in_dim3A, %log3A : vector<1000x1xf32>
    %swap3A = arith.constant 0 : index
    %swap3A_6 = arith.constant 0 : index
    %swap3A_7 = vector.load %arg1[%swap3A, %swap3A_6] : memref<1000x1xf32, #tpu.memory_space<vmem>>, vector<1000x1xf32>
    tpu.vector_store %arg1[%swap3A, %swap3A_6], %add3A {strides = array<i32>} : memref<1000x1xf32, #tpu.memory_space<vmem>>, vector<1000x1xf32>,
    return
  }
}

</mosaic_0001>

<sc_bundles>
// kernel: kernel.4.cloned.1.call-start
scs
__scs_entry_jumppad:
0x0: {  	(pc) =	sbr.rel $0x88, $3  }
0x1: {  	(tag) =	ssettag $0x0;
	lr =	simm.s32 $0x1  }
0x2: {  	[smem:$0x3F9E] =	sst lr;
	_ =	strace $0xD0000000  }
0x3: {  	_ = 	snop  }
0x4: {  	_ = 	snop  }
0x5: {  	_ = 	snop  }
0x6: {  	_ = 	snop  }
0x7: {  	_ = 	snop  }
__scs_overlays_trampoline_lowered:
0x8: {  	[smem:$0x3FAD] =	sst s0  }
0x9: {  	[smem:$0x3FAE] =	sst s1  }
0xa: {  	[smem:$0x3FAF] =	sst s2  }
0xb: {  	[smem:$0x3FB0] =	sst s3  }
0xc: {  	[smem:$0x3FB1] =	sst s4  }
0xd: {  	[smem:$0x3FB2] =	sst s5  }
0xe: {  	[smem:$0x3FB3] =	sst s6  }
0xf: {  	[smem:$0x3FB4] =	sst s7  }
0x10: {  	[smem:$0x3FB5] =	sst s8  }
0x11: {  	[smem:$0x3FB6] =	sst s9;
	s0 =	simm.s32 @!p0 $0x0  }
0x12: {  	s1 =	sld [smem:$0x3F9C];
	s0 =	simm.s32 @p0 $0x1  }
0x13: {  	[smem:$0x3FB7] =	sst s0;
	s0 =	simm.s32 @!p1 $0x0  }
0x14: {  	s2 =	sld [smem:$0x3F9B];
	s0 =	simm.s32 @p1 $0x1  }
0x15: {  	[smem:$0x3FB8] =	sst s0;
	s0 =	simm.s32 @!p2 $0x0  }
0x16: {  	s3 =	sld [smem:$0x3FDB];
	s0 =	simm.s32 @p2 $0x1  }
0x17: {  	s4 =	simm.s32 $0x1BF5;
	[smem:$0x3FBA] =	sst s0  }
0x18: {  	s0 =	sld [smem:$0x3F9D];
	_ =	swait.ge [sflag:s4], $0x0  }
0x19: {  	s7 =	sld [smem:$0x3F9E]  }
0x1a: {  	s8 =	sadd.s32 $0xFFFFE003, lr  }
0x1b: {  	s9 =	sadd.s32 $0xFFFFFEF7, lr;
	s5 =	simm.s32 $0xFFFFFFFF;
	p2 =	slt.u32 s8, $0xFFFFF086  }
0x1c: {  	p1 =	slt.u32 s9, $0xF7A;
	s5 =	simm.s32 @!p2 $0x0  }
0x1d: {  	s5 =	simm.s32 @p1 $0x1;
	p0 =	seq.s32 s7, s2  }
0x1e: {  	s7 =	smul.u32 @!p0 $0xF7A, s2;
	p2 =	seq.s32 @!p0 s5, $0x0  }
0x1f: {  	s9 =	smul.u32 $0xF7A, s1;
	s8 =	simm.s32 @!p0 $0x1BF5;
	p2 =	por !p2, p0  }
0x20: {  	[sflag:s8] =	ssyncset.s32 @!p0 $0xFFFFF086;
	s6 =	sadd.s32 @!p0 s3, s7;
	s7 =	simm.s32 @!p0 $0x108  }
0x21: {  	s3 =	sadd.s32 s3, s9;
	s6 =	sadd.s32 @!p0 $0x88, s6;
	s7 =	simm.s32 @p2 $0x1082  }
0x22: {  	[simem:s7], [sflag:s8] =	dma.local @!p0 [hbm:s6], $0xF7A  }
0x23: {  	s9 =	sor.u32 $0xD0000000, s2;
	s6 =	simm.s32 $0x108;
	_ =	swait.ge @!p0 [sflag:s8], $0x0  }
0x24: {  	s3 =	sadd.s32 $0x88, s3;
	s6 =	simm.s32 @!p1 $0x1082;
	[sflag:s4] =	ssyncset.s32 $0xFFFFF086  }
0x25: {  	[simem:s6], [sflag:s4] =	dma.local [hbm:s3], $0xF7A  }
0x26: {  	[smem:$0x3F9E] =	sst s1;
	(tag) =	ssettag s2;
	_ =	strace s9  }
0x27: {  	s1 =	sld [smem:$0x3FAE]  }
0x28: {  	s2 =	sld [smem:$0x3FAF]  }
0x29: {  	s4 =	sld [smem:$0x3FB1]  }
0x2a: {  	p0 =	seq.s32 s5, $0x0;
	s5 =	sld [smem:$0x3FB2]  }
0x2b: {  	s6 =	sld [smem:$0x3FB3]  }
0x2c: {  	s7 =	sld [smem:$0x3FB4]  }
0x2d: {  	s3 =	simm.s32 $0x108;
	s8 =	sld [smem:$0x3FB5]  }
0x2e: {  	s3 =	simm.s32 @!p0 $0x1082;
	s9 =	sld [smem:$0x3FB6]  }
0x2f: {  	lr =	sadd.s32 s0, s3;
	s0 =	sld [smem:$0x3FAD]  }
0x30: {  	s3 =	sld [smem:$0x3FB0]  }
0x31: {  	[smem:$0x3FB9] =	sst s10  }
0x32: {  	s10 =	sld [smem:$0x3FB7];
	_ =	sdelay $0x3  }
0x33: {  	p0 =	seq.s32 s10, $0x1;
	s10 =	sld [smem:$0x3FB9];
	_ =	sdelay $0x3  }
0x34: {  	[smem:$0x3FB9] =	sst s10  }
0x35: {  	s10 =	sld [smem:$0x3FB8];
	_ =	sdelay $0x3  }
0x36: {  	p1 =	seq.s32 s10, $0x1;
	s10 =	sld [smem:$0x3FB9];
	_ =	sdelay $0x3  }
0x37: {  	[smem:$0x3FB9] =	sst s10  }
0x38: {  	s10 =	sld [smem:$0x3FBA]  }
0x39: {  	_ = 	snop;
	(pc) =	sbr.ind lr, $3  }
0x3a: {  	_ = 	snop  }
0x3b: {  	_ = 	snop  }
0x3c: {  	p2 =	seq.s32 s10, $0x1;
	s10 =	sld [smem:$0x3FB9]  }
0x3d: {  	_ =	shalt  }
0x3e: {  	_ =	shalt  }
0x3f: {  	_ =	shalt  }
0x40: {  	_ =	shalt  }
0x41: {  	_ =	shalt  }
0x42: {  	_ =	shalt  }
0x43: {  	_ =	shalt  }
0x44: {  	_ =	shalt  }
0x45: {  	_ =	shalt  }
0x46: {  	_ =	shalt  }
0x47: {  	_ =	shalt  }
0x48: {  	_ =	shalt  }
0x49: {  	_ =	shalt  }
0x4a: {  	_ =	shalt  }
0x4b: {  	_ =	shalt  }
0x4c: {  	_ =	shalt  }
0x4d: {  	_ =	shalt  }
0x4e: {  	_ =	shalt  }
0x4f: {  	_ =	shalt  }
0x50: {  	_ =	shalt  }
0x51: {  	_ =	shalt  }
0x52: {  	_ =	shalt  }
0x53: {  	_ =	shalt  }
0x54: {  	_ =	shalt  }
0x55: {  	_ =	shalt  }
0x56: {  	_ =	shalt  }
0x57: {  	_ =	shalt  }
0x58: {  	_ =	shalt  }
0x59: {  	_ =	shalt  }
0x5a: {  	_ =	shalt  }
0x5b: {  	_ =	shalt  }
0x5c: {  	_ =	shalt  }
0x5d: {  	_ =	shalt  }
0x5e: {  	_ =	shalt  }
0x5f: {  	_ =	shalt  }
0x60: {  	_ =	shalt  }
0x61: {  	_ =	shalt  }
0x62: {  	_ =	shalt  }
0x63: {  	_ =	shalt  }
0x64: {  	_ =	shalt  }
0x65: {  	_ =	shalt  }
0x66: {  	_ =	shalt  }
0x67: {  	_ =	shalt  }
0x68: {  	_ =	shalt  }
0x69: {  	_ =	shalt  }
0x6a: {  	_ =	shalt  }
0x6b: {  	_ =	shalt  }
0x6c: {  	_ =	shalt  }
0x6d: {  	_ =	shalt  }
0x6e: {  	_ =	shalt  }
0x6f: {  	_ =	shalt  }
0x70: {  	_ =	shalt  }
0x71: {  	_ =	shalt  }
0x72: {  	_ =	shalt  }
0x73: {  	_ =	shalt  }
0x74: {  	_ =	shalt  }
0x75: {  	_ =	shalt  }
0x76: {  	_ =	shalt  }
0x77: {  	_ =	shalt  }
0x78: {  	_ =	shalt  }
0x79: {  	_ =	shalt  }
0x7a: {  	_ =	shalt  }
0x7b: {  	_ =	shalt  }
0x7c: {  	_ =	shalt  }
0x7d: {  	_ =	shalt  }
0x7e: {  	_ =	shalt  }
0x7f: {  	_ =	shalt  }
0x80: {  	_ =	shalt  }
0x81: {  	_ =	shalt  }
0x82: {  	_ =	shalt  }
0x83: {  	_ =	shalt  }
0x84: {  	_ =	shalt  }
0x85: {  	_ =	shalt  }
0x86: {  	_ =	shalt  }
0x87: {  	_ =	shalt  }
.Lfunc_end0:
.L_simem_size_0:
called_computation_lowered:
.L_overlay_start_0:
0x88: {  	s2 =	sld [smem:$0x3FD9]  }
0x89: {  	s3 =	sld [smem:$0x3FFE];
	_ =	sdelay $0x1  }
0x8a: {  	s1 =	srdreg.scid  }
0x8b: {  	s0 =	sand.u32 $0x1, s1  }
0x8c: {  	s14 =	sshll.u32 s0, $0xA;
	s2 =	sadd.s32 s3, s2  }
0x8d: {  	s2 =	sadd.s32 s2, s14  }
0x8e: {  	[smem:$0x3FC5] =	sst s2  }
0x8f: {  	_ = 	snop  }
0x90: {  	s2 =	sld [smem:$0x3FD0];
	_ =	sdelay $0x2  }
0x91: {  	s15 =	simm.s32 $0xA;
	s4 =	simm.s32 $0x10  }
0x92: {  	[smem:s4], [sflag:s15] =	dma.local [hbm:s2], $0x1  }
0x93: {  	_ =	swait.eq [sflag:s15], $0x1  }
0x94: {  	[sflag:s15] =	ssyncset.done $0x0  }
0x95: {  	[sflag:s15] =	ssyncadd.s32 $0xFFFFFFFF  }
0x96: {  	s16 =	sld [smem:$0x10];
	(tm) =	ssettm $0x1  }
0x97: {  	s17 =	sld [smem:$0x3FFB];
	_ =	sdelay $0x3  }
0x98: {  	_ =	strace s17  }
0x99: {  	s3 =	sld [smem:$0x3FFC];
	_ =	sdelay $0x3  }
0x9a: {  	_ =	strace s3  }
0x9b: {  	s3 =	sld [smem:$0x3FFD];
	_ =	sdelay $0x3  }
0x9c: {  	_ =	strace s3  }
0x9d: {  	_ =	strace $0x8FFFFFFF  }
0x9e: {  	s18 =	sld [smem:$0x3FDB];
	_ =	sdelay $0x1  }
0x9f: {  	s19 =	simm.s32 $_scs_section_size  }
0xa0: {  	s5 =	simm.s32 $_size__tile_overlayer_lowered;
	s6 =	simm.s32 $_tile_overlayer_lowered  }
0xa1: {  	s22 =	simm.s32 $0x1BFF;
	s21 =	sshll.u32 s6, $0x1;
	s3 =	sadd.s32 s19, s18  }
0xa2: {  	s7 =	simm.s32 $0x0;
	s20 =	sshll.u32 s5, $0x1;
	s5 =	sadd.s32 s21, s3  }
0xa3: {  	[timem:s7], [sflag:s22] =	dma.local [hbm:s5], s20  }
0xa4: {  	_ =	swait.ge [sflag:s22], s20  }
0xa5: {  	s4 =	ssub.s32 $0x0, s20;
	[sflag:s22] =	ssyncset.done $0x0  }
0xa6: {  	[sflag:s22] =	ssyncadd.s32 s4;
	_ =	sdelay $0x1  }
0xa7: {  	s23 =	simm.s32 $0x1B8B  }
0xa8: {  	_ =	swait.ge [sflag:s23], $0x1  }
0xa9: {  	[sflag:s23] =	ssyncset.done $0x0  }
0xaa: {  	s25 =	simm.s32 $0x1B8E;
	s24 =	sld [smem:$0x3FFE];
	[sflag:s23] =	ssyncadd.s32 $0xFFFFFFFF  }
0xab: {  	s26 =	simm.s32 $execute0_lowered;
	[smem:$0x3FD2] =	sst s25  }
0xac: {  	s5 =	sshll.u32 s26, $0x1;
	_ =	strace $0x80000046;
	[dreg:$0x1] =	wrdreg $0xFFFFFFFF  }
0xad: {  	s28 =	simm.s32 $_size_execute0_lowered;
	s3 =	sadd.s32 s3, s5;
	[dreg:$0x0] =	wrdreg $0x0  }
0xae: {  	s5 =	sshll.u32 s28, $0x1;
	[dreg:$0x2] =	wrdreg s3  }
0xaf: {  	[dreg:$0x3] =	wrdreg s5  }
0xb0: {  	[dreg:$0x4] =	wrdreg $0xC0  }
0xb1: {  	_ =	task [dreg:s7], $0x5FFFF  }
0xb2: {  	[dreg:$0x1] =	wrdreg $0xFFFFFFFF  }
0xb3: {  	[dreg:$0x0] =	wrdreg $0x60  }
0xb4: {  	[dreg:$0x2] =	wrdreg s24  }
0xb5: {  	[dreg:$0x3] =	wrdreg s16  }
0xb6: {  	[dreg:$0x4] =	wrdreg $0x9  }
0xb7: {  	_ =	task.clear_ibuf [dreg:s7], $0x5FFFF;
	_ =	strace $0x90000046  }
0xb8: {  	s29 =	simm.s32 $0x9;
	_ =	strace $0x80000048  }
0xb9: {  	_ =	swait.ge [sflag:s29], $0x1  }
0xba: {  	[sflag:s29] =	ssyncadd.s32 $0xFFFFFFFF  }
0xbb: {  	_ =	strace $0x90000048  }
0xbc: {  	_ =	sfence  }
0xbd: {  	s30 =	sld [smem:$0x0];
	_ =	sdelay $0x2  }
0xbe: {  	s31 =	sshll.u32 s1, $0xD;
	s1 =	sshrl.u32 s1, $0x2  }
0xbf: {  	s3 =	sand.u32 $0x4000, s31;
	s1 =	sadd.s32 s1, s30  }
0xc0: {  	s0 =	sor.u32 s3, s0;
	s1 =	sshll.u32 s1, $0x11  }
0xc1: {  	s0 =	sor.u32 s1, s0  }
0xc2: {  	s0 =	sadd.s32 $0x8F2B, s0  }
0xc3: {  	[sflag:s0] =	ssyncadd.remote.s32 $0x1  }
0xc4: {  	_ =	sfence.sel $0xFFFF  }
0xc5: {  	[dreg:$0x0] =	wrdreg $0xFFFFFFFF;
	(pc) =	sbr.abs _section_cstart, $3  }
0xc6: {  	[dreg:$0x1] =	wrdreg $0xFFFFFFFF  }
0xc7: {  	_ =	task.clear_ibuf [dreg:s7], $0x2FFFF;
	_ =	strace $0x9FFFFFFF  }
0xc8: {  	(tm) =	ssettm $0x7FFFFFFF  }
0xc9: {  	_ =	shalt  }
tec
execute0_lowered:
.L_overlay_start_1:
0x0: {  	(tag) =	ssettag $0x1  }
0x1: {  	s0 =	rddreg [dreg:$0x0]  }
0x2: {  	s1 =	srdreg.scid;
	s3 =	stileid.u32  }
0x3: {  	s2 =	rddreg [dreg:$0x1];
	s11 =	simm.s32 $0x5;
	s13 =	simm.s32 $0x3200  }
0x4: {  	s14 =	simm.s32 $0x10;
	s15 =	simm.s32 $0x35E8;
	s16 =	simm.s32 $0x7468  }
0x5: {  	s17 =	simm.s32 $0x1;
	s18 =	simm.s32 $0x2;
	s19 =	simm.s32 $0x20  }
0x6: {  	s20 =	simm.s32 $0x80;
	s21 =	simm.s32 $0x3;
	s1 =	sand.u32 $0x1, s1  }
0x7: {  	s4 =	sshll.u32 s3, $0x1;
	s3 =	simm.s32 $0x0;
	s26 =	sadd.s32 $0x2B600, s0  }
0x8: {  	s5 =	sor.u32 s1, s4;
	[smem:$0x7FF] =	sst s3;
	s1 =	ssub.s32 $0x2, s1  }
0x9: {  	s4 =	sadd.s32 $0x400, s0;
	s6 =	smul.u32 $0x320, s5;
	s8 =	sshrl.u32 s1, $0x1  }
0xa: {  	v0 =	vlaneseq.u32;
	_ =	strace $0x80000047;
	[dreg:$0x3] =	wrdreg s26;
	s1 =	ssub.s32 s1, s8  }
.Ltmp0:
0xb: {  	v0 =	vmul.u32 $0x3E8, v0;
	s7 =	sadd.s32 s6, s0;
	s31 =	smax.u32 s1, $0x1;
	(pc) =	sbr.rel .LBB2_1-.Ltmp0, $4  }
0xc: {  	v2 =	vimm.s32 $0x0;
	vm0 =	vcmask $0x300;
	s28 =	sshll.u32 s5, $0x1;
	s29 =	sadd.s32 $0x1EE00, s7;
	[dreg:$0x7] =	wrdreg s31  }
0xd: {  	v1 =	vimm.f32 $0.0e+00;
	v2 =	vsel vm0, $0x3, v2;
	v3 =	vor.u32 $0x1, v0;
	s0 =	sadd.s32 s28, s0;
	s30 =	sadd.s32 $0x25200, s7;
	[dreg:$0x4] =	wrdreg s29  }
0xe: {  	s22 =	simm.s32 $0x4;
	v4 =	vor.u32 $0x2, v0;
	v5 =	vor.u32 $0x3, v0;
	v6 =	vor.u32 $0x4, v0;
	s0 =	sadd.s32 $0x2B800, s0;
	[dreg:$0x5] =	wrdreg s30  }
0xf: {  	s24 =	simm.s32 $0x0;
	v7 =	vor.u32 $0x5, v0;
	v8 =	vor.u32 $0x6, v0;
	v9 =	vor.u32 $0x7, v0;
	s6 =	smul.u32 $0x32, s5;
	[dreg:$0x6] =	wrdreg s0  }
.LBB2_24:
0x10: {  	_ =	swait.ge [sflag:s21], $0x7D00  }
0x11: {  	[sflag:s21] =	ssyncset.done $0x0  }
0x12: {  	[sflag:s21] =	ssyncadd.s32 $0xFFFF8300  }
0x13: {  	_ =	swait.ge [sflag:s22], $0x7D00  }
0x14: {  	[sflag:s22] =	ssyncset.done $0x0  }
0x15: {  	s1 =	simm.s32 $0x1ACE8;
	s0 =	rddreg [dreg:$0x6];
	[sflag:s22] =	ssyncadd.s32 $0xFFFF8300  }
0x16: {  	[hbm4b:s0+s3] =	stream.linear.scatter [tilespmem:s1], [sflag:$0x5], $0x10, $0x38;
	[tilespmem:$0x1ACF8] =	vst v63  }
0x17: {  	_ =	swait.ge [sflag:s11], $0x10  }
0x18: {  	s24 =	sadd.s32 $0x1, s24;
	s31 =	rddreg [dreg:$0x7]  }
0x19: {  	p0 =	sne.s32 s24, s31  }
.Ltmp1:
0x1a: {  	_ = 	snop;
	(pc) =	sbr.rel @!p0 .LBB2_25-.Ltmp1, $3  }
0x1b: {  	_ =	sdelay $0x1  }
0x1c: {  	[sflag:s11] =	ssyncset.done $0x0  }
0x1d: {  	[sflag:s11] =	ssyncadd.s32 $0xFFFFFFF0  }
.LBB2_1:
0x1e: {  	s0 =	rddreg [dreg:$0x4]  }
0x1f: {  	[tilespmem:s3], [sflag:$0x5] =	stream.linear.gather [hbm4b:s0+s3], $0x1900, $0x38;
	[tilespmem:$0x1ACF8] =	vst v63  }
0x20: {  	_ =	swait.ge [sflag:s11], $0x1900  }
0x21: {  	[sflag:s11] =	ssyncset.done $0x0  }
0x22: {  	s1 =	simm.s32 $0x1900;
	s30 =	rddreg [dreg:$0x5];
	[sflag:s11] =	ssyncadd.s32 $0xFFFFE700  }
0x23: {  	[tilespmem:s1], [sflag:$0x5] =	stream.linear.gather [hbm4b:s30+s3], $0x1900, $0x38;
	[tilespmem:$0x1ACF8] =	vst v63  }
0x24: {  	_ =	swait.ge [sflag:s11], $0x1900  }
0x25: {  	[sflag:s11] =	ssyncset.done $0x0  }
0x26: {  	s31 =	rddreg [dreg:$0x3];
	[sflag:s11] =	ssyncadd.s32 $0xFFFFE700  }
0x27: {  	[tilespmem:s13], [sflag:$0x5] =	stream.linear.gather [hbm4b:s31+s3], $0x3E8, $0x38;
	[tilespmem:$0x1ACF8] =	vst v63  }
0x28: {  	_ =	swait.ge [sflag:s11], $0x3E8  }
0x29: {  	[sflag:s11] =	ssyncset.done $0x0  }
0x2a: {  	[sflag:s11] =	ssyncadd.s32 $0xFFFFFC18  }
0x2b: {  	[tilespmem:$0x1ACE8] =	vst v1  }
0x2c: {  	[tilespmem:s15], [sflag:$0x1] =	stream.indirect.gather [hbm4b:s4+s14], $0x3E8, s3, s14, $0xb8;
	[tilespmem:$0x1ACF8] =	vst v63  }
0x2d: {  	s25 =	simm.s32 $0x0  }
0x2e: {  	[tilespmem:s16], [sflag:$0x2] =	stream.indirect.gather [hbm4b:s4+s14], $0x3E8, s14, s14, $0xb8;
	[tilespmem:$0x1ACF8] =	vst v63  }
.LBB2_2:
0x2f: {  	s0 =	simm.s32 $0x10  }
0x30: {  	v10 =	vmov s0  }
0x31: {  	v10 =	vshrl.u32 v10, $0x3  }
0x32: {  	s1 =	simm.s32 $0x8;
	v10 =	vshll.u32 v10, v2  }
0x33: {  	s29 =	simm.s32 $0x20;
	s5 =	simm.s32 $0x18;
	v12 =	vmov s1;
	v20 =	vbroadcast v10, $0x0  }
0x34: {  	_ =	swait.ge [sflag:s17], $0x3E80;
	v13 =	vmov s5;
	v12 =	vshrl.u32 v12, $0x3;
	v10 =	vmov s29  }
0x35: {  	p0 =	seq.s32 s25, $0x0;
	s7 =	simm.s32 $0x38;
	[sflag:s17] =	ssyncset.done $0x0;
	v12 =	vshll.u32 v12, v2;
	v10 =	vshrl.u32 v10, $0x3;
	v11 =	vadd.s32 v0, v20  }
0x36: {  	s30 =	simm.s32 $0x28;
	s0 =	simm.s32 @!p0 $0x3;
	v14 =	vmov s7;
	[sflag:s17] =	ssyncadd.s32 $0xFFFFC180;
	v27 =	vbroadcast v12, $0x0;
	v10 =	vshll.u32 v10, v2  }
0x37: {  	v15 =	vmov s30;
	v13 =	vshrl.u32 v13, $0x3;
	_ =	swait.ge @!p0 [sflag:s0], $0x7D00;
	v21 =	vbroadcast v10, $0x0  }
0x38: {  	[sflag:s0] =	ssyncset.done @!p0 $0x0;
	v10 =	vshrl.u32 v14, $0x3;
	v14 =	vshrl.u32 v15, $0x3;
	v15 =	vadd.s32 v0, v27  }
0x39: {  	v13 =	vshll.u32 v13, v2;
	[sflag:s0] =	ssyncadd.s32 @!p0 $0xFFFF8300;
	v12 =	vadd.s32 v0, v21  }
0x3a: {  	v31 =	vbroadcast v13, $0x0;
	v14 =	vshll.u32 v14, v2;
	v10 =	vshll.u32 v10, v2;
	v11 =	vld.idx.msk [tilespmem:v11+s15+$0x0], $0xffff  }
0x3b: {  	v29 =	vbroadcast v14, $0x0;
	v14 =	vadd.s32 v3, v20;
	v19 =	vbroadcast v10, $0x0  }
0x3c: {  	s5 =	simm.s32 $0x30;
	v17 =	vadd.s32 v0, v31  }
0x3d: {  	v10 =	vmov s5;
	v16 =	vadd.s32 v0, v19;
	v15 =	vld.idx.msk [tilespmem:v15+s15+$0x0], $0xffff  }
0x3e: {  	s1 =	simm.s32 $0xB6E8;
	v23 =	vadd.s32 v3, v27;
	v10 =	vshrl.u32 v10, $0x3;
	v12 =	vld.idx.msk [tilespmem:v12+s15+$0x0], $0xffff  }
0x3f: {  	v13 =	vadd.s32 v0, v29;
	v10 =	vshll.u32 v10, v2;
	[tilespmem:s1+$0xFFFFFE00] =	vst v11  }
0x40: {  	v11 =	vbroadcast v10, $0x0;
	v10 =	vadd.s32 v3, v21;
	v14 =	vld.idx.msk [tilespmem:v14+s15+$0x0], $0xffff  }
0x41: {  	v18 =	vadd.s32 v4, v20;
	v17 =	vld.idx.msk [tilespmem:v17+s15+$0x0], $0xffff  }
0x42: {  	v16 =	vld.idx.msk [tilespmem:v16+s15+$0x0], $0xffff;
	[tilespmem:s1+$0xFFFFFD00] =	vst v15;
	v22 =	vadd.s32 v0, v11  }
0x43: {  	s26 =	simm.s32 $0x0;
	v23 =	vld.idx.msk [tilespmem:v23+s15+$0x0], $0xffff;
	[tilespmem:s1+$0x0] =	vst v12;
	v12 =	vadd.s32 v3, v19  }
0x44: {  	v24 =	vmov s26;
	v28 =	vadd.s32 v4, v27;
	v13 =	vld.idx.msk [tilespmem:v13+s15+$0x0], $0xffff  }
0x45: {  	v24 =	vshrl.u32 v24, $0x3;
	v25 =	vadd.s32 v3, v31;
	v10 =	vld.idx.msk [tilespmem:v10+s15+$0x0], $0xffff;
	[tilespmem:s1+$0xFFFFFE20] =	vst v14  }
0x46: {  	[tilespmem:s1+$0xFFFFFF00] =	vst v17;
	v14 =	vshll.u32 v24, v2;
	v24 =	vadd.s32 v4, v21;
	v18 =	vld.idx.msk [tilespmem:v18+s15+$0x0], $0xffff  }
0x47: {  	v15 =	vadd.s32 v5, v20;
	[tilespmem:s1+$0x300] =	vst v16;
	v33 =	vbroadcast v14, $0x0;
	v14 =	vld.idx.msk [tilespmem:v22+s15+$0x0], $0xffff  }
0x48: {  	v22 =	vadd.s32 v3, v29;
	[tilespmem:s1+$0xFFFFFD20] =	vst v23;
	v12 =	vld.idx.msk [tilespmem:v12+s15+$0x0], $0xffff  }
0x49: {  	[tilespmem:s1+$0x100] =	vst v13;
	v28 =	vld.idx.msk [tilespmem:v28+s15+$0x0], $0xffff;
	v16 =	vadd.s32 v0, v33  }
0x4a: {  	v17 =	vadd.s32 v4, v19;
	[tilespmem:s1+$0x20] =	vst v10;
	v10 =	vld.idx.msk [tilespmem:v25+s15+$0x0], $0xffff  }
0x4b: {  	v44 =	vadd.s32 v5, v27;
	v24 =	vld.idx.msk [tilespmem:v24+s15+$0x0], $0xffff;
	[tilespmem:s1+$0xFFFFFE40] =	vst v18  }
0x4c: {  	v25 =	vadd.s32 v4, v31;
	[tilespmem:s1+$0x200] =	vst v14;
	v13 =	vld.idx.msk [tilespmem:v15+s15+$0x0], $0xffff  }
0x4d: {  	v18 =	vadd.s32 v3, v11;
	v15 =	vld.idx.msk [tilespmem:v22+s15+$0x0], $0xffff;
	[tilespmem:s1+$0x320] =	vst v12  }
0x4e: {  	v26 =	vadd.s32 v4, v29;
	[tilespmem:s1+$0xFFFFFD40] =	vst v28;
	v16 =	vld.idx.msk [tilespmem:v16+s15+$0x0], $0xffff  }
0x4f: {  	v12 =	vadd.s32 v5, v21;
	v17 =	vld.idx.msk [tilespmem:v17+s15+$0x0], $0xffff;
	[tilespmem:s1+$0xFFFFFF20] =	vst v10  }
0x50: {  	s7 =	simm.s32 $0x60;
	v30 =	vadd.s32 v5, v19;
	v46 =	vld.idx.msk [tilespmem:v44+s15+$0x0], $0xffff;
	[tilespmem:s1+$0x40] =	vst v24  }
0x51: {  	v22 =	vadd.s32 v6, v20;
	v10 =	vmov s7;
	v14 =	vld.idx.msk [tilespmem:v25+s15+$0x0], $0xffff;
	[tilespmem:s1+$0xFFFFFE60] =	vst v13  }
0x52: {  	v10 =	vshrl.u32 v10, $0x3;
	v24 =	vadd.s32 v3, v33;
	v13 =	vld.idx.msk [tilespmem:v18+s15+$0x0], $0xffff;
	[tilespmem:s1+$0x120] =	vst v15  }
0x53: {  	s8 =	simm.s32 $0x48;
	v32 =	vadd.s32 v5, v31;
	v10 =	vshll.u32 v10, v2;
	v15 =	vld.idx.msk [tilespmem:v26+s15+$0x0], $0xffff  }
0x54: {  	v25 =	vadd.s32 v5, v29;
	v10 =	vbroadcast v10, $0x0;
	v36 =	vld.idx.msk [tilespmem:v12+s15+$0x0], $0xffff;
	v12 =	vmov s8;
	[tilespmem:s1+$0x340] =	vst v17  }
0x55: {  	s9 =	simm.s32 $0x58;
	v34 =	vadd.s32 v6, v21;
	v18 =	vadd.s32 v4, v11;
	v12 =	vshrl.u32 v12, $0x3;
	v30 =	vld.idx.msk [tilespmem:v30+s15+$0x0], $0xffff  }
0x56: {  	s23 =	simm.s32 $0x68;
	v22 =	vld.idx.msk [tilespmem:v22+s15+$0x0], $0xffff;
	v17 =	vmov s9;
	[tilespmem:s1+$0xFFFFFC00] =	vst v16;
	v37 =	vadd.s32 v0, v10;
	v12 =	vshll.u32 v12, v2  }
0x57: {  	v16 =	vmov s23;
	v17 =	vshrl.u32 v17, $0x3;
	[tilespmem:s1+$0xFFFFFF40] =	vst v14;
	v14 =	vbroadcast v12, $0x0;
	v24 =	vld.idx.msk [tilespmem:v24+s15+$0x0], $0xffff  }
0x58: {  	v35 =	vadd.s32 v6, v19;
	v12 =	vshrl.u32 v16, $0x3;
	v16 =	vshll.u32 v17, v2;
	v32 =	vld.idx.msk [tilespmem:v32+s15+$0x0], $0xffff;
	[tilespmem:s1+$0x140] =	vst v15  }
0x59: {  	v12 =	vshll.u32 v12, v2;
	v16 =	vbroadcast v16, $0x0;
	[tilespmem:s1+$0x220] =	vst v13;
	v58 =	vadd.s32 v0, v14;
	v25 =	vld.idx.msk [tilespmem:v25+s15+$0x0], $0xffff  }
0x5a: {  	s10 =	simm.s32 $0x78;
	v12 =	vbroadcast v12, $0x0;
	v39 =	vld.idx.msk [tilespmem:v18+s15+$0x0], $0xffff;
	[tilespmem:s1+$0x360] =	vst v30;
	v30 =	vadd.s32 v7, v20  }
0x5b: {  	v38 =	vmov s10;
	[tilespmem:s1+$0x60] =	vst v36;
	v60 =	vadd.s32 v0, v16;
	v17 =	vld.idx.msk [tilespmem:v37+s15+$0x0], $0xffff  }
0x5c: {  	s29 =	simm.s32 $0x70;
	v42 =	vadd.s32 v4, v33;
	v26 =	vadd.s32 v6, v29;
	v34 =	vld.idx.msk [tilespmem:v34+s15+$0x0], $0xffff;
	v23 =	vadd.s32 v0, v12  }
0x5d: {  	s12 =	simm.s32 $0x50;
	v63 =	vadd.s32 v3, v10;
	v18 =	vshrl.u32 v38, $0x3;
	v15 =	vmov s29;
	[tilespmem:s1+$0xFFFFFE80] =	vst v22;
	v35 =	vld.idx.msk [tilespmem:v35+s15+$0x0], $0xffff  }
0x5e: {  	v13 =	vmov s12;
	v15 =	vshrl.u32 v15, $0x3;
	v18 =	vshll.u32 v18, v2;
	[tilespmem:s1+$0x160] =	vst v25;
	v25 =	vld.idx.msk [tilespmem:v58+s15+$0x0], $0xffff  }
0x5f: {  	s0 =	simm.s32 $0xBEE8;
	v13 =	vshrl.u32 v13, $0x3;
	v59 =	vshll.u32 v15, v2;
	v15 =	vbroadcast v18, $0x0;
	[tilespmem:s1+$0xFFFFFC20] =	vst v24;
	v30 =	vld.idx.msk [tilespmem:v30+s15+$0x0], $0xffff  }
0x60: {  	v43 =	vadd.s32 v7, v19;
	v13 =	vshll.u32 v13, v2;
	v18 =	vbroadcast v59, $0x0;
	[tilespmem:s0+$0x0] =	vst v17;
	v17 =	vld.idx.msk [tilespmem:v60+s15+$0x0], $0xffff  }
0x61: {  	v13 =	vbroadcast v13, $0x0;
	v61 =	vadd.s32 v0, v15;
	[tilespmem:s1+$0x240] =	vst v39;
	v23 =	vld.idx.msk [tilespmem:v23+s15+$0x0], $0xffff  }
0x62: {  	v22 =	vadd.s32 v0, v18;
	v26 =	vld.idx.msk [tilespmem:v26+s15+$0x0], $0xffff;
	[tilespmem:s1+$0x380] =	vst v35  }
0x63: {  	v62 =	vadd.s32 v0, v13;
	v39 =	vld.idx.msk [tilespmem:v63+s15+$0x0], $0xffff;
	[tilespmem:s0+$0xFFFFFD00] =	vst v25  }
0x64: {  	v24 =	vadd.s32 v3, v14;
	v35 =	vld.idx.msk [tilespmem:v42+s15+$0x0], $0xffff;
	[tilespmem:s1+$0xFFFFFEA0] =	vst v30  }
0x65: {  	v47 =	vadd.s32 v4, v10;
	v28 =	vld.idx.msk [tilespmem:v43+s15+$0x0], $0xffff;
	[tilespmem:s0+$0xFFFFFF00] =	vst v17  }
0x66: {  	v48 =	vadd.s32 v8, v19;
	v36 =	vld.idx.msk [tilespmem:v61+s15+$0x0], $0xffff;
	[tilespmem:s0+$0x100] =	vst v23  }
0x67: {  	v50 =	vadd.s32 v7, v29;
	v22 =	vld.idx.msk [tilespmem:v22+s15+$0x0], $0xffff;
	[tilespmem:s1+$0x180] =	vst v26  }
0x68: {  	v45 =	vadd.s32 v3, v15;
	v25 =	vld.idx.msk [tilespmem:v62+s15+$0x0], $0xffff;
	[tilespmem:s0+$0x20] =	vst v39  }
0x69: {  	v17 =	vadd.s32 v5, v33;
	v24 =	vld.idx.msk [tilespmem:v24+s15+$0x0], $0xffff;
	[tilespmem:s1+$0xFFFFFC40] =	vst v35  }
0x6a: {  	v40 =	vadd.s32 v3, v12;
	[tilespmem:s1+$0x3A0] =	vst v28;
	v37 =	vld.idx.msk [tilespmem:v47+s15+$0x0], $0xffff  }
0x6b: {  	s30 =	simm.s32 $0x40;
	v23 =	vadd.s32 v6, v27;
	[tilespmem:s0+$0x300] =	vst v36;
	v52 =	vld.idx.msk [tilespmem:v48+s15+$0x0], $0xffff  }
0x6c: {  	v49 =	vmov s30;
	v30 =	vadd.s32 v3, v13;
	[tilespmem:s0+$0x200] =	vst v22;
	v22 =	vld.idx.msk [tilespmem:v50+s15+$0x0], $0xffff  }
0x6d: {  	v38 =	vshrl.u32 v49, $0x3;
	v26 =	vadd.s32 v5, v11;
	[tilespmem:s0+$0xFFFFFE00] =	vst v25;
	v25 =	vld.idx.msk [tilespmem:v45+s15+$0x0], $0xffff  }
0x6e: {  	[tilespmem:s1+$0xFFFFFD60] =	vst v46;
	v46 =	vadd.s32 v8, v20;
	v38 =	vshll.u32 v38, v2;
	v51 =	vld.idx.msk [tilespmem:v17+s15+$0x0], $0xffff  }
0x6f: {  	v19 =	vadd.s32 v9, v19;
	v17 =	vbroadcast v38, $0x0;
	v38 =	vld.idx.msk [tilespmem:v40+s15+$0x0], $0xffff  }
0x70: {  	[tilespmem:s1+$0xFFFFFF60] =	vst v32;
	v32 =	vld.idx.msk [tilespmem:v23+s15+$0x0], $0xffff;
	v23 =	vadd.s32 v8, v29  }
0x71: {  	v41 =	vadd.s32 v7, v21;
	[tilespmem:s1+$0x80] =	vst v34;
	v30 =	vld.idx.msk [tilespmem:v30+s15+$0x0], $0xffff  }
0x72: {  	v26 =	vld.idx.msk [tilespmem:v26+s15+$0x0], $0xffff;
	[tilespmem:s0+$0xFFFFFD20] =	vst v24;
	v24 =	vadd.s32 v6, v33  }
0x73: {  	v58 =	vadd.s32 v7, v27;
	[tilespmem:s1+$0x3C0] =	vst v52;
	v52 =	vld.idx.msk [tilespmem:v46+s15+$0x0], $0xffff  }
0x74: {  	v60 =	vadd.s32 v6, v31;
	[tilespmem:s1+$0x1A0] =	vst v22;
	v22 =	vld.idx.msk [tilespmem:v19+s15+$0x0], $0xffff  }
0x75: {  	v28 =	vadd.s32 v4, v13;
	[tilespmem:s1+$0xFFFFFC60] =	vst v51;
	v59 =	vld.idx.msk [tilespmem:v23+s15+$0x0], $0xffff  }
0x76: {  	v61 =	vadd.s32 v4, v15;
	[tilespmem:s0+$0xFFFFFE20] =	vst v30;
	v30 =	vld.idx.msk [tilespmem:v41+s15+$0x0], $0xffff  }
0x77: {  	v53 =	vadd.s32 v0, v17;
	[tilespmem:s1+$0xFFFFFD80] =	vst v32;
	v57 =	vld.idx.msk [tilespmem:v24+s15+$0x0], $0xffff  }
0x78: {  	v54 =	vadd.s32 v6, v11;
	v47 =	vld.idx.msk [tilespmem:v58+s15+$0x0], $0xffff  }
0x79: {  	[tilespmem:s0+$0x40] =	vst v37;
	v24 =	vadd.s32 v3, v16;
	v41 =	vld.idx.msk [tilespmem:v60+s15+$0x0], $0xffff  }
0x7a: {  	v55 =	vadd.s32 v8, v21;
	[tilespmem:s0+$0x320] =	vst v25;
	v28 =	vld.idx.msk [tilespmem:v28+s15+$0x0], $0xffff  }
0x7b: {  	v62 =	vadd.s32 v7, v33;
	[tilespmem:s0+$0x120] =	vst v38;
	v39 =	vld.idx.msk [tilespmem:v61+s15+$0x0], $0xffff  }
0x7c: {  	v56 =	vadd.s32 v5, v13;
	[tilespmem:s1+$0x260] =	vst v26;
	v36 =	vld.idx.msk [tilespmem:v53+s15+$0x0], $0xffff  }
0x7d: {  	v51 =	vadd.s32 v7, v31;
	v26 =	vld.idx.msk [tilespmem:v54+s15+$0x0], $0xffff;
	[tilespmem:s1+$0xA0] =	vst v30  }
0x7e: {  	v54 =	vadd.s32 v8, v27;
	v43 =	vld.idx.msk [tilespmem:v24+s15+$0x0], $0xffff;
	[tilespmem:s1+$0xFFFFFC80] =	vst v57  }
0x7f: {  	v30 =	vadd.s32 v7, v11;
	[tilespmem:s0+$0xFFFFFE40] =	vst v28;
	v28 =	vld.idx.msk [tilespmem:v55+s15+$0x0], $0xffff  }
0x80: {  	v45 =	vadd.s32 v4, v12;
	[tilespmem:s1+$0xFFFFFEC0] =	vst v52;
	v44 =	vld.idx.msk [tilespmem:v62+s15+$0x0], $0xffff  }
0x81: {  	v21 =	vadd.s32 v9, v21;
	[tilespmem:s1+$0xFFFFFF80] =	vst v41;
	v42 =	vld.idx.msk [tilespmem:v56+s15+$0x0], $0xffff  }
0x82: {  	v49 =	vadd.s32 v6, v13;
	v34 =	vadd.s32 v3, v18;
	[tilespmem:s1+$0xFFFFFDA0] =	vst v47;
	v38 =	vld.idx.msk [tilespmem:v51+s15+$0x0], $0xffff  }
0x83: {  	v63 =	vadd.s32 v9, v20;
	v25 =	vadd.s32 v5, v10;
	[tilespmem:s1+$0x280] =	vst v26;
	v47 =	vld.idx.msk [tilespmem:v54+s15+$0x0], $0xffff  }
0x84: {  	v20 =	vadd.s32 v6, v16;
	v50 =	vadd.s32 v4, v16;
	v48 =	vld.idx.msk [tilespmem:v30+s15+$0x0], $0xffff;
	[tilespmem:s0+$0xFFFFFF20] =	vst v43  }
0x85: {  	v35 =	vadd.s32 v6, v15;
	v37 =	vadd.s32 v5, v16;
	v43 =	vld.idx.msk [tilespmem:v45+s15+$0x0], $0xffff;
	[tilespmem:s1+$0xC0] =	vst v28  }
0x86: {  	v19 =	vadd.s32 v8, v16;
	v23 =	vadd.s32 v8, v31;
	[tilespmem:s0+$0xFFFFFE60] =	vst v42;
	v53 =	vld.idx.msk [tilespmem:v21+s15+$0x0], $0xffff  }
0x87: {  	v32 =	vadd.s32 v4, v18;
	[tilespmem:s1+$0x3E0] =	vst v22;
	v22 =	vadd.s32 v5, v14;
	v40 =	vld.idx.msk [tilespmem:v49+s15+$0x0], $0xffff  }
0x88: {  	[tilespmem:s1+$0x1C0] =	vst v59;
	v24 =	vadd.s32 v4, v14;
	v51 =	vadd.s32 v8, v11;
	v49 =	vld.idx.msk [tilespmem:v25+s15+$0x0], $0xffff  }
0x89: {  	v41 =	vadd.s32 v9, v33;
	[tilespmem:s0+$0xFFFFFC00] =	vst v36;
	v36 =	vadd.s32 v5, v15;
	v46 =	vld.idx.msk [tilespmem:v50+s15+$0x0], $0xffff  }
0x8a: {  	v26 =	vadd.s32 v6, v10;
	v30 =	vadd.s32 v5, v12;
	v45 =	vld.idx.msk [tilespmem:v63+s15+$0x0], $0xffff;
	v28 =	vadd.s32 v6, v12  }
0x8b: {  	s31 =	sshll.u32 s25, $0x2;
	s28 =	sshll.u32 s25, $0x3;
	v50 =	vadd.s32 v9, v29;
	v21 =	vadd.s32 v6, v14;
	v42 =	vadd.s32 v9, v31;
	[tilespmem:s1+$0x2A0] =	vst v48  }
0x8c: {  	s5 =	simm.s32 $0x80;
	s23 =	simm.s32 $0x8;
	s12 =	simm.s32 $0xBEE8;
	v25 =	vadd.s32 v5, v18;
	v48 =	vadd.s32 v8, v33;
	v33 =	vadd.s32 v9, v27;
	[tilespmem:s1+$0xE0] =	vst v53  }
.LBB2_3:
0x8d: {  	v54 =	vmov s5;
	s7 =	sadd.s32 $0x8, s5;
	s29 =	sadd.s32 $0x18, s5;
	s30 =	sadd.s32 $0x38, s5;
	v52 =	vadd.s32 v3, v17;
	[tilespmem:s0+$0x60] =	vst v49;
	v49 =	vld.idx.msk [tilespmem:v51+s15+$0x0], $0xffff;
	v51 =	vadd.s32 v9, v11;
	v27 =	vmovc v14  }
0x8e: {  	s23 =	sadd.s32 $0x8, s23;
	v29 =	vmovc v16;
	v11 =	vmovc v18;
	v14 =	vshrl.u32 v54, $0x3;
	v31 =	vmov s7;
	s7 =	sadd.s32 $0x10, s5;
	v53 =	vmov s29;
	[tilespmem:s0+$0xFFFFFF40] =	vst v46;
	v34 =	vld.idx.msk [tilespmem:v34+s15+$0x0], $0xffff  }
0x8f: {  	v18 =	vmov s30;
	p1 =	slt.u32 s23, $0x70;
	v14 =	vshll.u32 v14, v2;
	v16 =	vshrl.u32 v53, $0x3;
	v37 =	vld.idx.msk [tilespmem:v37+s15+$0x0], $0xffff;
	[tilespmem:s1+$0xFFFFFFA0] =	vst v38  }
0x90: {  	v38 =	vshrl.u32 v31, $0x3;
	v31 =	vmov s7;
	s7 =	sadd.s32 $0x20, s5;
	v18 =	vshrl.u32 v18, $0x3;
	[tilespmem:s1+$0xFFFFFCA0] =	vst v44;
	v44 =	vld.idx.msk [tilespmem:v50+s15+$0x0], $0xffff  }
0x91: {  	v46 =	vshrl.u32 v31, $0x3;
	v16 =	vshll.u32 v16, v2;
	v50 =	vmov s7;
	s7 =	sadd.s32 $0x28, s5;
	[tilespmem:s0+$0x340] =	vst v39;
	v48 =	vld.idx.msk [tilespmem:v48+s15+$0x0], $0xffff  }
0x92: {  	v31 =	vbroadcast v14, $0x0;
	v14 =	vshrl.u32 v50, $0x3;
	v39 =	vmov s7;
	s7 =	sadd.s32 $0x30, s5;
	[tilespmem:s1+$0xFFFFFDC0] =	vst v47;
	v47 =	vld.idx.msk [tilespmem:v23+s15+$0x0], $0xffff;
	v23 =	vmovc v19  }
0x93: {  	v19 =	vshll.u32 v46, v2;
	v14 =	vshll.u32 v14, v2;
	v46 =	vshrl.u32 v39, $0x3;
	v50 =	vld.idx.msk [tilespmem:v33+s15+$0x0], $0xffff;
	[tilespmem:s1+$0x2C0] =	vst v49  }
0x94: {  	v49 =	vshll.u32 v38, v2;
	v39 =	vbroadcast v14, $0x0;
	v14 =	vshll.u32 v46, v2;
	[tilespmem:s0+$0x220] =	vst v34;
	v34 =	vld.idx.msk [tilespmem:v51+s15+$0x0], $0xffff  }
0x95: {  	v38 =	vbroadcast v19, $0x0;
	v19 =	vmov s7;
	v33 =	vbroadcast v14, $0x0;
	v36 =	vld.idx.msk [tilespmem:v36+s15+$0x0], $0xffff;
	[tilespmem:s1+$0xFFFFFEE0] =	vst v45  }
0x96: {  	v14 =	vbroadcast v49, $0x0;
	v19 =	vshrl.u32 v19, $0x3;
	v45 =	vadd.s32 v0, v39;
	v32 =	vld.idx.msk [tilespmem:v32+s15+$0x0], $0xffff;
	[tilespmem:s1+$0x1E0] =	vst v44  }
0x97: {  	v18 =	vshll.u32 v18, v2;
	v16 =	vbroadcast v16, $0x0;
	v44 =	vadd.s32 v0, v33;
	v46 =	vld.idx.msk [tilespmem:v52+s15+$0x0], $0xffff;
	[tilespmem:s0+$0x140] =	vst v43  }
0x98: {  	v51 =	vshll.u32 v19, v2;
	v49 =	vadd.s32 v0, v14;
	v43 =	vbroadcast v18, $0x0;
	v30 =	vld.idx.msk [tilespmem:v30+s15+$0x0], $0xffff;
	[tilespmem:s1+$0xFFFFFFC0] =	vst v47  }
0x99: {  	v19 =	vadd.s32 v8, v16;
	v18 =	vbroadcast v51, $0x0;
	v47 =	vadd.s32 v0, v16;
	[tilespmem:s1+$0xFFFFFCC0] =	vst v48;
	v42 =	vld.idx.msk [tilespmem:v42+s15+$0x0], $0xffff  }
0x9a: {  	v48 =	vadd.s32 v0, v43;
	[tilespmem:s0+$0xFFFFFE80] =	vst v40;
	v41 =	vld.idx.msk [tilespmem:v41+s15+$0x0], $0xffff  }
0x9b: {  	v51 =	vadd.s32 v0, v18;
	v45 =	vld.idx.msk [tilespmem:v45+s15+$0x0], $0xffff;
	[tilespmem:s0+$0x360] =	vst v36  }
0x9c: {  	v52 =	vadd.s32 v7, v13;
	v36 =	vadd.s32 v0, v38;
	s0 =	sadd.s32 $0x800, s0;
	[tilespmem:s12+$0x240] =	vst v32;
	v32 =	vld.idx.msk [tilespmem:v35+s15+$0x0], $0xffff  }
0x9d: {  	v35 =	vadd.s32 v3, v39;
	v26 =	vld.idx.msk [tilespmem:v26+s15+$0x0], $0xffff;
	[tilespmem:s1+$0xFFFFFDE0] =	vst v50  }
0x9e: {  	v50 =	vadd.s32 v3, v33;
	v53 =	vld.idx.msk [tilespmem:v24+s15+$0x0], $0xffff;
	[tilespmem:s12+$0x160] =	vst v30  }
0x9f: {  	v30 =	vadd.s32 v3, v14;
	v24 =	vld.idx.msk [tilespmem:v49+s15+$0x0], $0xffff;
	[tilespmem:s1+$0xFFFFFFE0] =	vst v42  }
0xa0: {  	v40 =	vadd.s32 v3, v16;
	v28 =	vld.idx.msk [tilespmem:v28+s15+$0x0], $0xffff;
	[tilespmem:s1+$0xFFFFFCE0] =	vst v41  }
0xa1: {  	[tilespmem:s0+$0x0] =	vst v45;
	v45 =	vadd.s32 v3, v43;
	v49 =	vld.idx.msk [tilespmem:v52+s15+$0x0], $0xffff  }
0xa2: {  	v44 =	vld.idx.msk [tilespmem:v44+s15+$0x0], $0xffff;
	[tilespmem:s12+$0x380] =	vst v32  }
0xa3: {  	v52 =	vadd.s32 v3, v38;
	v32 =	vld.idx.msk [tilespmem:v47+s15+$0x0], $0xffff;
	v47 =	vadd.s32 v4, v17;
	[tilespmem:s1+$0x2E0] =	vst v34;
	s1 =	smov.u32 s12;
	s12 =	smov.u32 s0  }
0xa4: {  	v54 =	vadd.s32 v4, v39;
	v48 =	vld.idx.msk [tilespmem:v48+s15+$0x0], $0xffff;
	[tilespmem:s1+$0xFFFFFF60] =	vst v37;
	v37 =	vadd.s32 v7, v15  }
0xa5: {  	v41 =	vadd.s32 v4, v33;
	v34 =	vadd.s32 v3, v18;
	v51 =	vld.idx.msk [tilespmem:v51+s15+$0x0], $0xffff;
	[tilespmem:s1+$0xFFFFFC20] =	vst v46  }
0xa6: {  	[tilespmem:s0+$0xFFFFFD00] =	vst v24;
	v24 =	vadd.s32 v4, v14;
	v36 =	vld.idx.msk [tilespmem:v36+s15+$0x0], $0xffff  }
0xa7: {  	v42 =	vadd.s32 v4, v16;
	v35 =	vld.idx.msk [tilespmem:v35+s15+$0x0], $0xffff;
	[tilespmem:s1+$0x180] =	vst v28  }
0xa8: {  	v46 =	vadd.s32 v4, v43;
	v28 =	vld.idx.msk [tilespmem:v47+s15+$0x0], $0xffff;
	[tilespmem:s1+$0xFFFFFEA0] =	vst v49  }
0xa9: {  	[tilespmem:s1+$0xFFFFFD40] =	vst v53;
	v47 =	vld.idx.msk [tilespmem:v37+s15+$0x0], $0xffff  }
0xaa: {  	v49 =	vadd.s32 v4, v38;
	v53 =	vadd.s32 v5, v17;
	[tilespmem:s0+$0xFFFFFF00] =	vst v32;
	v55 =	vld.idx.msk [tilespmem:v22+s15+$0x0], $0xffff  }
0xab: {  	v57 =	vadd.s32 v5, v39;
	v56 =	vld.idx.msk [tilespmem:v30+s15+$0x0], $0xffff;
	[tilespmem:s0+$0x300] =	vst v48;
	v48 =	vadd.s32 v8, v15  }
0xac: {  	v32 =	vadd.s32 v4, v18;
	v30 =	vadd.s32 v5, v33;
	[tilespmem:s0+$0xFFFFFE00] =	vst v36;
	v45 =	vld.idx.msk [tilespmem:v45+s15+$0x0], $0xffff  }
0xad: {  	v22 =	vadd.s32 v5, v14;
	[tilespmem:s0+$0x20] =	vst v35;
	v58 =	vld.idx.msk [tilespmem:v25+s15+$0x0], $0xffff  }
0xae: {  	v37 =	vadd.s32 v5, v16;
	v35 =	vld.idx.msk [tilespmem:v52+s15+$0x0], $0xffff;
	[tilespmem:s1+$0xFFFFFC40] =	vst v28;
	v52 =	vadd.s32 v7, v12  }
0xaf: {  	v59 =	vadd.s32 v7, v10;
	v36 =	vadd.s32 v5, v43;
	v53 =	vld.idx.msk [tilespmem:v53+s15+$0x0], $0xffff;
	[tilespmem:s1+$0x3A0] =	vst v47  }
0xb0: {  	v47 =	vld.idx.msk [tilespmem:v54+s15+$0x0], $0xffff;
	[tilespmem:s0+$0x100] =	vst v44  }
0xb1: {  	v44 =	vadd.s32 v5, v38;
	v54 =	vadd.s32 v6, v17;
	[tilespmem:s1+$0x80] =	vst v26;
	v48 =	vld.idx.msk [tilespmem:v48+s15+$0x0], $0xffff  }
0xb2: {  	v60 =	vadd.s32 v0, v31;
	v26 =	vadd.s32 v6, v39;
	[tilespmem:s0+$0xFFFFFD20] =	vst v56;
	v50 =	vld.idx.msk [tilespmem:v50+s15+$0x0], $0xffff  }
0xb3: {  	v25 =	vadd.s32 v5, v18;
	v28 =	vadd.s32 v6, v33;
	[tilespmem:s0+$0x200] =	vst v51;
	v51 =	vld.idx.msk [tilespmem:v52+s15+$0x0], $0xffff  }
0xb4: {  	v52 =	vadd.s32 v6, v14;
	[tilespmem:s0+$0xFFFFFE20] =	vst v35;
	v56 =	vld.idx.msk [tilespmem:v59+s15+$0x0], $0xffff;
	v59 =	vadd.s32 v6, v11  }
0xb5: {  	v61 =	vadd.s32 v6, v16;
	v49 =	vld.idx.msk [tilespmem:v49+s15+$0x0], $0xffff;
	[tilespmem:s1+$0xFFFFFD60] =	vst v55;
	v55 =	vadd.s32 v9, v15;
	v15 =	vmov v43  }
0xb6: {  	[tilespmem:s0+$0x40] =	vst v47;
	v35 =	vadd.s32 v6, v15;
	v43 =	vld.idx.msk [tilespmem:v21+s15+$0x0], $0xffff;
	v47 =	vadd.s32 v8, v12;
	v21 =	vmov v52  }
0xb7: {  	v52 =	vld.idx.msk [tilespmem:v60+s15+$0x0], $0xffff;
	[tilespmem:s1+$0xFFFFFC60] =	vst v53;
	v53 =	vadd.s32 v8, v10  }
0xb8: {  	v54 =	vld.idx.msk [tilespmem:v54+s15+$0x0], $0xffff;
	[tilespmem:s1+$0x260] =	vst v58  }
0xb9: {  	v58 =	vld.idx.msk [tilespmem:v59+s15+$0x0], $0xffff;
	[tilespmem:s1+$0x3C0] =	vst v48  }
0xba: {  	v48 =	vadd.s32 v7, v27;
	[tilespmem:s1+$0x1A0] =	vst v51;
	v51 =	vld.idx.msk [tilespmem:v55+s15+$0x0], $0xffff  }
0xbb: {  	v55 =	vadd.s32 v7, v11;
	[tilespmem:s1+$0xA0] =	vst v56;
	v47 =	vld.idx.msk [tilespmem:v47+s15+$0x0], $0xffff  }
0xbc: {  	[tilespmem:s0+$0xFFFFFE40] =	vst v49;
	v49 =	vld.idx.msk [tilespmem:v53+s15+$0x0], $0xffff  }
0xbd: {  	[tilespmem:s0+$0xFFFFFC00] =	vst v52;
	v52 =	vld.idx.msk [tilespmem:v44+s15+$0x0], $0xffff  }
0xbe: {  	v53 =	vld.idx.msk [tilespmem:v40+s15+$0x0], $0xffff;
	v40 =	vadd.s32 v7, v17;
	[tilespmem:s1+$0xFFFFFD80] =	vst v43  }
0xbf: {  	v43 =	vadd.s32 v8, v13;
	v48 =	vld.idx.msk [tilespmem:v48+s15+$0x0], $0xffff;
	[tilespmem:s1+$0x280] =	vst v58  }
0xc0: {  	v56 =	vadd.s32 v9, v10;
	v10 =	vmov v39;
	v55 =	vld.idx.msk [tilespmem:v55+s15+$0x0], $0xffff;
	[tilespmem:s1+$0x3E0] =	vst v51  }
0xc1: {  	v51 =	vadd.s32 v6, v38;
	[tilespmem:s0+$0x320] =	vst v45;
	v45 =	vld.idx.msk [tilespmem:v20+s15+$0x0], $0xffff;
	v20 =	vmov v61  }
0xc2: {  	v39 =	vld.idx.msk [tilespmem:v46+s15+$0x0], $0xffff;
	[tilespmem:s1+$0xFFFFFC80] =	vst v54  }
0xc3: {  	v44 =	vld.idx.msk [tilespmem:v40+s15+$0x0], $0xffff;
	[tilespmem:s1+$0xC0] =	vst v49  }
0xc4: {  	v54 =	vld.idx.msk [tilespmem:v43+s15+$0x0], $0xffff;
	v43 =	vadd.s32 v7, v29;
	[tilespmem:s1+$0x1C0] =	vst v47  }
0xc5: {  	[tilespmem:s0+$0xFFFFFE60] =	vst v52;
	v52 =	vld.idx.msk [tilespmem:v56+s15+$0x0], $0xffff  }
0xc6: {  	v47 =	vadd.s32 v9, v13;
	v13 =	vmov v38;
	v40 =	vld.idx.msk [tilespmem:v51+s15+$0x0], $0xffff;
	[tilespmem:s1+$0x2A0] =	vst v55  }
0xc7: {  	[tilespmem:s0+$0xFFFFFF20] =	vst v53;
	v49 =	vld.idx.msk [tilespmem:v57+s15+$0x0], $0xffff;
	v53 =	vadd.s32 v8, v27  }
.Ltmp2:
0xc8: {  	v51 =	vadd.s32 v8, v11;
	v46 =	vld.idx.msk [tilespmem:v42+s15+$0x0], $0xffff;
	[tilespmem:s1+$0xFFFFFF80] =	vst v45;
	(pc) =	sbr.rel @p1 .LBB2_3-.Ltmp2, $4  }
0xc9: {  	[tilespmem:s0+$0x120] =	vst v50;
	v38 =	vld.idx.msk [tilespmem:v43+s15+$0x0], $0xffff  }
0xca: {  	v43 =	vld.idx.msk [tilespmem:v41+s15+$0x0], $0xffff;
	v41 =	vadd.s32 v9, v17;
	[tilespmem:s1+$0xFFFFFEC0] =	vst v54  }
0xcb: {  	v42 =	vadd.s32 v9, v29;
	v50 =	vadd.s32 v9, v12;
	v12 =	vmov v33;
	[tilespmem:s1+$0xFFFFFDA0] =	vst v48;
	v45 =	vld.idx.msk [tilespmem:v47+s15+$0x0], $0xffff  }
0xcc: {  	s5 =	sadd.s32 $0x40, s5;
	v33 =	vadd.s32 v9, v27;
	v48 =	vadd.s32 v8, v17;
	v17 =	vmov v31;
	v47 =	vld.idx.msk [tilespmem:v53+s15+$0x0], $0xffff;
	[tilespmem:s1+$0xE0] =	vst v52  }
0xcd: {  	[tilespmem:s0+$0x60] =	vst v49  }
0xce: {  	[tilespmem:s0+$0xFFFFFF40] =	vst v46  }
0xcf: {  	[tilespmem:s1+$0xFFFFFCA0] =	vst v44  }
0xd0: {  	[tilespmem:s0+$0x340] =	vst v39  }
0xd1: {  	v27 =	vld.idx.msk [tilespmem:v51+s15+$0x0], $0xffff;
	[tilespmem:s0+$0xFFFFFE80] =	vst v40  }
0xd2: {  	v29 =	vld.idx.msk [tilespmem:v34+s15+$0x0], $0xffff;
	[tilespmem:s1+$0xFFFFFFA0] =	vst v38  }
0xd3: {  	v31 =	vld.idx.msk [tilespmem:v50+s15+$0x0], $0xffff;
	[tilespmem:s0+$0x140] =	vst v43  }
0xd4: {  	v24 =	vld.idx.msk [tilespmem:v24+s15+$0x0], $0xffff;
	[tilespmem:s1+$0xFFFFFEE0] =	vst v45  }
0xd5: {  	v48 =	vld.idx.msk [tilespmem:v48+s15+$0x0], $0xffff;
	[tilespmem:s1+$0xFFFFFDC0] =	vst v47  }
0xd6: {  	v49 =	vld.idx.msk [tilespmem:v36+s15+$0x0], $0xffff;
	[tilespmem:s1+$0x2C0] =	vst v27  }
0xd7: {  	v50 =	vadd.s32 v3, v17;
	v58 =	vld.idx.msk [tilespmem:v37+s15+$0x0], $0xffff;
	[tilespmem:s0+$0x220] =	vst v29  }
0xd8: {  	v59 =	vadd.s32 v7, v13;
	v26 =	vld.idx.msk [tilespmem:v26+s15+$0x0], $0xffff;
	[tilespmem:s1+$0x1E0] =	vst v31  }
0xd9: {  	v23 =	vld.idx.msk [tilespmem:v23+s15+$0x0], $0xffff;
	[tilespmem:s12+$0xFFFFFD40] =	vst v24  }
0xda: {  	v11 =	vadd.s32 v9, v11;
	v51 =	vld.idx.msk [tilespmem:v30+s15+$0x0], $0xffff;
	[tilespmem:s1+$0xFFFFFCC0] =	vst v48  }
0xdb: {  	v33 =	vld.idx.msk [tilespmem:v33+s15+$0x0], $0xffff;
	[tilespmem:s0+$0x360] =	vst v49  }
0xdc: {  	v54 =	vld.idx.msk [tilespmem:v50+s15+$0x0], $0xffff;
	[tilespmem:s12+$0xFFFFFF60] =	vst v58  }
0xdd: {  	v63 =	vld.idx.msk [tilespmem:v59+s15+$0x0], $0xffff;
	[tilespmem:s12+$0x80] =	vst v26  }
0xde: {  	v56 =	vadd.s32 v4, v17;
	[tilespmem:s1+$0xFFFFFFC0] =	vst v23;
	v55 =	vld.idx.msk [tilespmem:v35+s15+$0x0], $0xffff  }
0xdf: {  	v57 =	vadd.s32 v7, v15;
	v11 =	vld.idx.msk [tilespmem:v11+s15+$0x0], $0xffff;
	[tilespmem:s12+$0x160] =	vst v51  }
0xe0: {  	v32 =	vld.idx.msk [tilespmem:v32+s15+$0x0], $0xffff;
	[tilespmem:s1+$0xFFFFFDE0] =	vst v33  }
0xe1: {  	v22 =	vld.idx.msk [tilespmem:v22+s15+$0x0], $0xffff;
	[tilespmem:s12+$0xFFFFFC20] =	vst v54  }
0xe2: {  	v53 =	vld.idx.msk [tilespmem:v41+s15+$0x0], $0xffff;
	[tilespmem:s12+$0xFFFFFEA0] =	vst v63  }
0xe3: {  	v61 =	vld.idx.msk [tilespmem:v56+s15+$0x0], $0xffff;
	[tilespmem:s12+$0x380] =	vst v55  }
0xe4: {  	v62 =	vadd.s32 v5, v17;
	[tilespmem:s1+$0x2E0] =	vst v11;
	v11 =	vld.idx.msk [tilespmem:v57+s15+$0x0], $0xffff  }
0xe5: {  	v35 =	vadd.s32 v7, v10;
	v20 =	vld.idx.msk [tilespmem:v20+s15+$0x0], $0xffff;
	[tilespmem:s12+$0x240] =	vst v32  }
0xe6: {  	v52 =	vld.idx.msk [tilespmem:v42+s15+$0x0], $0xffff;
	[tilespmem:s12+$0xFFFFFD60] =	vst v22  }
0xe7: {  	v43 =	vadd.s32 v7, v16;
	v60 =	vld.idx.msk [tilespmem:v28+s15+$0x0], $0xffff;
	[tilespmem:s1+$0xFFFFFCE0] =	vst v53  }
0xe8: {  	v34 =	vadd.s32 v7, v12;
	v25 =	vld.idx.msk [tilespmem:v25+s15+$0x0], $0xffff;
	[tilespmem:s12+$0xFFFFFC40] =	vst v61  }
0xe9: {  	v23 =	vld.idx.msk [tilespmem:v62+s15+$0x0], $0xffff;
	[tilespmem:s12+$0x3A0] =	vst v11;
	v11 =	vadd.s32 v6, v18  }
0xea: {  	v37 =	vadd.s32 v6, v17;
	v26 =	vld.idx.msk [tilespmem:v35+s15+$0x0], $0xffff;
	[tilespmem:s12+$0xFFFFFF80] =	vst v20  }
0xeb: {  	v47 =	vadd.s32 v8, v13;
	v21 =	vld.idx.msk [tilespmem:v21+s15+$0x0], $0xffff;
	[tilespmem:s1+$0xFFFFFFE0] =	vst v52  }
0xec: {  	v39 =	vadd.s32 v8, v10;
	v49 =	vld.idx.msk [tilespmem:v43+s15+$0x0], $0xffff;
	[tilespmem:s12+$0x180] =	vst v60  }
0xed: {  	v33 =	vadd.s32 v8, v15;
	v24 =	vld.idx.msk [tilespmem:v34+s15+$0x0], $0xffff;
	[tilespmem:s12+$0x260] =	vst v25  }
0xee: {  	[tilespmem:s12+$0xFFFFFC60] =	vst v23;
	v11 =	vld.idx.msk [tilespmem:v11+s15+$0x0], $0xffff  }
0xef: {  	v41 =	vadd.s32 v7, v14;
	[tilespmem:s12+$0xA0] =	vst v26;
	v42 =	vld.idx.msk [tilespmem:v37+s15+$0x0], $0xffff  }
0xf0: {  	v44 =	vadd.s32 v7, v17;
	[tilespmem:s12+$0xFFFFFD80] =	vst v21;
	v25 =	vld.idx.msk [tilespmem:v47+s15+$0x0], $0xffff  }
0xf1: {  	v45 =	vadd.s32 v7, v18;
	v22 =	vld.idx.msk [tilespmem:v39+s15+$0x0], $0xffff;
	[tilespmem:s12+$0xFFFFFFA0] =	vst v49  }
0xf2: {  	v40 =	vadd.s32 v8, v12;
	v36 =	vld.idx.msk [tilespmem:v33+s15+$0x0], $0xffff;
	[tilespmem:s12+$0x1A0] =	vst v24  }
0xf3: {  	v10 =	vadd.s32 v9, v10;
	v57 =	vld.idx.msk [tilespmem:v19+s15+$0x0], $0xffff;
	[tilespmem:s12+$0x280] =	vst v11  }
0xf4: {  	v54 =	vadd.s32 v9, v13;
	v11 =	vld.idx.msk [tilespmem:v41+s15+$0x0], $0xffff;
	[tilespmem:s12+$0xFFFFFC80] =	vst v42  }
0xf5: {  	v48 =	vadd.s32 v8, v14;
	[tilespmem:s12+$0xFFFFFEC0] =	vst v25;
	v50 =	vld.idx.msk [tilespmem:v44+s15+$0x0], $0xffff  }
0xf6: {  	v52 =	vadd.s32 v8, v17;
	[tilespmem:s12+$0xC0] =	vst v22;
	v51 =	vld.idx.msk [tilespmem:v45+s15+$0x0], $0xffff  }
0xf7: {  	v53 =	vadd.s32 v8, v18;
	v46 =	vld.idx.msk [tilespmem:v40+s15+$0x0], $0xffff;
	[tilespmem:s12+$0x3C0] =	vst v36  }
0xf8: {  	v38 =	vadd.s32 v9, v15;
	v10 =	vld.idx.msk [tilespmem:v10+s15+$0x0], $0xffff;
	[tilespmem:s12+$0xFFFFFFC0] =	vst v57  }
0xf9: {  	v58 =	vadd.s32 v9, v16;
	v13 =	vld.idx.msk [tilespmem:v54+s15+$0x0], $0xffff;
	[tilespmem:s12+$0xFFFFFDA0] =	vst v11  }
0xfa: {  	v11 =	vadd.s32 v9, v12;
	v55 =	vld.idx.msk [tilespmem:v48+s15+$0x0], $0xffff;
	[tilespmem:s12+$0xFFFFFCA0] =	vst v50  }
0xfb: {  	v56 =	vadd.s32 v9, v14;
	[tilespmem:s12+$0x2A0] =	vst v51;
	v59 =	vld.idx.msk [tilespmem:v52+s15+$0x0], $0xffff  }
0xfc: {  	v60 =	vadd.s32 v9, v17;
	[tilespmem:s12+$0x1C0] =	vst v46;
	v61 =	vld.idx.msk [tilespmem:v53+s15+$0x0], $0xffff  }
0xfd: {  	v15 =	vld.idx.msk [tilespmem:v38+s15+$0x0], $0xffff;
	[tilespmem:s12+$0xE0] =	vst v10;
	v10 =	vadd.s32 v9, v18  }
0xfe: {  	v62 =	vld.idx.msk [tilespmem:v58+s15+$0x0], $0xffff;
	[tilespmem:s12+$0xFFFFFEE0] =	vst v13  }
0xff: {  	v11 =	vld.idx.msk [tilespmem:v11+s15+$0x0], $0xffff;
	[tilespmem:s12+$0xFFFFFDC0] =	vst v55  }
0x100: {  	v12 =	vld.idx.msk [tilespmem:v56+s15+$0x0], $0xffff;
	[tilespmem:s12+$0xFFFFFCC0] =	vst v59  }
0x101: {  	[tilespmem:s12+$0x2C0] =	vst v61;
	v63 =	vld.idx.msk [tilespmem:v60+s15+$0x0], $0xffff  }
0x102: {  	[tilespmem:s12+$0x3E0] =	vst v15;
	v10 =	vld.idx.msk [tilespmem:v10+s15+$0x0], $0xffff  }
0x103: {  	[tilespmem:s12+$0xFFFFFFE0] =	vst v62  }
0x104: {  	[tilespmem:s12+$0x1E0] =	vst v11  }
0x105: {  	[tilespmem:s12+$0xFFFFFDE0] =	vst v12  }
0x106: {  	[tilespmem:s12+$0xFFFFFCE0] =	vst v63  }
0x107: {  	s0 =	simm.s32 $0x3C0;
	[tilespmem:s12+$0x2E0] =	vst v10  }
.LBB2_5:
0x108: {  	v10 =	vmov s0  }
0x109: {  	v10 =	vshrl.u32 v10, $0x3  }
0x10a: {  	v10 =	vshll.u32 v10, $0x3  }
0x10b: {  	v10 =	vbroadcast v10, $0x0;
	_ =	sdelay $0x1  }
0x10c: {  	v11 =	vadd.s32 v0, v10;
	_ =	sdelay $0x4  }
0x10d: {  	v11 =	vld.idx.msk [tilespmem:v11+s15+$0x0], $0xffff  }
0x10e: {  	v12 =	vadd.s32 v3, v10;
	_ =	sdelay $0x2  }
0x10f: {  	s1 =	sshra.s32 s26, $0x2  }
0x110: {  	[tilespmem:s1+$0x12AE8] =	vst v11  }
0x111: {  	v11 =	vld.idx.msk [tilespmem:v12+s15+$0x0], $0xffff  }
0x112: {  	v59 =	vadd.s32 v4, v10;
	_ =	sdelay $0x3  }
0x113: {  	[tilespmem:s1+$0x12B08] =	vst v11  }
0x114: {  	v11 =	vld.idx.msk [tilespmem:v59+s15+$0x0], $0xffff  }
0x115: {  	v60 =	vadd.s32 v5, v10;
	_ =	sdelay $0x3  }
0x116: {  	[tilespmem:s1+$0x12B28] =	vst v11  }
0x117: {  	v11 =	vld.idx.msk [tilespmem:v60+s15+$0x0], $0xffff  }
0x118: {  	v61 =	vadd.s32 v6, v10;
	_ =	sdelay $0x3  }
0x119: {  	[tilespmem:s1+$0x12B48] =	vst v11  }
0x11a: {  	v11 =	vld.idx.msk [tilespmem:v61+s15+$0x0], $0xffff  }
0x11b: {  	v62 =	vadd.s32 v7, v10;
	_ =	sdelay $0x3  }
0x11c: {  	[tilespmem:s1+$0x12B68] =	vst v11  }
0x11d: {  	v11 =	vld.idx.msk [tilespmem:v62+s15+$0x0], $0xffff  }
0x11e: {  	v63 =	vadd.s32 v8, v10;
	_ =	sdelay $0x3  }
0x11f: {  	[tilespmem:s1+$0x12B88] =	vst v11  }
0x120: {  	v11 =	vld.idx.msk [tilespmem:v63+s15+$0x0], $0xffff  }
0x121: {  	v10 =	vadd.s32 v9, v10;
	_ =	sdelay $0x3  }
0x122: {  	[tilespmem:s1+$0x12BA8] =	vst v11  }
0x123: {  	p1 =	sne.s32 s26, $0x1000;
	v10 =	vld.idx.msk [tilespmem:v10+s15+$0x0], $0xffff  }
.Ltmp3:
0x124: {  	_ = 	snop;
	(pc) =	sbr.rel @p1 .LBB2_5-.Ltmp3, $2  }
0x125: {  	_ =	sdelay $0x2  }
0x126: {  	s0 =	sadd.s32 $0x8, s0;
	s26 =	sadd.s32 $0x400, s26;
	[tilespmem:s1+$0x12BC8] =	vst v10  }
0x127: {  	s26 =	sshll.u32 s25, $0x6  }
0x128: {  	v10 =	vld [tilespmem:s26+$0x1900]  }
0x129: {  	v11 =	vld [tilespmem:s26+$0x0];
	_ =	sdelay $0x3  }
0x12a: {  	v10 =	vadd.s32 v0, v10;
	_ =	sdelay $0x3  }
0x12b: {  	v11 =	vld.idx.msk [tilespmem:v11+s13+$0x0], $0xffff  }
0x12c: {  	v10 =	vld.idx.msk [tilespmem:v10+s15+$0x0], $0xffff;
	_ =	sdelay $0x1  }
0x12d: {  	v12 =	vld [tilespmem:$0x1ACE8];
	_ =	sdelay $0x2  }
0x12e: {  	v10 =	vsub.f32 v11, v10  }
0x12f: {  	s0 =	simm.s32 $0x10  }
0x130: {  	v11 =	vmov s0;
	v10 =	vadd.f32 v10, v12  }
0x131: {  	s1 =	sor.u32 $0x2, s31;
	v11 =	vshrl.u32 v11, $0x3  }
0x132: {  	s8 =	simm.s32 $0x8;
	s30 =	sshll.u32 s1, $0x4;
	[tilespmem:$0x1ACE8] =	vst v10;
	v10 =	vshll.u32 v11, v2  }
0x133: {  	s7 =	simm.s32 $0x20;
	s9 =	simm.s32 $0x38;
	s5 =	sand.u32 $0x3FFFFFF0, s30;
	v12 =	vmov s8;
	v20 =	vbroadcast v10, $0x0  }
0x134: {  	v14 =	vmov s9;
	v12 =	vshrl.u32 v12, $0x3;
	[tilespmem:s15], [sflag:$0x1] =	stream.indirect.gather [hbm4b:s4+s14], $0x3E8, s5, s14, $0xb8;
	v10 =	vmov s7;
	[tilespmem:$0x1ACF8] =	vst v63  }
0x135: {  	v12 =	vshll.u32 v12, v2;
	s5 =	simm.s32 $0x18;
	v10 =	vshrl.u32 v10, $0x3;
	v11 =	vadd.s32 v0, v20  }
0x136: {  	s10 =	simm.s32 $0x28;
	v27 =	vbroadcast v12, $0x0;
	v13 =	vmov s5;
	v10 =	vshll.u32 v10, v2  }
0x137: {  	v15 =	vmov s10;
	_ =	swait.ge [sflag:s18], $0x3E80;
	v13 =	vshrl.u32 v13, $0x3;
	v21 =	vbroadcast v10, $0x0  }
0x138: {  	[sflag:s18] =	ssyncset.done $0x0;
	v10 =	vshrl.u32 v14, $0x3;
	v14 =	vshrl.u32 v15, $0x3;
	v15 =	vadd.s32 v0, v27  }
0x139: {  	[sflag:s18] =	ssyncadd.s32 $0xFFFFC180;
	v13 =	vshll.u32 v13, v2;
	v12 =	vadd.s32 v0, v21  }
0x13a: {  	v14 =	vshll.u32 v14, v2;
	v10 =	vshll.u32 v10, v2;
	v31 =	vbroadcast v13, $0x0;
	v11 =	vld.idx.msk [tilespmem:v11+s16+$0x0], $0xffff  }
0x13b: {  	v29 =	vbroadcast v14, $0x0;
	v14 =	vadd.s32 v3, v20;
	v19 =	vbroadcast v10, $0x0  }
0x13c: {  	s12 =	simm.s32 $0x30;
	v17 =	vadd.s32 v0, v31  }
0x13d: {  	v10 =	vmov s12;
	v16 =	vadd.s32 v0, v19;
	v15 =	vld.idx.msk [tilespmem:v15+s16+$0x0], $0xffff  }
0x13e: {  	s1 =	simm.s32 $0xB6F8;
	v23 =	vadd.s32 v3, v27;
	v10 =	vshrl.u32 v10, $0x3;
	v12 =	vld.idx.msk [tilespmem:v12+s16+$0x0], $0xffff  }
0x13f: {  	v13 =	vadd.s32 v0, v29;
	v10 =	vshll.u32 v10, v2;
	[tilespmem:s1+$0xFFFFFE00] =	vst v11  }
0x140: {  	v11 =	vbroadcast v10, $0x0;
	v10 =	vadd.s32 v3, v21;
	v14 =	vld.idx.msk [tilespmem:v14+s16+$0x0], $0xffff  }
0x141: {  	v18 =	vadd.s32 v4, v20;
	v17 =	vld.idx.msk [tilespmem:v17+s16+$0x0], $0xffff  }
0x142: {  	v16 =	vld.idx.msk [tilespmem:v16+s16+$0x0], $0xffff;
	[tilespmem:s1+$0xFFFFFD00] =	vst v15;
	v22 =	vadd.s32 v0, v11  }
0x143: {  	s29 =	simm.s32 $0x0;
	v23 =	vld.idx.msk [tilespmem:v23+s16+$0x0], $0xffff;
	[tilespmem:s1+$0x0] =	vst v12;
	v12 =	vadd.s32 v3, v19  }
0x144: {  	v24 =	vmov s29;
	v28 =	vadd.s32 v4, v27;
	v13 =	vld.idx.msk [tilespmem:v13+s16+$0x0], $0xffff  }
0x145: {  	v24 =	vshrl.u32 v24, $0x3;
	v25 =	vadd.s32 v3, v31;
	v10 =	vld.idx.msk [tilespmem:v10+s16+$0x0], $0xffff;
	[tilespmem:s1+$0xFFFFFE20] =	vst v14  }
0x146: {  	[tilespmem:s1+$0xFFFFFF00] =	vst v17;
	v14 =	vshll.u32 v24, v2;
	v24 =	vadd.s32 v4, v21;
	v18 =	vld.idx.msk [tilespmem:v18+s16+$0x0], $0xffff  }
0x147: {  	v15 =	vadd.s32 v5, v20;
	[tilespmem:s1+$0x300] =	vst v16;
	v33 =	vbroadcast v14, $0x0;
	v14 =	vld.idx.msk [tilespmem:v22+s16+$0x0], $0xffff  }
0x148: {  	v22 =	vadd.s32 v3, v29;
	[tilespmem:s1+$0xFFFFFD20] =	vst v23;
	v12 =	vld.idx.msk [tilespmem:v12+s16+$0x0], $0xffff  }
0x149: {  	[tilespmem:s1+$0x100] =	vst v13;
	v28 =	vld.idx.msk [tilespmem:v28+s16+$0x0], $0xffff;
	v16 =	vadd.s32 v0, v33  }
0x14a: {  	v17 =	vadd.s32 v4, v19;
	[tilespmem:s1+$0x20] =	vst v10;
	v10 =	vld.idx.msk [tilespmem:v25+s16+$0x0], $0xffff  }
0x14b: {  	v44 =	vadd.s32 v5, v27;
	v24 =	vld.idx.msk [tilespmem:v24+s16+$0x0], $0xffff;
	[tilespmem:s1+$0xFFFFFE40] =	vst v18  }
0x14c: {  	v25 =	vadd.s32 v4, v31;
	[tilespmem:s1+$0x200] =	vst v14;
	v13 =	vld.idx.msk [tilespmem:v15+s16+$0x0], $0xffff  }
0x14d: {  	v18 =	vadd.s32 v3, v11;
	v15 =	vld.idx.msk [tilespmem:v22+s16+$0x0], $0xffff;
	[tilespmem:s1+$0x320] =	vst v12  }
0x14e: {  	v26 =	vadd.s32 v4, v29;
	[tilespmem:s1+$0xFFFFFD40] =	vst v28;
	v16 =	vld.idx.msk [tilespmem:v16+s16+$0x0], $0xffff  }
0x14f: {  	v12 =	vadd.s32 v5, v21;
	v17 =	vld.idx.msk [tilespmem:v17+s16+$0x0], $0xffff;
	[tilespmem:s1+$0xFFFFFF20] =	vst v10  }
0x150: {  	s23 =	simm.s32 $0x60;
	v30 =	vadd.s32 v5, v19;
	v46 =	vld.idx.msk [tilespmem:v44+s16+$0x0], $0xffff;
	[tilespmem:s1+$0x40] =	vst v24  }
0x151: {  	v22 =	vadd.s32 v6, v20;
	v10 =	vmov s23;
	v14 =	vld.idx.msk [tilespmem:v25+s16+$0x0], $0xffff;
	[tilespmem:s1+$0xFFFFFE60] =	vst v13  }
0x152: {  	v10 =	vshrl.u32 v10, $0x3;
	v24 =	vadd.s32 v3, v33;
	v13 =	vld.idx.msk [tilespmem:v18+s16+$0x0], $0xffff;
	[tilespmem:s1+$0x120] =	vst v15  }
0x153: {  	s5 =	simm.s32 $0x48;
	v32 =	vadd.s32 v5, v31;
	v10 =	vshll.u32 v10, v2;
	v15 =	vld.idx.msk [tilespmem:v26+s16+$0x0], $0xffff  }
0x154: {  	v25 =	vadd.s32 v5, v29;
	v10 =	vbroadcast v10, $0x0;
	v36 =	vld.idx.msk [tilespmem:v12+s16+$0x0], $0xffff;
	v12 =	vmov s5;
	[tilespmem:s1+$0x340] =	vst v17  }
0x155: {  	s7 =	simm.s32 $0x58;
	v34 =	vadd.s32 v6, v21;
	v18 =	vadd.s32 v4, v11;
	v12 =	vshrl.u32 v12, $0x3;
	v30 =	vld.idx.msk [tilespmem:v30+s16+$0x0], $0xffff  }
0x156: {  	s10 =	simm.s32 $0x68;
	v22 =	vld.idx.msk [tilespmem:v22+s16+$0x0], $0xffff;
	v17 =	vmov s7;
	[tilespmem:s1+$0xFFFFFC00] =	vst v16;
	v37 =	vadd.s32 v0, v10;
	v12 =	vshll.u32 v12, v2  }
0x157: {  	v16 =	vmov s10;
	v17 =	vshrl.u32 v17, $0x3;
	[tilespmem:s1+$0xFFFFFF40] =	vst v14;
	v14 =	vbroadcast v12, $0x0;
	v24 =	vld.idx.msk [tilespmem:v24+s16+$0x0], $0xffff  }
0x158: {  	v35 =	vadd.s32 v6, v19;
	v12 =	vshrl.u32 v16, $0x3;
	v16 =	vshll.u32 v17, v2;
	v32 =	vld.idx.msk [tilespmem:v32+s16+$0x0], $0xffff;
	[tilespmem:s1+$0x140] =	vst v15  }
0x159: {  	v12 =	vshll.u32 v12, v2;
	v16 =	vbroadcast v16, $0x0;
	[tilespmem:s1+$0x220] =	vst v13;
	v58 =	vadd.s32 v0, v14;
	v25 =	vld.idx.msk [tilespmem:v25+s16+$0x0], $0xffff  }
0x15a: {  	s8 =	simm.s32 $0x78;
	v12 =	vbroadcast v12, $0x0;
	v39 =	vld.idx.msk [tilespmem:v18+s16+$0x0], $0xffff;
	[tilespmem:s1+$0x360] =	vst v30;
	v30 =	vadd.s32 v7, v20  }
0x15b: {  	v38 =	vmov s8;
	[tilespmem:s1+$0x60] =	vst v36;
	v60 =	vadd.s32 v0, v16;
	v17 =	vld.idx.msk [tilespmem:v37+s16+$0x0], $0xffff  }
0x15c: {  	s12 =	simm.s32 $0x70;
	v42 =	vadd.s32 v4, v33;
	v26 =	vadd.s32 v6, v29;
	v34 =	vld.idx.msk [tilespmem:v34+s16+$0x0], $0xffff;
	v23 =	vadd.s32 v0, v12  }
0x15d: {  	s9 =	simm.s32 $0x50;
	v63 =	vadd.s32 v3, v10;
	v18 =	vshrl.u32 v38, $0x3;
	v15 =	vmov s12;
	[tilespmem:s1+$0xFFFFFE80] =	vst v22;
	v35 =	vld.idx.msk [tilespmem:v35+s16+$0x0], $0xffff  }
0x15e: {  	v13 =	vmov s9;
	v15 =	vshrl.u32 v15, $0x3;
	v18 =	vshll.u32 v18, v2;
	[tilespmem:s1+$0x160] =	vst v25;
	v25 =	vld.idx.msk [tilespmem:v58+s16+$0x0], $0xffff  }
0x15f: {  	s0 =	simm.s32 $0xBEF8;
	v13 =	vshrl.u32 v13, $0x3;
	v59 =	vshll.u32 v15, v2;
	v15 =	vbroadcast v18, $0x0;
	[tilespmem:s1+$0xFFFFFC20] =	vst v24;
	v30 =	vld.idx.msk [tilespmem:v30+s16+$0x0], $0xffff  }
0x160: {  	v43 =	vadd.s32 v7, v19;
	v13 =	vshll.u32 v13, v2;
	v18 =	vbroadcast v59, $0x0;
	[tilespmem:s0+$0x0] =	vst v17;
	v17 =	vld.idx.msk [tilespmem:v60+s16+$0x0], $0xffff  }
0x161: {  	v13 =	vbroadcast v13, $0x0;
	v61 =	vadd.s32 v0, v15;
	[tilespmem:s1+$0x240] =	vst v39;
	v23 =	vld.idx.msk [tilespmem:v23+s16+$0x0], $0xffff  }
0x162: {  	v22 =	vadd.s32 v0, v18;
	v26 =	vld.idx.msk [tilespmem:v26+s16+$0x0], $0xffff;
	[tilespmem:s1+$0x380] =	vst v35  }
0x163: {  	v62 =	vadd.s32 v0, v13;
	v39 =	vld.idx.msk [tilespmem:v63+s16+$0x0], $0xffff;
	[tilespmem:s0+$0xFFFFFD00] =	vst v25  }
0x164: {  	v24 =	vadd.s32 v3, v14;
	v35 =	vld.idx.msk [tilespmem:v42+s16+$0x0], $0xffff;
	[tilespmem:s1+$0xFFFFFEA0] =	vst v30  }
0x165: {  	v47 =	vadd.s32 v4, v10;
	v28 =	vld.idx.msk [tilespmem:v43+s16+$0x0], $0xffff;
	[tilespmem:s0+$0xFFFFFF00] =	vst v17  }
0x166: {  	v48 =	vadd.s32 v8, v19;
	v36 =	vld.idx.msk [tilespmem:v61+s16+$0x0], $0xffff;
	[tilespmem:s0+$0x100] =	vst v23  }
0x167: {  	v50 =	vadd.s32 v7, v29;
	v22 =	vld.idx.msk [tilespmem:v22+s16+$0x0], $0xffff;
	[tilespmem:s1+$0x180] =	vst v26  }
0x168: {  	v45 =	vadd.s32 v3, v15;
	v25 =	vld.idx.msk [tilespmem:v62+s16+$0x0], $0xffff;
	[tilespmem:s0+$0x20] =	vst v39  }
0x169: {  	v17 =	vadd.s32 v5, v33;
	v24 =	vld.idx.msk [tilespmem:v24+s16+$0x0], $0xffff;
	[tilespmem:s1+$0xFFFFFC40] =	vst v35  }
0x16a: {  	v40 =	vadd.s32 v3, v12;
	[tilespmem:s1+$0x3A0] =	vst v28;
	v37 =	vld.idx.msk [tilespmem:v47+s16+$0x0], $0xffff  }
0x16b: {  	s23 =	simm.s32 $0x40;
	v23 =	vadd.s32 v6, v27;
	[tilespmem:s0+$0x300] =	vst v36;
	v52 =	vld.idx.msk [tilespmem:v48+s16+$0x0], $0xffff  }
0x16c: {  	v49 =	vmov s23;
	v30 =	vadd.s32 v3, v13;
	[tilespmem:s0+$0x200] =	vst v22;
	v22 =	vld.idx.msk [tilespmem:v50+s16+$0x0], $0xffff  }
0x16d: {  	v38 =	vshrl.u32 v49, $0x3;
	v26 =	vadd.s32 v5, v11;
	[tilespmem:s0+$0xFFFFFE00] =	vst v25;
	v25 =	vld.idx.msk [tilespmem:v45+s16+$0x0], $0xffff  }
0x16e: {  	[tilespmem:s1+$0xFFFFFD60] =	vst v46;
	v46 =	vadd.s32 v8, v20;
	v38 =	vshll.u32 v38, v2;
	v51 =	vld.idx.msk [tilespmem:v17+s16+$0x0], $0xffff  }
0x16f: {  	v19 =	vadd.s32 v9, v19;
	v17 =	vbroadcast v38, $0x0;
	v38 =	vld.idx.msk [tilespmem:v40+s16+$0x0], $0xffff  }
0x170: {  	[tilespmem:s1+$0xFFFFFF60] =	vst v32;
	v32 =	vld.idx.msk [tilespmem:v23+s16+$0x0], $0xffff;
	v23 =	vadd.s32 v8, v29  }
0x171: {  	v41 =	vadd.s32 v7, v21;
	[tilespmem:s1+$0x80] =	vst v34;
	v30 =	vld.idx.msk [tilespmem:v30+s16+$0x0], $0xffff  }
0x172: {  	v26 =	vld.idx.msk [tilespmem:v26+s16+$0x0], $0xffff;
	[tilespmem:s0+$0xFFFFFD20] =	vst v24;
	v24 =	vadd.s32 v6, v33  }
0x173: {  	v58 =	vadd.s32 v7, v27;
	[tilespmem:s1+$0x3C0] =	vst v52;
	v52 =	vld.idx.msk [tilespmem:v46+s16+$0x0], $0xffff  }
0x174: {  	v60 =	vadd.s32 v6, v31;
	[tilespmem:s1+$0x1A0] =	vst v22;
	v22 =	vld.idx.msk [tilespmem:v19+s16+$0x0], $0xffff  }
0x175: {  	v28 =	vadd.s32 v4, v13;
	[tilespmem:s1+$0xFFFFFC60] =	vst v51;
	v59 =	vld.idx.msk [tilespmem:v23+s16+$0x0], $0xffff  }
0x176: {  	v61 =	vadd.s32 v4, v15;
	[tilespmem:s0+$0xFFFFFE20] =	vst v30;
	v30 =	vld.idx.msk [tilespmem:v41+s16+$0x0], $0xffff  }
0x177: {  	v53 =	vadd.s32 v0, v17;
	[tilespmem:s1+$0xFFFFFD80] =	vst v32;
	v57 =	vld.idx.msk [tilespmem:v24+s16+$0x0], $0xffff  }
0x178: {  	v54 =	vadd.s32 v6, v11;
	v47 =	vld.idx.msk [tilespmem:v58+s16+$0x0], $0xffff  }
0x179: {  	[tilespmem:s0+$0x40] =	vst v37;
	v24 =	vadd.s32 v3, v16;
	v41 =	vld.idx.msk [tilespmem:v60+s16+$0x0], $0xffff  }
0x17a: {  	v55 =	vadd.s32 v8, v21;
	[tilespmem:s0+$0x320] =	vst v25;
	v28 =	vld.idx.msk [tilespmem:v28+s16+$0x0], $0xffff  }
0x17b: {  	v62 =	vadd.s32 v7, v33;
	[tilespmem:s0+$0x120] =	vst v38;
	v39 =	vld.idx.msk [tilespmem:v61+s16+$0x0], $0xffff  }
0x17c: {  	v56 =	vadd.s32 v5, v13;
	[tilespmem:s1+$0x260] =	vst v26;
	v36 =	vld.idx.msk [tilespmem:v53+s16+$0x0], $0xffff  }
0x17d: {  	v51 =	vadd.s32 v7, v31;
	v26 =	vld.idx.msk [tilespmem:v54+s16+$0x0], $0xffff;
	[tilespmem:s1+$0xA0] =	vst v30  }
0x17e: {  	v54 =	vadd.s32 v8, v27;
	v43 =	vld.idx.msk [tilespmem:v24+s16+$0x0], $0xffff;
	[tilespmem:s1+$0xFFFFFC80] =	vst v57  }
0x17f: {  	v30 =	vadd.s32 v7, v11;
	[tilespmem:s0+$0xFFFFFE40] =	vst v28;
	v28 =	vld.idx.msk [tilespmem:v55+s16+$0x0], $0xffff  }
0x180: {  	v45 =	vadd.s32 v4, v12;
	[tilespmem:s1+$0xFFFFFEC0] =	vst v52;
	v44 =	vld.idx.msk [tilespmem:v62+s16+$0x0], $0xffff  }
0x181: {  	v21 =	vadd.s32 v9, v21;
	[tilespmem:s1+$0xFFFFFF80] =	vst v41;
	v42 =	vld.idx.msk [tilespmem:v56+s16+$0x0], $0xffff  }
0x182: {  	v49 =	vadd.s32 v6, v13;
	v34 =	vadd.s32 v3, v18;
	[tilespmem:s1+$0xFFFFFDA0] =	vst v47;
	v38 =	vld.idx.msk [tilespmem:v51+s16+$0x0], $0xffff  }
0x183: {  	v63 =	vadd.s32 v9, v20;
	v25 =	vadd.s32 v5, v10;
	[tilespmem:s1+$0x280] =	vst v26;
	v47 =	vld.idx.msk [tilespmem:v54+s16+$0x0], $0xffff  }
0x184: {  	v20 =	vadd.s32 v6, v16;
	v50 =	vadd.s32 v4, v16;
	v48 =	vld.idx.msk [tilespmem:v30+s16+$0x0], $0xffff;
	[tilespmem:s0+$0xFFFFFF20] =	vst v43  }
0x185: {  	v35 =	vadd.s32 v6, v15;
	v37 =	vadd.s32 v5, v16;
	v43 =	vld.idx.msk [tilespmem:v45+s16+$0x0], $0xffff;
	[tilespmem:s1+$0xC0] =	vst v28  }
0x186: {  	v19 =	vadd.s32 v8, v16;
	v23 =	vadd.s32 v8, v31;
	[tilespmem:s0+$0xFFFFFE60] =	vst v42;
	v53 =	vld.idx.msk [tilespmem:v21+s16+$0x0], $0xffff  }
0x187: {  	v32 =	vadd.s32 v4, v18;
	[tilespmem:s1+$0x3E0] =	vst v22;
	v22 =	vadd.s32 v5, v14;
	v40 =	vld.idx.msk [tilespmem:v49+s16+$0x0], $0xffff  }
0x188: {  	[tilespmem:s1+$0x1C0] =	vst v59;
	v24 =	vadd.s32 v4, v14;
	v51 =	vadd.s32 v8, v11;
	v49 =	vld.idx.msk [tilespmem:v25+s16+$0x0], $0xffff  }
0x189: {  	v41 =	vadd.s32 v9, v33;
	[tilespmem:s0+$0xFFFFFC00] =	vst v36;
	v36 =	vadd.s32 v5, v15;
	v46 =	vld.idx.msk [tilespmem:v50+s16+$0x0], $0xffff  }
0x18a: {  	v26 =	vadd.s32 v6, v10;
	v30 =	vadd.s32 v5, v12;
	v45 =	vld.idx.msk [tilespmem:v63+s16+$0x0], $0xffff;
	v28 =	vadd.s32 v6, v12  }
0x18b: {  	v50 =	vadd.s32 v9, v29;
	v21 =	vadd.s32 v6, v14;
	v42 =	vadd.s32 v9, v31;
	[tilespmem:s1+$0x2A0] =	vst v48  }
0x18c: {  	s23 =	simm.s32 $0x8;
	s5 =	simm.s32 $0x80;
	s12 =	simm.s32 $0xBEF8;
	v25 =	vadd.s32 v5, v18;
	v48 =	vadd.s32 v8, v33;
	v33 =	vadd.s32 v9, v27;
	[tilespmem:s1+$0xE0] =	vst v53  }
.LBB2_7:
0x18d: {  	v54 =	vmov s5;
	s7 =	sadd.s32 $0x8, s5;
	s8 =	sadd.s32 $0x18, s5;
	s9 =	sadd.s32 $0x38, s5;
	v52 =	vadd.s32 v3, v17;
	[tilespmem:s0+$0x60] =	vst v49;
	v49 =	vld.idx.msk [tilespmem:v51+s16+$0x0], $0xffff;
	v51 =	vadd.s32 v9, v11;
	v27 =	vmovc v14  }
0x18e: {  	s23 =	sadd.s32 $0x8, s23;
	v29 =	vmovc v16;
	v11 =	vmovc v18;
	v14 =	vshrl.u32 v54, $0x3;
	v31 =	vmov s7;
	s7 =	sadd.s32 $0x10, s5;
	v53 =	vmov s8;
	[tilespmem:s0+$0xFFFFFF40] =	vst v46;
	v34 =	vld.idx.msk [tilespmem:v34+s16+$0x0], $0xffff  }
0x18f: {  	v18 =	vmov s9;
	p1 =	slt.u32 s23, $0x70;
	v14 =	vshll.u32 v14, v2;
	v16 =	vshrl.u32 v53, $0x3;
	v37 =	vld.idx.msk [tilespmem:v37+s16+$0x0], $0xffff;
	[tilespmem:s1+$0xFFFFFFA0] =	vst v38  }
0x190: {  	v38 =	vshrl.u32 v31, $0x3;
	v31 =	vmov s7;
	s7 =	sadd.s32 $0x20, s5;
	v18 =	vshrl.u32 v18, $0x3;
	[tilespmem:s1+$0xFFFFFCA0] =	vst v44;
	v44 =	vld.idx.msk [tilespmem:v50+s16+$0x0], $0xffff  }
0x191: {  	v46 =	vshrl.u32 v31, $0x3;
	v16 =	vshll.u32 v16, v2;
	v50 =	vmov s7;
	s7 =	sadd.s32 $0x28, s5;
	[tilespmem:s0+$0x340] =	vst v39;
	v48 =	vld.idx.msk [tilespmem:v48+s16+$0x0], $0xffff  }
0x192: {  	v31 =	vbroadcast v14, $0x0;
	v14 =	vshrl.u32 v50, $0x3;
	v39 =	vmov s7;
	s7 =	sadd.s32 $0x30, s5;
	[tilespmem:s1+$0xFFFFFDC0] =	vst v47;
	v47 =	vld.idx.msk [tilespmem:v23+s16+$0x0], $0xffff;
	v23 =	vmovc v19  }
0x193: {  	v19 =	vshll.u32 v46, v2;
	v14 =	vshll.u32 v14, v2;
	v46 =	vshrl.u32 v39, $0x3;
	v50 =	vld.idx.msk [tilespmem:v33+s16+$0x0], $0xffff;
	[tilespmem:s1+$0x2C0] =	vst v49  }
0x194: {  	v49 =	vshll.u32 v38, v2;
	v39 =	vbroadcast v14, $0x0;
	v14 =	vshll.u32 v46, v2;
	[tilespmem:s0+$0x220] =	vst v34;
	v34 =	vld.idx.msk [tilespmem:v51+s16+$0x0], $0xffff  }
0x195: {  	v38 =	vbroadcast v19, $0x0;
	v19 =	vmov s7;
	v33 =	vbroadcast v14, $0x0;
	v36 =	vld.idx.msk [tilespmem:v36+s16+$0x0], $0xffff;
	[tilespmem:s1+$0xFFFFFEE0] =	vst v45  }
0x196: {  	v14 =	vbroadcast v49, $0x0;
	v19 =	vshrl.u32 v19, $0x3;
	v45 =	vadd.s32 v0, v39;
	v32 =	vld.idx.msk [tilespmem:v32+s16+$0x0], $0xffff;
	[tilespmem:s1+$0x1E0] =	vst v44  }
0x197: {  	v18 =	vshll.u32 v18, v2;
	v16 =	vbroadcast v16, $0x0;
	v44 =	vadd.s32 v0, v33;
	v46 =	vld.idx.msk [tilespmem:v52+s16+$0x0], $0xffff;
	[tilespmem:s0+$0x140] =	vst v43  }
0x198: {  	v51 =	vshll.u32 v19, v2;
	v49 =	vadd.s32 v0, v14;
	v43 =	vbroadcast v18, $0x0;
	v30 =	vld.idx.msk [tilespmem:v30+s16+$0x0], $0xffff;
	[tilespmem:s1+$0xFFFFFFC0] =	vst v47  }
0x199: {  	v19 =	vadd.s32 v8, v16;
	v18 =	vbroadcast v51, $0x0;
	v47 =	vadd.s32 v0, v16;
	[tilespmem:s1+$0xFFFFFCC0] =	vst v48;
	v42 =	vld.idx.msk [tilespmem:v42+s16+$0x0], $0xffff  }
0x19a: {  	v48 =	vadd.s32 v0, v43;
	[tilespmem:s0+$0xFFFFFE80] =	vst v40;
	v41 =	vld.idx.msk [tilespmem:v41+s16+$0x0], $0xffff  }
0x19b: {  	v51 =	vadd.s32 v0, v18;
	v45 =	vld.idx.msk [tilespmem:v45+s16+$0x0], $0xffff;
	[tilespmem:s0+$0x360] =	vst v36  }
0x19c: {  	v52 =	vadd.s32 v7, v13;
	v36 =	vadd.s32 v0, v38;
	s0 =	sadd.s32 $0x800, s0;
	[tilespmem:s12+$0x240] =	vst v32;
	v32 =	vld.idx.msk [tilespmem:v35+s16+$0x0], $0xffff  }
0x19d: {  	v35 =	vadd.s32 v3, v39;
	v26 =	vld.idx.msk [tilespmem:v26+s16+$0x0], $0xffff;
	[tilespmem:s1+$0xFFFFFDE0] =	vst v50  }
0x19e: {  	v50 =	vadd.s32 v3, v33;
	v53 =	vld.idx.msk [tilespmem:v24+s16+$0x0], $0xffff;
	[tilespmem:s12+$0x160] =	vst v30  }
0x19f: {  	v30 =	vadd.s32 v3, v14;
	v24 =	vld.idx.msk [tilespmem:v49+s16+$0x0], $0xffff;
	[tilespmem:s1+$0xFFFFFFE0] =	vst v42  }
0x1a0: {  	v40 =	vadd.s32 v3, v16;
	v28 =	vld.idx.msk [tilespmem:v28+s16+$0x0], $0xffff;
	[tilespmem:s1+$0xFFFFFCE0] =	vst v41  }
0x1a1: {  	[tilespmem:s0+$0x0] =	vst v45;
	v45 =	vadd.s32 v3, v43;
	v49 =	vld.idx.msk [tilespmem:v52+s16+$0x0], $0xffff  }
0x1a2: {  	v44 =	vld.idx.msk [tilespmem:v44+s16+$0x0], $0xffff;
	[tilespmem:s12+$0x380] =	vst v32  }
0x1a3: {  	v52 =	vadd.s32 v3, v38;
	v32 =	vld.idx.msk [tilespmem:v47+s16+$0x0], $0xffff;
	v47 =	vadd.s32 v4, v17;
	[tilespmem:s1+$0x2E0] =	vst v34;
	s1 =	smov.u32 s12;
	s12 =	smov.u32 s0  }
0x1a4: {  	v54 =	vadd.s32 v4, v39;
	v48 =	vld.idx.msk [tilespmem:v48+s16+$0x0], $0xffff;
	[tilespmem:s1+$0xFFFFFF60] =	vst v37;
	v37 =	vadd.s32 v7, v15  }
0x1a5: {  	v41 =	vadd.s32 v4, v33;
	v34 =	vadd.s32 v3, v18;
	v51 =	vld.idx.msk [tilespmem:v51+s16+$0x0], $0xffff;
	[tilespmem:s1+$0xFFFFFC20] =	vst v46  }
0x1a6: {  	[tilespmem:s0+$0xFFFFFD00] =	vst v24;
	v24 =	vadd.s32 v4, v14;
	v36 =	vld.idx.msk [tilespmem:v36+s16+$0x0], $0xffff  }
0x1a7: {  	v42 =	vadd.s32 v4, v16;
	v35 =	vld.idx.msk [tilespmem:v35+s16+$0x0], $0xffff;
	[tilespmem:s1+$0x180] =	vst v28  }
0x1a8: {  	v46 =	vadd.s32 v4, v43;
	v28 =	vld.idx.msk [tilespmem:v47+s16+$0x0], $0xffff;
	[tilespmem:s1+$0xFFFFFEA0] =	vst v49  }
0x1a9: {  	[tilespmem:s1+$0xFFFFFD40] =	vst v53;
	v47 =	vld.idx.msk [tilespmem:v37+s16+$0x0], $0xffff  }
0x1aa: {  	v49 =	vadd.s32 v4, v38;
	v53 =	vadd.s32 v5, v17;
	[tilespmem:s0+$0xFFFFFF00] =	vst v32;
	v55 =	vld.idx.msk [tilespmem:v22+s16+$0x0], $0xffff  }
0x1ab: {  	v57 =	vadd.s32 v5, v39;
	v56 =	vld.idx.msk [tilespmem:v30+s16+$0x0], $0xffff;
	[tilespmem:s0+$0x300] =	vst v48;
	v48 =	vadd.s32 v8, v15  }
0x1ac: {  	v32 =	vadd.s32 v4, v18;
	v30 =	vadd.s32 v5, v33;
	[tilespmem:s0+$0xFFFFFE00] =	vst v36;
	v45 =	vld.idx.msk [tilespmem:v45+s16+$0x0], $0xffff  }
0x1ad: {  	v22 =	vadd.s32 v5, v14;
	[tilespmem:s0+$0x20] =	vst v35;
	v58 =	vld.idx.msk [tilespmem:v25+s16+$0x0], $0xffff  }
0x1ae: {  	v37 =	vadd.s32 v5, v16;
	v35 =	vld.idx.msk [tilespmem:v52+s16+$0x0], $0xffff;
	[tilespmem:s1+$0xFFFFFC40] =	vst v28;
	v52 =	vadd.s32 v7, v12  }
0x1af: {  	v59 =	vadd.s32 v7, v10;
	v36 =	vadd.s32 v5, v43;
	v53 =	vld.idx.msk [tilespmem:v53+s16+$0x0], $0xffff;
	[tilespmem:s1+$0x3A0] =	vst v47  }
0x1b0: {  	v47 =	vld.idx.msk [tilespmem:v54+s16+$0x0], $0xffff;
	[tilespmem:s0+$0x100] =	vst v44  }
0x1b1: {  	v44 =	vadd.s32 v5, v38;
	v54 =	vadd.s32 v6, v17;
	[tilespmem:s1+$0x80] =	vst v26;
	v48 =	vld.idx.msk [tilespmem:v48+s16+$0x0], $0xffff  }
0x1b2: {  	v60 =	vadd.s32 v0, v31;
	v26 =	vadd.s32 v6, v39;
	[tilespmem:s0+$0xFFFFFD20] =	vst v56;
	v50 =	vld.idx.msk [tilespmem:v50+s16+$0x0], $0xffff  }
0x1b3: {  	v25 =	vadd.s32 v5, v18;
	v28 =	vadd.s32 v6, v33;
	[tilespmem:s0+$0x200] =	vst v51;
	v51 =	vld.idx.msk [tilespmem:v52+s16+$0x0], $0xffff  }
0x1b4: {  	v52 =	vadd.s32 v6, v14;
	[tilespmem:s0+$0xFFFFFE20] =	vst v35;
	v56 =	vld.idx.msk [tilespmem:v59+s16+$0x0], $0xffff;
	v59 =	vadd.s32 v6, v11  }
0x1b5: {  	v61 =	vadd.s32 v6, v16;
	v49 =	vld.idx.msk [tilespmem:v49+s16+$0x0], $0xffff;
	[tilespmem:s1+$0xFFFFFD60] =	vst v55;
	v55 =	vadd.s32 v9, v15;
	v15 =	vmov v43  }
0x1b6: {  	[tilespmem:s0+$0x40] =	vst v47;
	v35 =	vadd.s32 v6, v15;
	v43 =	vld.idx.msk [tilespmem:v21+s16+$0x0], $0xffff;
	v47 =	vadd.s32 v8, v12;
	v21 =	vmov v52  }
0x1b7: {  	v52 =	vld.idx.msk [tilespmem:v60+s16+$0x0], $0xffff;
	[tilespmem:s1+$0xFFFFFC60] =	vst v53;
	v53 =	vadd.s32 v8, v10  }
0x1b8: {  	v54 =	vld.idx.msk [tilespmem:v54+s16+$0x0], $0xffff;
	[tilespmem:s1+$0x260] =	vst v58  }
0x1b9: {  	v58 =	vld.idx.msk [tilespmem:v59+s16+$0x0], $0xffff;
	[tilespmem:s1+$0x3C0] =	vst v48  }
0x1ba: {  	v48 =	vadd.s32 v7, v27;
	[tilespmem:s1+$0x1A0] =	vst v51;
	v51 =	vld.idx.msk [tilespmem:v55+s16+$0x0], $0xffff  }
0x1bb: {  	v55 =	vadd.s32 v7, v11;
	[tilespmem:s1+$0xA0] =	vst v56;
	v47 =	vld.idx.msk [tilespmem:v47+s16+$0x0], $0xffff  }
0x1bc: {  	[tilespmem:s0+$0xFFFFFE40] =	vst v49;
	v49 =	vld.idx.msk [tilespmem:v53+s16+$0x0], $0xffff  }
0x1bd: {  	[tilespmem:s0+$0xFFFFFC00] =	vst v52;
	v52 =	vld.idx.msk [tilespmem:v44+s16+$0x0], $0xffff  }
0x1be: {  	v53 =	vld.idx.msk [tilespmem:v40+s16+$0x0], $0xffff;
	v40 =	vadd.s32 v7, v17;
	[tilespmem:s1+$0xFFFFFD80] =	vst v43  }
0x1bf: {  	v43 =	vadd.s32 v8, v13;
	v48 =	vld.idx.msk [tilespmem:v48+s16+$0x0], $0xffff;
	[tilespmem:s1+$0x280] =	vst v58  }
0x1c0: {  	v56 =	vadd.s32 v9, v10;
	v10 =	vmov v39;
	v55 =	vld.idx.msk [tilespmem:v55+s16+$0x0], $0xffff;
	[tilespmem:s1+$0x3E0] =	vst v51  }
0x1c1: {  	v51 =	vadd.s32 v6, v38;
	[tilespmem:s0+$0x320] =	vst v45;
	v45 =	vld.idx.msk [tilespmem:v20+s16+$0x0], $0xffff;
	v20 =	vmov v61  }
0x1c2: {  	v39 =	vld.idx.msk [tilespmem:v46+s16+$0x0], $0xffff;
	[tilespmem:s1+$0xFFFFFC80] =	vst v54  }
0x1c3: {  	v44 =	vld.idx.msk [tilespmem:v40+s16+$0x0], $0xffff;
	[tilespmem:s1+$0xC0] =	vst v49  }
0x1c4: {  	v54 =	vld.idx.msk [tilespmem:v43+s16+$0x0], $0xffff;
	v43 =	vadd.s32 v7, v29;
	[tilespmem:s1+$0x1C0] =	vst v47  }
0x1c5: {  	[tilespmem:s0+$0xFFFFFE60] =	vst v52;
	v52 =	vld.idx.msk [tilespmem:v56+s16+$0x0], $0xffff  }
0x1c6: {  	v47 =	vadd.s32 v9, v13;
	v13 =	vmov v38;
	v40 =	vld.idx.msk [tilespmem:v51+s16+$0x0], $0xffff;
	[tilespmem:s1+$0x2A0] =	vst v55  }
0x1c7: {  	[tilespmem:s0+$0xFFFFFF20] =	vst v53;
	v49 =	vld.idx.msk [tilespmem:v57+s16+$0x0], $0xffff;
	v53 =	vadd.s32 v8, v27  }
.Ltmp4:
0x1c8: {  	v51 =	vadd.s32 v8, v11;
	v46 =	vld.idx.msk [tilespmem:v42+s16+$0x0], $0xffff;
	[tilespmem:s1+$0xFFFFFF80] =	vst v45;
	(pc) =	sbr.rel @p1 .LBB2_7-.Ltmp4, $4  }
0x1c9: {  	[tilespmem:s0+$0x120] =	vst v50;
	v38 =	vld.idx.msk [tilespmem:v43+s16+$0x0], $0xffff  }
0x1ca: {  	v43 =	vld.idx.msk [tilespmem:v41+s16+$0x0], $0xffff;
	v41 =	vadd.s32 v9, v17;
	[tilespmem:s1+$0xFFFFFEC0] =	vst v54  }
0x1cb: {  	v42 =	vadd.s32 v9, v29;
	v50 =	vadd.s32 v9, v12;
	v12 =	vmov v33;
	[tilespmem:s1+$0xFFFFFDA0] =	vst v48;
	v45 =	vld.idx.msk [tilespmem:v47+s16+$0x0], $0xffff  }
0x1cc: {  	s5 =	sadd.s32 $0x40, s5;
	v33 =	vadd.s32 v9, v27;
	v48 =	vadd.s32 v8, v17;
	v17 =	vmov v31;
	v47 =	vld.idx.msk [tilespmem:v53+s16+$0x0], $0xffff;
	[tilespmem:s1+$0xE0] =	vst v52  }
0x1cd: {  	[tilespmem:s0+$0x60] =	vst v49  }
0x1ce: {  	[tilespmem:s0+$0xFFFFFF40] =	vst v46  }
0x1cf: {  	[tilespmem:s1+$0xFFFFFCA0] =	vst v44  }
0x1d0: {  	[tilespmem:s0+$0x340] =	vst v39  }
0x1d1: {  	v27 =	vld.idx.msk [tilespmem:v51+s16+$0x0], $0xffff;
	[tilespmem:s0+$0xFFFFFE80] =	vst v40  }
0x1d2: {  	v29 =	vld.idx.msk [tilespmem:v34+s16+$0x0], $0xffff;
	[tilespmem:s1+$0xFFFFFFA0] =	vst v38  }
0x1d3: {  	v31 =	vld.idx.msk [tilespmem:v50+s16+$0x0], $0xffff;
	[tilespmem:s0+$0x140] =	vst v43  }
0x1d4: {  	v24 =	vld.idx.msk [tilespmem:v24+s16+$0x0], $0xffff;
	[tilespmem:s1+$0xFFFFFEE0] =	vst v45  }
0x1d5: {  	v48 =	vld.idx.msk [tilespmem:v48+s16+$0x0], $0xffff;
	[tilespmem:s1+$0xFFFFFDC0] =	vst v47  }
0x1d6: {  	v49 =	vld.idx.msk [tilespmem:v36+s16+$0x0], $0xffff;
	[tilespmem:s1+$0x2C0] =	vst v27  }
0x1d7: {  	v50 =	vadd.s32 v3, v17;
	v58 =	vld.idx.msk [tilespmem:v37+s16+$0x0], $0xffff;
	[tilespmem:s0+$0x220] =	vst v29  }
0x1d8: {  	v59 =	vadd.s32 v7, v13;
	v26 =	vld.idx.msk [tilespmem:v26+s16+$0x0], $0xffff;
	[tilespmem:s1+$0x1E0] =	vst v31  }
0x1d9: {  	v23 =	vld.idx.msk [tilespmem:v23+s16+$0x0], $0xffff;
	[tilespmem:s12+$0xFFFFFD40] =	vst v24  }
0x1da: {  	v11 =	vadd.s32 v9, v11;
	v51 =	vld.idx.msk [tilespmem:v30+s16+$0x0], $0xffff;
	[tilespmem:s1+$0xFFFFFCC0] =	vst v48  }
0x1db: {  	v33 =	vld.idx.msk [tilespmem:v33+s16+$0x0], $0xffff;
	[tilespmem:s0+$0x360] =	vst v49  }
0x1dc: {  	v54 =	vld.idx.msk [tilespmem:v50+s16+$0x0], $0xffff;
	[tilespmem:s12+$0xFFFFFF60] =	vst v58  }
0x1dd: {  	v63 =	vld.idx.msk [tilespmem:v59+s16+$0x0], $0xffff;
	[tilespmem:s12+$0x80] =	vst v26  }
0x1de: {  	v56 =	vadd.s32 v4, v17;
	[tilespmem:s1+$0xFFFFFFC0] =	vst v23;
	v55 =	vld.idx.msk [tilespmem:v35+s16+$0x0], $0xffff  }
0x1df: {  	v57 =	vadd.s32 v7, v15;
	v11 =	vld.idx.msk [tilespmem:v11+s16+$0x0], $0xffff;
	[tilespmem:s12+$0x160] =	vst v51  }
0x1e0: {  	v32 =	vld.idx.msk [tilespmem:v32+s16+$0x0], $0xffff;
	[tilespmem:s1+$0xFFFFFDE0] =	vst v33  }
0x1e1: {  	v22 =	vld.idx.msk [tilespmem:v22+s16+$0x0], $0xffff;
	[tilespmem:s12+$0xFFFFFC20] =	vst v54  }
0x1e2: {  	v53 =	vld.idx.msk [tilespmem:v41+s16+$0x0], $0xffff;
	[tilespmem:s12+$0xFFFFFEA0] =	vst v63  }
0x1e3: {  	v61 =	vld.idx.msk [tilespmem:v56+s16+$0x0], $0xffff;
	[tilespmem:s12+$0x380] =	vst v55  }
0x1e4: {  	v62 =	vadd.s32 v5, v17;
	[tilespmem:s1+$0x2E0] =	vst v11;
	v11 =	vld.idx.msk [tilespmem:v57+s16+$0x0], $0xffff  }
0x1e5: {  	v35 =	vadd.s32 v7, v10;
	v20 =	vld.idx.msk [tilespmem:v20+s16+$0x0], $0xffff;
	[tilespmem:s12+$0x240] =	vst v32  }
0x1e6: {  	v52 =	vld.idx.msk [tilespmem:v42+s16+$0x0], $0xffff;
	[tilespmem:s12+$0xFFFFFD60] =	vst v22  }
0x1e7: {  	v43 =	vadd.s32 v7, v16;
	v60 =	vld.idx.msk [tilespmem:v28+s16+$0x0], $0xffff;
	[tilespmem:s1+$0xFFFFFCE0] =	vst v53  }
0x1e8: {  	v34 =	vadd.s32 v7, v12;
	v25 =	vld.idx.msk [tilespmem:v25+s16+$0x0], $0xffff;
	[tilespmem:s12+$0xFFFFFC40] =	vst v61  }
0x1e9: {  	v23 =	vld.idx.msk [tilespmem:v62+s16+$0x0], $0xffff;
	[tilespmem:s12+$0x3A0] =	vst v11;
	v11 =	vadd.s32 v6, v18  }
0x1ea: {  	v37 =	vadd.s32 v6, v17;
	v26 =	vld.idx.msk [tilespmem:v35+s16+$0x0], $0xffff;
	[tilespmem:s12+$0xFFFFFF80] =	vst v20  }
0x1eb: {  	v47 =	vadd.s32 v8, v13;
	v21 =	vld.idx.msk [tilespmem:v21+s16+$0x0], $0xffff;
	[tilespmem:s1+$0xFFFFFFE0] =	vst v52  }
0x1ec: {  	v39 =	vadd.s32 v8, v10;
	v49 =	vld.idx.msk [tilespmem:v43+s16+$0x0], $0xffff;
	[tilespmem:s12+$0x180] =	vst v60  }
0x1ed: {  	v33 =	vadd.s32 v8, v15;
	v24 =	vld.idx.msk [tilespmem:v34+s16+$0x0], $0xffff;
	[tilespmem:s12+$0x260] =	vst v25  }
0x1ee: {  	[tilespmem:s12+$0xFFFFFC60] =	vst v23;
	v11 =	vld.idx.msk [tilespmem:v11+s16+$0x0], $0xffff  }
0x1ef: {  	v41 =	vadd.s32 v7, v14;
	[tilespmem:s12+$0xA0] =	vst v26;
	v42 =	vld.idx.msk [tilespmem:v37+s16+$0x0], $0xffff  }
0x1f0: {  	v44 =	vadd.s32 v7, v17;
	[tilespmem:s12+$0xFFFFFD80] =	vst v21;
	v25 =	vld.idx.msk [tilespmem:v47+s16+$0x0], $0xffff  }
0x1f1: {  	v45 =	vadd.s32 v7, v18;
	v22 =	vld.idx.msk [tilespmem:v39+s16+$0x0], $0xffff;
	[tilespmem:s12+$0xFFFFFFA0] =	vst v49  }
0x1f2: {  	v40 =	vadd.s32 v8, v12;
	v36 =	vld.idx.msk [tilespmem:v33+s16+$0x0], $0xffff;
	[tilespmem:s12+$0x1A0] =	vst v24  }
0x1f3: {  	v10 =	vadd.s32 v9, v10;
	v57 =	vld.idx.msk [tilespmem:v19+s16+$0x0], $0xffff;
	[tilespmem:s12+$0x280] =	vst v11  }
0x1f4: {  	v54 =	vadd.s32 v9, v13;
	v11 =	vld.idx.msk [tilespmem:v41+s16+$0x0], $0xffff;
	[tilespmem:s12+$0xFFFFFC80] =	vst v42  }
0x1f5: {  	v48 =	vadd.s32 v8, v14;
	[tilespmem:s12+$0xFFFFFEC0] =	vst v25;
	v50 =	vld.idx.msk [tilespmem:v44+s16+$0x0], $0xffff  }
0x1f6: {  	v52 =	vadd.s32 v8, v17;
	[tilespmem:s12+$0xC0] =	vst v22;
	v51 =	vld.idx.msk [tilespmem:v45+s16+$0x0], $0xffff  }
0x1f7: {  	v53 =	vadd.s32 v8, v18;
	v46 =	vld.idx.msk [tilespmem:v40+s16+$0x0], $0xffff;
	[tilespmem:s12+$0x3C0] =	vst v36  }
0x1f8: {  	v38 =	vadd.s32 v9, v15;
	v10 =	vld.idx.msk [tilespmem:v10+s16+$0x0], $0xffff;
	[tilespmem:s12+$0xFFFFFFC0] =	vst v57  }
0x1f9: {  	v58 =	vadd.s32 v9, v16;
	v13 =	vld.idx.msk [tilespmem:v54+s16+$0x0], $0xffff;
	[tilespmem:s12+$0xFFFFFDA0] =	vst v11  }
0x1fa: {  	v11 =	vadd.s32 v9, v12;
	v55 =	vld.idx.msk [tilespmem:v48+s16+$0x0], $0xffff;
	[tilespmem:s12+$0xFFFFFCA0] =	vst v50  }
0x1fb: {  	v56 =	vadd.s32 v9, v14;
	[tilespmem:s12+$0x2A0] =	vst v51;
	v59 =	vld.idx.msk [tilespmem:v52+s16+$0x0], $0xffff  }
0x1fc: {  	v60 =	vadd.s32 v9, v17;
	[tilespmem:s12+$0x1C0] =	vst v46;
	v61 =	vld.idx.msk [tilespmem:v53+s16+$0x0], $0xffff  }
0x1fd: {  	v15 =	vld.idx.msk [tilespmem:v38+s16+$0x0], $0xffff;
	[tilespmem:s12+$0xE0] =	vst v10;
	v10 =	vadd.s32 v9, v18  }
0x1fe: {  	v62 =	vld.idx.msk [tilespmem:v58+s16+$0x0], $0xffff;
	[tilespmem:s12+$0xFFFFFEE0] =	vst v13  }
0x1ff: {  	v11 =	vld.idx.msk [tilespmem:v11+s16+$0x0], $0xffff;
	[tilespmem:s12+$0xFFFFFDC0] =	vst v55  }
0x200: {  	v12 =	vld.idx.msk [tilespmem:v56+s16+$0x0], $0xffff;
	[tilespmem:s12+$0xFFFFFCC0] =	vst v59  }
0x201: {  	[tilespmem:s12+$0x2C0] =	vst v61;
	v63 =	vld.idx.msk [tilespmem:v60+s16+$0x0], $0xffff  }
0x202: {  	[tilespmem:s12+$0x3E0] =	vst v15;
	v10 =	vld.idx.msk [tilespmem:v10+s16+$0x0], $0xffff  }
0x203: {  	[tilespmem:s12+$0xFFFFFFE0] =	vst v62  }
0x204: {  	[tilespmem:s12+$0x1E0] =	vst v11  }
0x205: {  	[tilespmem:s12+$0xFFFFFDE0] =	vst v12  }
0x206: {  	[tilespmem:s12+$0xFFFFFCE0] =	vst v63  }
0x207: {  	s0 =	simm.s32 $0x3C0;
	[tilespmem:s12+$0x2E0] =	vst v10  }
.LBB2_9:
0x208: {  	v10 =	vmov s0  }
0x209: {  	v10 =	vshrl.u32 v10, $0x3  }
0x20a: {  	v10 =	vshll.u32 v10, $0x3  }
0x20b: {  	v10 =	vbroadcast v10, $0x0;
	_ =	sdelay $0x1  }
0x20c: {  	v11 =	vadd.s32 v0, v10;
	_ =	sdelay $0x4  }
0x20d: {  	v11 =	vld.idx.msk [tilespmem:v11+s16+$0x0], $0xffff  }
0x20e: {  	v12 =	vadd.s32 v3, v10;
	_ =	sdelay $0x2  }
0x20f: {  	s1 =	sshra.s32 s29, $0x2  }
0x210: {  	[tilespmem:s1+$0x12AF8] =	vst v11  }
0x211: {  	v11 =	vld.idx.msk [tilespmem:v12+s16+$0x0], $0xffff  }
0x212: {  	v59 =	vadd.s32 v4, v10;
	_ =	sdelay $0x3  }
0x213: {  	[tilespmem:s1+$0x12B18] =	vst v11  }
0x214: {  	v11 =	vld.idx.msk [tilespmem:v59+s16+$0x0], $0xffff  }
0x215: {  	v60 =	vadd.s32 v5, v10;
	_ =	sdelay $0x3  }
0x216: {  	[tilespmem:s1+$0x12B38] =	vst v11  }
0x217: {  	v11 =	vld.idx.msk [tilespmem:v60+s16+$0x0], $0xffff  }
0x218: {  	v61 =	vadd.s32 v6, v10;
	_ =	sdelay $0x3  }
0x219: {  	[tilespmem:s1+$0x12B58] =	vst v11  }
0x21a: {  	v11 =	vld.idx.msk [tilespmem:v61+s16+$0x0], $0xffff  }
0x21b: {  	v62 =	vadd.s32 v7, v10;
	_ =	sdelay $0x3  }
0x21c: {  	[tilespmem:s1+$0x12B78] =	vst v11  }
0x21d: {  	v11 =	vld.idx.msk [tilespmem:v62+s16+$0x0], $0xffff  }
0x21e: {  	v63 =	vadd.s32 v8, v10;
	_ =	sdelay $0x3  }
0x21f: {  	[tilespmem:s1+$0x12B98] =	vst v11  }
0x220: {  	v11 =	vld.idx.msk [tilespmem:v63+s16+$0x0], $0xffff  }
0x221: {  	v10 =	vadd.s32 v9, v10;
	_ =	sdelay $0x3  }
0x222: {  	[tilespmem:s1+$0x12BB8] =	vst v11  }
0x223: {  	p1 =	sne.s32 s29, $0x1000;
	v10 =	vld.idx.msk [tilespmem:v10+s16+$0x0], $0xffff  }
.Ltmp5:
0x224: {  	_ = 	snop;
	(pc) =	sbr.rel @p1 .LBB2_9-.Ltmp5, $2  }
0x225: {  	_ =	sdelay $0x2  }
0x226: {  	s0 =	sadd.s32 $0x8, s0;
	s29 =	sadd.s32 $0x400, s29;
	[tilespmem:s1+$0x12BD8] =	vst v10  }
0x227: {  	s0 =	sshrl.u32 s25, $0x1  }
0x228: {  	s29 =	sand.u32 $0x8, s28;
	s0 =	sadd.s32 s6, s0  }
0x229: {  	s23 =	sadd.s32 s2, s29;
	s28 =	sshll.u32 s0, $0x7  }
0x22a: {  	s1 =	simm.s32 $0xB2E8;
	s0 =	sadd.s32 s28, s23  }
0x22b: {  	[hbm4b:s0+s19] =	stream.strided.scatter [tilespmem:s1], [sflag:$0x3], $0x100, s20, s19, $0x38;
	[tilespmem:$0x1ACF8] =	vst v63  }
0x22c: {  	s1 =	simm.s32 $0x400  }
.LBB2_11:
0x22d: {  	p1 =	sne.s32 s1, $0x1F000  }
.Ltmp6:
0x22e: {  	_ = 	snop;
	(pc) =	sbr.rel @p1 .LBB2_11-.Ltmp6, $4  }
0x22f: {  	_ = 	snop  }
0x230: {  	s5 =	sshra.s32 s1, $0x2;
	s1 =	sadd.s32 $0x400, s1  }
0x231: {  	s0 =	sadd.s32 $0x32000, s0;
	s5 =	sadd.s32 $0xB2E8, s5  }
0x232: {  	[hbm4b:s0+s19] =	stream.strided.scatter [tilespmem:s5], [sflag:$0x3], $0x100, s20, s19, $0x38;
	[tilespmem:$0x1ACF8] =	vst v63  }
0x233: {  	v10 =	vld [tilespmem:s26+$0x1910];
	s0 =	sor.u32 $0x10, s26  }
0x234: {  	v11 =	vld [tilespmem:s0+$0x0];
	_ =	sdelay $0x3  }
0x235: {  	v10 =	vadd.s32 v0, v10;
	_ =	sdelay $0x3  }
0x236: {  	v11 =	vld.idx.msk [tilespmem:v11+s13+$0x0], $0xffff  }
0x237: {  	v10 =	vld.idx.msk [tilespmem:v10+s16+$0x0], $0xffff;
	_ =	sdelay $0x1  }
0x238: {  	v12 =	vld [tilespmem:$0x1ACE8];
	_ =	sdelay $0x2  }
0x239: {  	v10 =	vsub.f32 v11, v10  }
0x23a: {  	s9 =	simm.s32 $0x10  }
0x23b: {  	s1 =	sor.u32 $0x3, s31;
	v11 =	vmov s9;
	v10 =	vadd.f32 v10, v12  }
0x23c: {  	s12 =	simm.s32 $0x20;
	s31 =	sshll.u32 s1, $0x4;
	v11 =	vshrl.u32 v11, $0x3  }
0x23d: {  	s23 =	simm.s32 $0x8;
	s5 =	simm.s32 $0x18;
	s10 =	sand.u32 $0x3FFFFFF0, s31;
	[tilespmem:$0x1ACE8] =	vst v10;
	v10 =	vshll.u32 v11, v2  }
0x23e: {  	v12 =	vmov s23;
	[tilespmem:s16], [sflag:$0x2] =	stream.indirect.gather [hbm4b:s4+s14], $0x3E8, s10, s14, $0xb8;
	v20 =	vbroadcast v10, $0x0;
	[tilespmem:$0x1ACF8] =	vst v63  }
0x23f: {  	v13 =	vmov s5;
	v12 =	vshrl.u32 v12, $0x3;
	v10 =	vmov s12;
	_ =	swait.ge [sflag:s17], $0x3E80  }
0x240: {  	s7 =	simm.s32 $0x38;
	v12 =	vshll.u32 v12, v2;
	v10 =	vshrl.u32 v10, $0x3;
	[sflag:s17] =	ssyncset.done $0x0;
	v11 =	vadd.s32 v0, v20  }
0x241: {  	s8 =	simm.s32 $0x28;
	s0 =	simm.s32 @!p0 $0x4;
	v14 =	vmov s7;
	v27 =	vbroadcast v12, $0x0;
	v10 =	vshll.u32 v10, v2;
	[sflag:s17] =	ssyncadd.s32 $0xFFFFC180  }
0x242: {  	v15 =	vmov s8;
	v13 =	vshrl.u32 v13, $0x3;
	v21 =	vbroadcast v10, $0x0;
	_ =	swait.ge @!p0 [sflag:s0], $0x7D00  }
0x243: {  	v10 =	vshrl.u32 v14, $0x3;
	v14 =	vshrl.u32 v15, $0x3;
	v15 =	vadd.s32 v0, v27;
	[sflag:s0] =	ssyncset.done @!p0 $0x0  }
0x244: {  	v13 =	vshll.u32 v13, v2;
	v12 =	vadd.s32 v0, v21;
	[sflag:s0] =	ssyncadd.s32 @!p0 $0xFFFF8300  }
0x245: {  	v31 =	vbroadcast v13, $0x0;
	v14 =	vshll.u32 v14, v2;
	v10 =	vshll.u32 v10, v2;
	v11 =	vld.idx.msk [tilespmem:v11+s15+$0x0], $0xffff  }
0x246: {  	v29 =	vbroadcast v14, $0x0;
	v14 =	vadd.s32 v3, v20;
	v19 =	vbroadcast v10, $0x0  }
0x247: {  	v17 =	vadd.s32 v0, v31;
	s9 =	simm.s32 $0x30  }
0x248: {  	v10 =	vmov s9;
	v16 =	vadd.s32 v0, v19;
	v15 =	vld.idx.msk [tilespmem:v15+s15+$0x0], $0xffff  }
0x249: {  	v23 =	vadd.s32 v3, v27;
	s0 =	simm.s32 $0x133E8;
	v10 =	vshrl.u32 v10, $0x3;
	v12 =	vld.idx.msk [tilespmem:v12+s15+$0x0], $0xffff  }
0x24a: {  	v13 =	vadd.s32 v0, v29;
	v10 =	vshll.u32 v10, v2;
	[tilespmem:s0+$0xFFFFFE00] =	vst v11  }
0x24b: {  	v11 =	vbroadcast v10, $0x0;
	v10 =	vadd.s32 v3, v21;
	v14 =	vld.idx.msk [tilespmem:v14+s15+$0x0], $0xffff  }
0x24c: {  	v18 =	vadd.s32 v4, v20;
	v17 =	vld.idx.msk [tilespmem:v17+s15+$0x0], $0xffff  }
0x24d: {  	v16 =	vld.idx.msk [tilespmem:v16+s15+$0x0], $0xffff;
	[tilespmem:s0+$0xFFFFFD00] =	vst v15;
	v22 =	vadd.s32 v0, v11  }
0x24e: {  	s1 =	simm.s32 $0x0;
	v23 =	vld.idx.msk [tilespmem:v23+s15+$0x0], $0xffff;
	[tilespmem:s0+$0x0] =	vst v12;
	v12 =	vadd.s32 v3, v19  }
0x24f: {  	v24 =	vmov s1;
	v28 =	vadd.s32 v4, v27;
	v13 =	vld.idx.msk [tilespmem:v13+s15+$0x0], $0xffff  }
0x250: {  	v24 =	vshrl.u32 v24, $0x3;
	v25 =	vadd.s32 v3, v31;
	v10 =	vld.idx.msk [tilespmem:v10+s15+$0x0], $0xffff;
	[tilespmem:s0+$0xFFFFFE20] =	vst v14  }
0x251: {  	[tilespmem:s0+$0xFFFFFF00] =	vst v17;
	v14 =	vshll.u32 v24, v2;
	v24 =	vadd.s32 v4, v21;
	v18 =	vld.idx.msk [tilespmem:v18+s15+$0x0], $0xffff  }
0x252: {  	v15 =	vadd.s32 v5, v20;
	[tilespmem:s0+$0x300] =	vst v16;
	v33 =	vbroadcast v14, $0x0;
	v14 =	vld.idx.msk [tilespmem:v22+s15+$0x0], $0xffff  }
0x253: {  	v22 =	vadd.s32 v3, v29;
	[tilespmem:s0+$0xFFFFFD20] =	vst v23;
	v12 =	vld.idx.msk [tilespmem:v12+s15+$0x0], $0xffff  }
0x254: {  	[tilespmem:s0+$0x100] =	vst v13;
	v28 =	vld.idx.msk [tilespmem:v28+s15+$0x0], $0xffff;
	v16 =	vadd.s32 v0, v33  }
0x255: {  	v17 =	vadd.s32 v4, v19;
	[tilespmem:s0+$0x20] =	vst v10;
	v10 =	vld.idx.msk [tilespmem:v25+s15+$0x0], $0xffff  }
0x256: {  	v44 =	vadd.s32 v5, v27;
	v24 =	vld.idx.msk [tilespmem:v24+s15+$0x0], $0xffff;
	[tilespmem:s0+$0xFFFFFE40] =	vst v18  }
0x257: {  	v25 =	vadd.s32 v4, v31;
	[tilespmem:s0+$0x200] =	vst v14;
	v13 =	vld.idx.msk [tilespmem:v15+s15+$0x0], $0xffff  }
0x258: {  	v18 =	vadd.s32 v3, v11;
	v15 =	vld.idx.msk [tilespmem:v22+s15+$0x0], $0xffff;
	[tilespmem:s0+$0x320] =	vst v12  }
0x259: {  	v26 =	vadd.s32 v4, v29;
	[tilespmem:s0+$0xFFFFFD40] =	vst v28;
	v16 =	vld.idx.msk [tilespmem:v16+s15+$0x0], $0xffff  }
0x25a: {  	v12 =	vadd.s32 v5, v21;
	v17 =	vld.idx.msk [tilespmem:v17+s15+$0x0], $0xffff;
	[tilespmem:s0+$0xFFFFFF20] =	vst v10  }
0x25b: {  	s10 =	simm.s32 $0x60;
	v30 =	vadd.s32 v5, v19;
	v46 =	vld.idx.msk [tilespmem:v44+s15+$0x0], $0xffff;
	[tilespmem:s0+$0x40] =	vst v24  }
0x25c: {  	v22 =	vadd.s32 v6, v20;
	v10 =	vmov s10;
	v14 =	vld.idx.msk [tilespmem:v25+s15+$0x0], $0xffff;
	[tilespmem:s0+$0xFFFFFE60] =	vst v13  }
0x25d: {  	v10 =	vshrl.u32 v10, $0x3;
	v24 =	vadd.s32 v3, v33;
	v13 =	vld.idx.msk [tilespmem:v18+s15+$0x0], $0xffff;
	[tilespmem:s0+$0x120] =	vst v15  }
0x25e: {  	v32 =	vadd.s32 v5, v31;
	s12 =	simm.s32 $0x48;
	v10 =	vshll.u32 v10, v2;
	v15 =	vld.idx.msk [tilespmem:v26+s15+$0x0], $0xffff  }
0x25f: {  	v25 =	vadd.s32 v5, v29;
	v10 =	vbroadcast v10, $0x0;
	v36 =	vld.idx.msk [tilespmem:v12+s15+$0x0], $0xffff;
	v12 =	vmov s12;
	[tilespmem:s0+$0x340] =	vst v17  }
0x260: {  	s23 =	simm.s32 $0x58;
	v34 =	vadd.s32 v6, v21;
	v18 =	vadd.s32 v4, v11;
	v12 =	vshrl.u32 v12, $0x3;
	v30 =	vld.idx.msk [tilespmem:v30+s15+$0x0], $0xffff  }
0x261: {  	s10 =	simm.s32 $0x68;
	v22 =	vld.idx.msk [tilespmem:v22+s15+$0x0], $0xffff;
	v17 =	vmov s23;
	[tilespmem:s0+$0xFFFFFC00] =	vst v16;
	v37 =	vadd.s32 v0, v10;
	v12 =	vshll.u32 v12, v2  }
0x262: {  	v16 =	vmov s10;
	v17 =	vshrl.u32 v17, $0x3;
	[tilespmem:s0+$0xFFFFFF40] =	vst v14;
	v14 =	vbroadcast v12, $0x0;
	v24 =	vld.idx.msk [tilespmem:v24+s15+$0x0], $0xffff  }
0x263: {  	v35 =	vadd.s32 v6, v19;
	v12 =	vshrl.u32 v16, $0x3;
	v16 =	vshll.u32 v17, v2;
	v32 =	vld.idx.msk [tilespmem:v32+s15+$0x0], $0xffff;
	[tilespmem:s0+$0x140] =	vst v15  }
0x264: {  	v12 =	vshll.u32 v12, v2;
	v16 =	vbroadcast v16, $0x0;
	[tilespmem:s0+$0x220] =	vst v13;
	v58 =	vadd.s32 v0, v14;
	v25 =	vld.idx.msk [tilespmem:v25+s15+$0x0], $0xffff  }
0x265: {  	s8 =	simm.s32 $0x78;
	v12 =	vbroadcast v12, $0x0;
	v39 =	vld.idx.msk [tilespmem:v18+s15+$0x0], $0xffff;
	[tilespmem:s0+$0x360] =	vst v30;
	v30 =	vadd.s32 v7, v20  }
0x266: {  	v38 =	vmov s8;
	[tilespmem:s0+$0x60] =	vst v36;
	v60 =	vadd.s32 v0, v16;
	v17 =	vld.idx.msk [tilespmem:v37+s15+$0x0], $0xffff  }
0x267: {  	v42 =	vadd.s32 v4, v33;
	s12 =	simm.s32 $0x70;
	v26 =	vadd.s32 v6, v29;
	v34 =	vld.idx.msk [tilespmem:v34+s15+$0x0], $0xffff;
	v23 =	vadd.s32 v0, v12  }
0x268: {  	s9 =	simm.s32 $0x50;
	v63 =	vadd.s32 v3, v10;
	v18 =	vshrl.u32 v38, $0x3;
	v15 =	vmov s12;
	[tilespmem:s0+$0xFFFFFE80] =	vst v22;
	v35 =	vld.idx.msk [tilespmem:v35+s15+$0x0], $0xffff  }
0x269: {  	v13 =	vmov s9;
	v15 =	vshrl.u32 v15, $0x3;
	v18 =	vshll.u32 v18, v2;
	[tilespmem:s0+$0x160] =	vst v25;
	v25 =	vld.idx.msk [tilespmem:v58+s15+$0x0], $0xffff  }
0x26a: {  	v13 =	vshrl.u32 v13, $0x3;
	s12 =	simm.s32 $0x13BE8;
	v59 =	vshll.u32 v15, v2;
	v15 =	vbroadcast v18, $0x0;
	[tilespmem:s0+$0xFFFFFC20] =	vst v24;
	v30 =	vld.idx.msk [tilespmem:v30+s15+$0x0], $0xffff  }
0x26b: {  	v43 =	vadd.s32 v7, v19;
	v13 =	vshll.u32 v13, v2;
	v18 =	vbroadcast v59, $0x0;
	[tilespmem:s12+$0x0] =	vst v17;
	v17 =	vld.idx.msk [tilespmem:v60+s15+$0x0], $0xffff  }
0x26c: {  	v13 =	vbroadcast v13, $0x0;
	v61 =	vadd.s32 v0, v15;
	[tilespmem:s0+$0x240] =	vst v39;
	v23 =	vld.idx.msk [tilespmem:v23+s15+$0x0], $0xffff  }
0x26d: {  	v22 =	vadd.s32 v0, v18;
	v26 =	vld.idx.msk [tilespmem:v26+s15+$0x0], $0xffff;
	[tilespmem:s0+$0x380] =	vst v35  }
0x26e: {  	v62 =	vadd.s32 v0, v13;
	v39 =	vld.idx.msk [tilespmem:v63+s15+$0x0], $0xffff;
	[tilespmem:s12+$0xFFFFFD00] =	vst v25  }
0x26f: {  	v24 =	vadd.s32 v3, v14;
	v35 =	vld.idx.msk [tilespmem:v42+s15+$0x0], $0xffff;
	[tilespmem:s0+$0xFFFFFEA0] =	vst v30  }
0x270: {  	v47 =	vadd.s32 v4, v10;
	v28 =	vld.idx.msk [tilespmem:v43+s15+$0x0], $0xffff;
	[tilespmem:s12+$0xFFFFFF00] =	vst v17  }
0x271: {  	v48 =	vadd.s32 v8, v19;
	v36 =	vld.idx.msk [tilespmem:v61+s15+$0x0], $0xffff;
	[tilespmem:s12+$0x100] =	vst v23  }
0x272: {  	v50 =	vadd.s32 v7, v29;
	v22 =	vld.idx.msk [tilespmem:v22+s15+$0x0], $0xffff;
	[tilespmem:s0+$0x180] =	vst v26  }
0x273: {  	v45 =	vadd.s32 v3, v15;
	v25 =	vld.idx.msk [tilespmem:v62+s15+$0x0], $0xffff;
	[tilespmem:s12+$0x20] =	vst v39  }
0x274: {  	v17 =	vadd.s32 v5, v33;
	v24 =	vld.idx.msk [tilespmem:v24+s15+$0x0], $0xffff;
	[tilespmem:s0+$0xFFFFFC40] =	vst v35  }
0x275: {  	v40 =	vadd.s32 v3, v12;
	[tilespmem:s0+$0x3A0] =	vst v28;
	v37 =	vld.idx.msk [tilespmem:v47+s15+$0x0], $0xffff  }
0x276: {  	s23 =	simm.s32 $0x40;
	v23 =	vadd.s32 v6, v27;
	[tilespmem:s12+$0x300] =	vst v36;
	v52 =	vld.idx.msk [tilespmem:v48+s15+$0x0], $0xffff  }
0x277: {  	v49 =	vmov s23;
	v30 =	vadd.s32 v3, v13;
	[tilespmem:s12+$0x200] =	vst v22;
	v22 =	vld.idx.msk [tilespmem:v50+s15+$0x0], $0xffff  }
0x278: {  	v38 =	vshrl.u32 v49, $0x3;
	v26 =	vadd.s32 v5, v11;
	[tilespmem:s12+$0xFFFFFE00] =	vst v25;
	v25 =	vld.idx.msk [tilespmem:v45+s15+$0x0], $0xffff  }
0x279: {  	[tilespmem:s0+$0xFFFFFD60] =	vst v46;
	v46 =	vadd.s32 v8, v20;
	v38 =	vshll.u32 v38, v2;
	v51 =	vld.idx.msk [tilespmem:v17+s15+$0x0], $0xffff  }
0x27a: {  	v19 =	vadd.s32 v9, v19;
	v17 =	vbroadcast v38, $0x0;
	v38 =	vld.idx.msk [tilespmem:v40+s15+$0x0], $0xffff  }
0x27b: {  	[tilespmem:s0+$0xFFFFFF60] =	vst v32;
	v32 =	vld.idx.msk [tilespmem:v23+s15+$0x0], $0xffff;
	v23 =	vadd.s32 v8, v29  }
0x27c: {  	v41 =	vadd.s32 v7, v21;
	[tilespmem:s0+$0x80] =	vst v34;
	v30 =	vld.idx.msk [tilespmem:v30+s15+$0x0], $0xffff  }
0x27d: {  	v26 =	vld.idx.msk [tilespmem:v26+s15+$0x0], $0xffff;
	[tilespmem:s12+$0xFFFFFD20] =	vst v24;
	v24 =	vadd.s32 v6, v33  }
0x27e: {  	v58 =	vadd.s32 v7, v27;
	[tilespmem:s0+$0x3C0] =	vst v52;
	v52 =	vld.idx.msk [tilespmem:v46+s15+$0x0], $0xffff  }
0x27f: {  	v60 =	vadd.s32 v6, v31;
	[tilespmem:s0+$0x1A0] =	vst v22;
	v22 =	vld.idx.msk [tilespmem:v19+s15+$0x0], $0xffff  }
0x280: {  	v28 =	vadd.s32 v4, v13;
	[tilespmem:s0+$0xFFFFFC60] =	vst v51;
	v59 =	vld.idx.msk [tilespmem:v23+s15+$0x0], $0xffff  }
0x281: {  	v61 =	vadd.s32 v4, v15;
	[tilespmem:s12+$0xFFFFFE20] =	vst v30;
	v30 =	vld.idx.msk [tilespmem:v41+s15+$0x0], $0xffff  }
0x282: {  	v53 =	vadd.s32 v0, v17;
	[tilespmem:s0+$0xFFFFFD80] =	vst v32;
	v57 =	vld.idx.msk [tilespmem:v24+s15+$0x0], $0xffff  }
0x283: {  	v54 =	vadd.s32 v6, v11;
	v47 =	vld.idx.msk [tilespmem:v58+s15+$0x0], $0xffff  }
0x284: {  	[tilespmem:s12+$0x40] =	vst v37;
	v24 =	vadd.s32 v3, v16;
	v41 =	vld.idx.msk [tilespmem:v60+s15+$0x0], $0xffff  }
0x285: {  	v55 =	vadd.s32 v8, v21;
	[tilespmem:s12+$0x320] =	vst v25;
	v28 =	vld.idx.msk [tilespmem:v28+s15+$0x0], $0xffff  }
0x286: {  	v62 =	vadd.s32 v7, v33;
	[tilespmem:s12+$0x120] =	vst v38;
	v39 =	vld.idx.msk [tilespmem:v61+s15+$0x0], $0xffff  }
0x287: {  	v56 =	vadd.s32 v5, v13;
	[tilespmem:s0+$0x260] =	vst v26;
	v36 =	vld.idx.msk [tilespmem:v53+s15+$0x0], $0xffff  }
0x288: {  	v51 =	vadd.s32 v7, v31;
	v26 =	vld.idx.msk [tilespmem:v54+s15+$0x0], $0xffff;
	[tilespmem:s0+$0xA0] =	vst v30  }
0x289: {  	v54 =	vadd.s32 v8, v27;
	v43 =	vld.idx.msk [tilespmem:v24+s15+$0x0], $0xffff;
	[tilespmem:s0+$0xFFFFFC80] =	vst v57  }
0x28a: {  	v30 =	vadd.s32 v7, v11;
	[tilespmem:s12+$0xFFFFFE40] =	vst v28;
	v28 =	vld.idx.msk [tilespmem:v55+s15+$0x0], $0xffff  }
0x28b: {  	v45 =	vadd.s32 v4, v12;
	[tilespmem:s0+$0xFFFFFEC0] =	vst v52;
	v44 =	vld.idx.msk [tilespmem:v62+s15+$0x0], $0xffff  }
0x28c: {  	v21 =	vadd.s32 v9, v21;
	[tilespmem:s0+$0xFFFFFF80] =	vst v41;
	v42 =	vld.idx.msk [tilespmem:v56+s15+$0x0], $0xffff  }
0x28d: {  	v49 =	vadd.s32 v6, v13;
	v34 =	vadd.s32 v3, v18;
	[tilespmem:s0+$0xFFFFFDA0] =	vst v47;
	v38 =	vld.idx.msk [tilespmem:v51+s15+$0x0], $0xffff  }
0x28e: {  	v63 =	vadd.s32 v9, v20;
	v25 =	vadd.s32 v5, v10;
	[tilespmem:s0+$0x280] =	vst v26;
	v47 =	vld.idx.msk [tilespmem:v54+s15+$0x0], $0xffff  }
0x28f: {  	v20 =	vadd.s32 v6, v16;
	v50 =	vadd.s32 v4, v16;
	v48 =	vld.idx.msk [tilespmem:v30+s15+$0x0], $0xffff;
	[tilespmem:s12+$0xFFFFFF20] =	vst v43  }
0x290: {  	v35 =	vadd.s32 v6, v15;
	v37 =	vadd.s32 v5, v16;
	v43 =	vld.idx.msk [tilespmem:v45+s15+$0x0], $0xffff;
	[tilespmem:s0+$0xC0] =	vst v28  }
0x291: {  	v19 =	vadd.s32 v8, v16;
	v23 =	vadd.s32 v8, v31;
	[tilespmem:s12+$0xFFFFFE60] =	vst v42;
	v53 =	vld.idx.msk [tilespmem:v21+s15+$0x0], $0xffff  }
0x292: {  	v32 =	vadd.s32 v4, v18;
	[tilespmem:s0+$0x3E0] =	vst v22;
	v22 =	vadd.s32 v5, v14;
	v40 =	vld.idx.msk [tilespmem:v49+s15+$0x0], $0xffff  }
0x293: {  	[tilespmem:s0+$0x1C0] =	vst v59;
	v24 =	vadd.s32 v4, v14;
	v51 =	vadd.s32 v8, v11;
	v49 =	vld.idx.msk [tilespmem:v25+s15+$0x0], $0xffff  }
0x294: {  	v41 =	vadd.s32 v9, v33;
	[tilespmem:s12+$0xFFFFFC00] =	vst v36;
	v36 =	vadd.s32 v5, v15;
	v46 =	vld.idx.msk [tilespmem:v50+s15+$0x0], $0xffff  }
0x295: {  	v26 =	vadd.s32 v6, v10;
	v30 =	vadd.s32 v5, v12;
	v45 =	vld.idx.msk [tilespmem:v63+s15+$0x0], $0xffff;
	v28 =	vadd.s32 v6, v12  }
0x296: {  	v50 =	vadd.s32 v9, v29;
	v21 =	vadd.s32 v6, v14;
	v42 =	vadd.s32 v9, v31;
	[tilespmem:s0+$0x2A0] =	vst v48  }
0x297: {  	s5 =	simm.s32 $0x8;
	s7 =	simm.s32 $0x80;
	s23 =	simm.s32 $0x13BE8;
	v25 =	vadd.s32 v5, v18;
	v48 =	vadd.s32 v8, v33;
	v33 =	vadd.s32 v9, v27;
	[tilespmem:s0+$0xE0] =	vst v53  }
.LBB2_13:
0x298: {  	v54 =	vmov s7;
	s8 =	sadd.s32 $0x8, s7;
	s9 =	sadd.s32 $0x18, s7;
	s10 =	sadd.s32 $0x38, s7;
	v52 =	vadd.s32 v3, v17;
	[tilespmem:s12+$0x60] =	vst v49;
	v49 =	vld.idx.msk [tilespmem:v51+s15+$0x0], $0xffff;
	v51 =	vadd.s32 v9, v11;
	v27 =	vmovc v14  }
0x299: {  	s5 =	sadd.s32 $0x8, s5;
	v29 =	vmovc v16;
	v11 =	vmovc v18;
	v14 =	vshrl.u32 v54, $0x3;
	v31 =	vmov s8;
	s8 =	sadd.s32 $0x10, s7;
	v53 =	vmov s9;
	[tilespmem:s12+$0xFFFFFF40] =	vst v46;
	v34 =	vld.idx.msk [tilespmem:v34+s15+$0x0], $0xffff  }
0x29a: {  	v18 =	vmov s10;
	p0 =	slt.u32 s5, $0x70;
	v14 =	vshll.u32 v14, v2;
	v16 =	vshrl.u32 v53, $0x3;
	v37 =	vld.idx.msk [tilespmem:v37+s15+$0x0], $0xffff;
	[tilespmem:s0+$0xFFFFFFA0] =	vst v38  }
0x29b: {  	v38 =	vshrl.u32 v31, $0x3;
	v31 =	vmov s8;
	s8 =	sadd.s32 $0x20, s7;
	v18 =	vshrl.u32 v18, $0x3;
	[tilespmem:s0+$0xFFFFFCA0] =	vst v44;
	v44 =	vld.idx.msk [tilespmem:v50+s15+$0x0], $0xffff  }
0x29c: {  	v46 =	vshrl.u32 v31, $0x3;
	v16 =	vshll.u32 v16, v2;
	v50 =	vmov s8;
	s8 =	sadd.s32 $0x28, s7;
	[tilespmem:s12+$0x340] =	vst v39;
	v48 =	vld.idx.msk [tilespmem:v48+s15+$0x0], $0xffff  }
0x29d: {  	v31 =	vbroadcast v14, $0x0;
	v14 =	vshrl.u32 v50, $0x3;
	v39 =	vmov s8;
	s8 =	sadd.s32 $0x30, s7;
	[tilespmem:s0+$0xFFFFFDC0] =	vst v47;
	v47 =	vld.idx.msk [tilespmem:v23+s15+$0x0], $0xffff;
	v23 =	vmovc v19  }
0x29e: {  	v19 =	vshll.u32 v46, v2;
	v14 =	vshll.u32 v14, v2;
	v46 =	vshrl.u32 v39, $0x3;
	v50 =	vld.idx.msk [tilespmem:v33+s15+$0x0], $0xffff;
	[tilespmem:s0+$0x2C0] =	vst v49  }
0x29f: {  	v49 =	vshll.u32 v38, v2;
	v39 =	vbroadcast v14, $0x0;
	v14 =	vshll.u32 v46, v2;
	[tilespmem:s12+$0x220] =	vst v34;
	v34 =	vld.idx.msk [tilespmem:v51+s15+$0x0], $0xffff  }
0x2a0: {  	v38 =	vbroadcast v19, $0x0;
	v19 =	vmov s8;
	v33 =	vbroadcast v14, $0x0;
	v36 =	vld.idx.msk [tilespmem:v36+s15+$0x0], $0xffff;
	[tilespmem:s0+$0xFFFFFEE0] =	vst v45  }
0x2a1: {  	v14 =	vbroadcast v49, $0x0;
	v19 =	vshrl.u32 v19, $0x3;
	v45 =	vadd.s32 v0, v39;
	v32 =	vld.idx.msk [tilespmem:v32+s15+$0x0], $0xffff;
	[tilespmem:s0+$0x1E0] =	vst v44  }
0x2a2: {  	v18 =	vshll.u32 v18, v2;
	v16 =	vbroadcast v16, $0x0;
	v44 =	vadd.s32 v0, v33;
	v46 =	vld.idx.msk [tilespmem:v52+s15+$0x0], $0xffff;
	[tilespmem:s12+$0x140] =	vst v43  }
0x2a3: {  	v51 =	vshll.u32 v19, v2;
	v49 =	vadd.s32 v0, v14;
	v43 =	vbroadcast v18, $0x0;
	v30 =	vld.idx.msk [tilespmem:v30+s15+$0x0], $0xffff;
	[tilespmem:s0+$0xFFFFFFC0] =	vst v47  }
0x2a4: {  	v19 =	vadd.s32 v8, v16;
	v18 =	vbroadcast v51, $0x0;
	v47 =	vadd.s32 v0, v16;
	[tilespmem:s0+$0xFFFFFCC0] =	vst v48;
	v42 =	vld.idx.msk [tilespmem:v42+s15+$0x0], $0xffff  }
0x2a5: {  	v48 =	vadd.s32 v0, v43;
	[tilespmem:s12+$0xFFFFFE80] =	vst v40;
	v41 =	vld.idx.msk [tilespmem:v41+s15+$0x0], $0xffff  }
0x2a6: {  	v51 =	vadd.s32 v0, v18;
	v45 =	vld.idx.msk [tilespmem:v45+s15+$0x0], $0xffff;
	[tilespmem:s12+$0x360] =	vst v36  }
0x2a7: {  	v52 =	vadd.s32 v7, v13;
	v36 =	vadd.s32 v0, v38;
	s12 =	sadd.s32 $0x800, s12;
	[tilespmem:s23+$0x240] =	vst v32;
	v32 =	vld.idx.msk [tilespmem:v35+s15+$0x0], $0xffff  }
0x2a8: {  	v35 =	vadd.s32 v3, v39;
	v26 =	vld.idx.msk [tilespmem:v26+s15+$0x0], $0xffff;
	[tilespmem:s0+$0xFFFFFDE0] =	vst v50  }
0x2a9: {  	v50 =	vadd.s32 v3, v33;
	v53 =	vld.idx.msk [tilespmem:v24+s15+$0x0], $0xffff;
	[tilespmem:s23+$0x160] =	vst v30  }
0x2aa: {  	v30 =	vadd.s32 v3, v14;
	v24 =	vld.idx.msk [tilespmem:v49+s15+$0x0], $0xffff;
	[tilespmem:s0+$0xFFFFFFE0] =	vst v42  }
0x2ab: {  	v40 =	vadd.s32 v3, v16;
	v28 =	vld.idx.msk [tilespmem:v28+s15+$0x0], $0xffff;
	[tilespmem:s0+$0xFFFFFCE0] =	vst v41  }
0x2ac: {  	[tilespmem:s12+$0x0] =	vst v45;
	v45 =	vadd.s32 v3, v43;
	v49 =	vld.idx.msk [tilespmem:v52+s15+$0x0], $0xffff  }
0x2ad: {  	v44 =	vld.idx.msk [tilespmem:v44+s15+$0x0], $0xffff;
	[tilespmem:s23+$0x380] =	vst v32  }
0x2ae: {  	v52 =	vadd.s32 v3, v38;
	v32 =	vld.idx.msk [tilespmem:v47+s15+$0x0], $0xffff;
	v47 =	vadd.s32 v4, v17;
	[tilespmem:s0+$0x2E0] =	vst v34;
	s0 =	smov.u32 s23;
	s23 =	smov.u32 s12  }
0x2af: {  	v54 =	vadd.s32 v4, v39;
	v48 =	vld.idx.msk [tilespmem:v48+s15+$0x0], $0xffff;
	[tilespmem:s0+$0xFFFFFF60] =	vst v37;
	v37 =	vadd.s32 v7, v15  }
0x2b0: {  	v41 =	vadd.s32 v4, v33;
	v34 =	vadd.s32 v3, v18;
	v51 =	vld.idx.msk [tilespmem:v51+s15+$0x0], $0xffff;
	[tilespmem:s0+$0xFFFFFC20] =	vst v46  }
0x2b1: {  	[tilespmem:s12+$0xFFFFFD00] =	vst v24;
	v24 =	vadd.s32 v4, v14;
	v36 =	vld.idx.msk [tilespmem:v36+s15+$0x0], $0xffff  }
0x2b2: {  	v42 =	vadd.s32 v4, v16;
	v35 =	vld.idx.msk [tilespmem:v35+s15+$0x0], $0xffff;
	[tilespmem:s0+$0x180] =	vst v28  }
0x2b3: {  	v46 =	vadd.s32 v4, v43;
	v28 =	vld.idx.msk [tilespmem:v47+s15+$0x0], $0xffff;
	[tilespmem:s0+$0xFFFFFEA0] =	vst v49  }
0x2b4: {  	[tilespmem:s0+$0xFFFFFD40] =	vst v53;
	v47 =	vld.idx.msk [tilespmem:v37+s15+$0x0], $0xffff  }
0x2b5: {  	v49 =	vadd.s32 v4, v38;
	v53 =	vadd.s32 v5, v17;
	[tilespmem:s12+$0xFFFFFF00] =	vst v32;
	v55 =	vld.idx.msk [tilespmem:v22+s15+$0x0], $0xffff  }
0x2b6: {  	v57 =	vadd.s32 v5, v39;
	v56 =	vld.idx.msk [tilespmem:v30+s15+$0x0], $0xffff;
	[tilespmem:s12+$0x300] =	vst v48;
	v48 =	vadd.s32 v8, v15  }
0x2b7: {  	v32 =	vadd.s32 v4, v18;
	v30 =	vadd.s32 v5, v33;
	[tilespmem:s12+$0xFFFFFE00] =	vst v36;
	v45 =	vld.idx.msk [tilespmem:v45+s15+$0x0], $0xffff  }
0x2b8: {  	v22 =	vadd.s32 v5, v14;
	[tilespmem:s12+$0x20] =	vst v35;
	v58 =	vld.idx.msk [tilespmem:v25+s15+$0x0], $0xffff  }
0x2b9: {  	v37 =	vadd.s32 v5, v16;
	v35 =	vld.idx.msk [tilespmem:v52+s15+$0x0], $0xffff;
	[tilespmem:s0+$0xFFFFFC40] =	vst v28;
	v52 =	vadd.s32 v7, v12  }
0x2ba: {  	v59 =	vadd.s32 v7, v10;
	v36 =	vadd.s32 v5, v43;
	v53 =	vld.idx.msk [tilespmem:v53+s15+$0x0], $0xffff;
	[tilespmem:s0+$0x3A0] =	vst v47  }
0x2bb: {  	v47 =	vld.idx.msk [tilespmem:v54+s15+$0x0], $0xffff;
	[tilespmem:s12+$0x100] =	vst v44  }
0x2bc: {  	v44 =	vadd.s32 v5, v38;
	v54 =	vadd.s32 v6, v17;
	[tilespmem:s0+$0x80] =	vst v26;
	v48 =	vld.idx.msk [tilespmem:v48+s15+$0x0], $0xffff  }
0x2bd: {  	v60 =	vadd.s32 v0, v31;
	v26 =	vadd.s32 v6, v39;
	[tilespmem:s12+$0xFFFFFD20] =	vst v56;
	v50 =	vld.idx.msk [tilespmem:v50+s15+$0x0], $0xffff  }
0x2be: {  	v25 =	vadd.s32 v5, v18;
	v28 =	vadd.s32 v6, v33;
	[tilespmem:s12+$0x200] =	vst v51;
	v51 =	vld.idx.msk [tilespmem:v52+s15+$0x0], $0xffff  }
0x2bf: {  	v52 =	vadd.s32 v6, v14;
	[tilespmem:s12+$0xFFFFFE20] =	vst v35;
	v56 =	vld.idx.msk [tilespmem:v59+s15+$0x0], $0xffff;
	v59 =	vadd.s32 v6, v11  }
0x2c0: {  	v61 =	vadd.s32 v6, v16;
	v49 =	vld.idx.msk [tilespmem:v49+s15+$0x0], $0xffff;
	[tilespmem:s0+$0xFFFFFD60] =	vst v55;
	v55 =	vadd.s32 v9, v15;
	v15 =	vmov v43  }
0x2c1: {  	[tilespmem:s12+$0x40] =	vst v47;
	v35 =	vadd.s32 v6, v15;
	v43 =	vld.idx.msk [tilespmem:v21+s15+$0x0], $0xffff;
	v47 =	vadd.s32 v8, v12;
	v21 =	vmov v52  }
0x2c2: {  	v52 =	vld.idx.msk [tilespmem:v60+s15+$0x0], $0xffff;
	[tilespmem:s0+$0xFFFFFC60] =	vst v53;
	v53 =	vadd.s32 v8, v10  }
0x2c3: {  	v54 =	vld.idx.msk [tilespmem:v54+s15+$0x0], $0xffff;
	[tilespmem:s0+$0x260] =	vst v58  }
0x2c4: {  	v58 =	vld.idx.msk [tilespmem:v59+s15+$0x0], $0xffff;
	[tilespmem:s0+$0x3C0] =	vst v48  }
0x2c5: {  	v48 =	vadd.s32 v7, v27;
	[tilespmem:s0+$0x1A0] =	vst v51;
	v51 =	vld.idx.msk [tilespmem:v55+s15+$0x0], $0xffff  }
0x2c6: {  	v55 =	vadd.s32 v7, v11;
	[tilespmem:s0+$0xA0] =	vst v56;
	v47 =	vld.idx.msk [tilespmem:v47+s15+$0x0], $0xffff  }
0x2c7: {  	[tilespmem:s12+$0xFFFFFE40] =	vst v49;
	v49 =	vld.idx.msk [tilespmem:v53+s15+$0x0], $0xffff  }
0x2c8: {  	[tilespmem:s12+$0xFFFFFC00] =	vst v52;
	v52 =	vld.idx.msk [tilespmem:v44+s15+$0x0], $0xffff  }
0x2c9: {  	v53 =	vld.idx.msk [tilespmem:v40+s15+$0x0], $0xffff;
	v40 =	vadd.s32 v7, v17;
	[tilespmem:s0+$0xFFFFFD80] =	vst v43  }
0x2ca: {  	v43 =	vadd.s32 v8, v13;
	v48 =	vld.idx.msk [tilespmem:v48+s15+$0x0], $0xffff;
	[tilespmem:s0+$0x280] =	vst v58  }
0x2cb: {  	v56 =	vadd.s32 v9, v10;
	v10 =	vmov v39;
	v55 =	vld.idx.msk [tilespmem:v55+s15+$0x0], $0xffff;
	[tilespmem:s0+$0x3E0] =	vst v51  }
0x2cc: {  	v51 =	vadd.s32 v6, v38;
	[tilespmem:s12+$0x320] =	vst v45;
	v45 =	vld.idx.msk [tilespmem:v20+s15+$0x0], $0xffff;
	v20 =	vmov v61  }
0x2cd: {  	v39 =	vld.idx.msk [tilespmem:v46+s15+$0x0], $0xffff;
	[tilespmem:s0+$0xFFFFFC80] =	vst v54  }
0x2ce: {  	v44 =	vld.idx.msk [tilespmem:v40+s15+$0x0], $0xffff;
	[tilespmem:s0+$0xC0] =	vst v49  }
0x2cf: {  	v54 =	vld.idx.msk [tilespmem:v43+s15+$0x0], $0xffff;
	v43 =	vadd.s32 v7, v29;
	[tilespmem:s0+$0x1C0] =	vst v47  }
0x2d0: {  	[tilespmem:s12+$0xFFFFFE60] =	vst v52;
	v52 =	vld.idx.msk [tilespmem:v56+s15+$0x0], $0xffff  }
0x2d1: {  	v47 =	vadd.s32 v9, v13;
	v13 =	vmov v38;
	v40 =	vld.idx.msk [tilespmem:v51+s15+$0x0], $0xffff;
	[tilespmem:s0+$0x2A0] =	vst v55  }
0x2d2: {  	[tilespmem:s12+$0xFFFFFF20] =	vst v53;
	v49 =	vld.idx.msk [tilespmem:v57+s15+$0x0], $0xffff;
	v53 =	vadd.s32 v8, v27  }
.Ltmp7:
0x2d3: {  	v51 =	vadd.s32 v8, v11;
	v46 =	vld.idx.msk [tilespmem:v42+s15+$0x0], $0xffff;
	[tilespmem:s0+$0xFFFFFF80] =	vst v45;
	(pc) =	sbr.rel @p0 .LBB2_13-.Ltmp7, $4  }
0x2d4: {  	[tilespmem:s12+$0x120] =	vst v50;
	v38 =	vld.idx.msk [tilespmem:v43+s15+$0x0], $0xffff  }
0x2d5: {  	v43 =	vld.idx.msk [tilespmem:v41+s15+$0x0], $0xffff;
	v41 =	vadd.s32 v9, v17;
	[tilespmem:s0+$0xFFFFFEC0] =	vst v54  }
0x2d6: {  	v42 =	vadd.s32 v9, v29;
	v50 =	vadd.s32 v9, v12;
	v12 =	vmov v33;
	[tilespmem:s0+$0xFFFFFDA0] =	vst v48;
	v45 =	vld.idx.msk [tilespmem:v47+s15+$0x0], $0xffff  }
0x2d7: {  	s7 =	sadd.s32 $0x40, s7;
	v33 =	vadd.s32 v9, v27;
	v48 =	vadd.s32 v8, v17;
	v17 =	vmov v31;
	v47 =	vld.idx.msk [tilespmem:v53+s15+$0x0], $0xffff;
	[tilespmem:s0+$0xE0] =	vst v52  }
0x2d8: {  	[tilespmem:s12+$0x60] =	vst v49  }
0x2d9: {  	[tilespmem:s12+$0xFFFFFF40] =	vst v46  }
0x2da: {  	[tilespmem:s0+$0xFFFFFCA0] =	vst v44  }
0x2db: {  	[tilespmem:s12+$0x340] =	vst v39  }
0x2dc: {  	v27 =	vld.idx.msk [tilespmem:v51+s15+$0x0], $0xffff;
	[tilespmem:s12+$0xFFFFFE80] =	vst v40  }
0x2dd: {  	v29 =	vld.idx.msk [tilespmem:v34+s15+$0x0], $0xffff;
	[tilespmem:s0+$0xFFFFFFA0] =	vst v38  }
0x2de: {  	v31 =	vld.idx.msk [tilespmem:v50+s15+$0x0], $0xffff;
	[tilespmem:s12+$0x140] =	vst v43  }
0x2df: {  	v24 =	vld.idx.msk [tilespmem:v24+s15+$0x0], $0xffff;
	[tilespmem:s0+$0xFFFFFEE0] =	vst v45  }
0x2e0: {  	v48 =	vld.idx.msk [tilespmem:v48+s15+$0x0], $0xffff;
	[tilespmem:s0+$0xFFFFFDC0] =	vst v47  }
0x2e1: {  	v49 =	vld.idx.msk [tilespmem:v36+s15+$0x0], $0xffff;
	[tilespmem:s0+$0x2C0] =	vst v27  }
0x2e2: {  	v50 =	vadd.s32 v3, v17;
	v58 =	vld.idx.msk [tilespmem:v37+s15+$0x0], $0xffff;
	[tilespmem:s12+$0x220] =	vst v29  }
0x2e3: {  	v59 =	vadd.s32 v7, v13;
	v26 =	vld.idx.msk [tilespmem:v26+s15+$0x0], $0xffff;
	[tilespmem:s0+$0x1E0] =	vst v31  }
0x2e4: {  	v23 =	vld.idx.msk [tilespmem:v23+s15+$0x0], $0xffff;
	[tilespmem:s23+$0xFFFFFD40] =	vst v24  }
0x2e5: {  	v11 =	vadd.s32 v9, v11;
	v51 =	vld.idx.msk [tilespmem:v30+s15+$0x0], $0xffff;
	[tilespmem:s0+$0xFFFFFCC0] =	vst v48  }
0x2e6: {  	v33 =	vld.idx.msk [tilespmem:v33+s15+$0x0], $0xffff;
	[tilespmem:s12+$0x360] =	vst v49  }
0x2e7: {  	v54 =	vld.idx.msk [tilespmem:v50+s15+$0x0], $0xffff;
	[tilespmem:s23+$0xFFFFFF60] =	vst v58  }
0x2e8: {  	v63 =	vld.idx.msk [tilespmem:v59+s15+$0x0], $0xffff;
	[tilespmem:s23+$0x80] =	vst v26  }
0x2e9: {  	v56 =	vadd.s32 v4, v17;
	[tilespmem:s0+$0xFFFFFFC0] =	vst v23;
	v55 =	vld.idx.msk [tilespmem:v35+s15+$0x0], $0xffff  }
0x2ea: {  	v57 =	vadd.s32 v7, v15;
	v11 =	vld.idx.msk [tilespmem:v11+s15+$0x0], $0xffff;
	[tilespmem:s23+$0x160] =	vst v51  }
0x2eb: {  	v32 =	vld.idx.msk [tilespmem:v32+s15+$0x0], $0xffff;
	[tilespmem:s0+$0xFFFFFDE0] =	vst v33  }
0x2ec: {  	v22 =	vld.idx.msk [tilespmem:v22+s15+$0x0], $0xffff;
	[tilespmem:s23+$0xFFFFFC20] =	vst v54  }
0x2ed: {  	v53 =	vld.idx.msk [tilespmem:v41+s15+$0x0], $0xffff;
	[tilespmem:s23+$0xFFFFFEA0] =	vst v63  }
0x2ee: {  	v61 =	vld.idx.msk [tilespmem:v56+s15+$0x0], $0xffff;
	[tilespmem:s23+$0x380] =	vst v55  }
0x2ef: {  	v62 =	vadd.s32 v5, v17;
	[tilespmem:s0+$0x2E0] =	vst v11;
	v11 =	vld.idx.msk [tilespmem:v57+s15+$0x0], $0xffff  }
0x2f0: {  	v35 =	vadd.s32 v7, v10;
	v20 =	vld.idx.msk [tilespmem:v20+s15+$0x0], $0xffff;
	[tilespmem:s23+$0x240] =	vst v32  }
0x2f1: {  	v52 =	vld.idx.msk [tilespmem:v42+s15+$0x0], $0xffff;
	[tilespmem:s23+$0xFFFFFD60] =	vst v22  }
0x2f2: {  	v43 =	vadd.s32 v7, v16;
	v60 =	vld.idx.msk [tilespmem:v28+s15+$0x0], $0xffff;
	[tilespmem:s0+$0xFFFFFCE0] =	vst v53  }
0x2f3: {  	v34 =	vadd.s32 v7, v12;
	v25 =	vld.idx.msk [tilespmem:v25+s15+$0x0], $0xffff;
	[tilespmem:s23+$0xFFFFFC40] =	vst v61  }
0x2f4: {  	v23 =	vld.idx.msk [tilespmem:v62+s15+$0x0], $0xffff;
	[tilespmem:s23+$0x3A0] =	vst v11;
	v11 =	vadd.s32 v6, v18  }
0x2f5: {  	v37 =	vadd.s32 v6, v17;
	v26 =	vld.idx.msk [tilespmem:v35+s15+$0x0], $0xffff;
	[tilespmem:s23+$0xFFFFFF80] =	vst v20  }
0x2f6: {  	v47 =	vadd.s32 v8, v13;
	v21 =	vld.idx.msk [tilespmem:v21+s15+$0x0], $0xffff;
	[tilespmem:s0+$0xFFFFFFE0] =	vst v52  }
0x2f7: {  	v39 =	vadd.s32 v8, v10;
	v49 =	vld.idx.msk [tilespmem:v43+s15+$0x0], $0xffff;
	[tilespmem:s23+$0x180] =	vst v60  }
0x2f8: {  	v33 =	vadd.s32 v8, v15;
	v24 =	vld.idx.msk [tilespmem:v34+s15+$0x0], $0xffff;
	[tilespmem:s23+$0x260] =	vst v25  }
0x2f9: {  	[tilespmem:s23+$0xFFFFFC60] =	vst v23;
	v11 =	vld.idx.msk [tilespmem:v11+s15+$0x0], $0xffff  }
0x2fa: {  	v41 =	vadd.s32 v7, v14;
	[tilespmem:s23+$0xA0] =	vst v26;
	v42 =	vld.idx.msk [tilespmem:v37+s15+$0x0], $0xffff  }
0x2fb: {  	v44 =	vadd.s32 v7, v17;
	[tilespmem:s23+$0xFFFFFD80] =	vst v21;
	v25 =	vld.idx.msk [tilespmem:v47+s15+$0x0], $0xffff  }
0x2fc: {  	v45 =	vadd.s32 v7, v18;
	v22 =	vld.idx.msk [tilespmem:v39+s15+$0x0], $0xffff;
	[tilespmem:s23+$0xFFFFFFA0] =	vst v49  }
0x2fd: {  	v40 =	vadd.s32 v8, v12;
	v36 =	vld.idx.msk [tilespmem:v33+s15+$0x0], $0xffff;
	[tilespmem:s23+$0x1A0] =	vst v24  }
0x2fe: {  	v10 =	vadd.s32 v9, v10;
	v57 =	vld.idx.msk [tilespmem:v19+s15+$0x0], $0xffff;
	[tilespmem:s23+$0x280] =	vst v11  }
0x2ff: {  	v54 =	vadd.s32 v9, v13;
	v11 =	vld.idx.msk [tilespmem:v41+s15+$0x0], $0xffff;
	[tilespmem:s23+$0xFFFFFC80] =	vst v42  }
0x300: {  	v48 =	vadd.s32 v8, v14;
	[tilespmem:s23+$0xFFFFFEC0] =	vst v25;
	v50 =	vld.idx.msk [tilespmem:v44+s15+$0x0], $0xffff  }
0x301: {  	v52 =	vadd.s32 v8, v17;
	[tilespmem:s23+$0xC0] =	vst v22;
	v51 =	vld.idx.msk [tilespmem:v45+s15+$0x0], $0xffff  }
0x302: {  	v53 =	vadd.s32 v8, v18;
	v46 =	vld.idx.msk [tilespmem:v40+s15+$0x0], $0xffff;
	[tilespmem:s23+$0x3C0] =	vst v36  }
0x303: {  	v38 =	vadd.s32 v9, v15;
	v10 =	vld.idx.msk [tilespmem:v10+s15+$0x0], $0xffff;
	[tilespmem:s23+$0xFFFFFFC0] =	vst v57  }
0x304: {  	v58 =	vadd.s32 v9, v16;
	v13 =	vld.idx.msk [tilespmem:v54+s15+$0x0], $0xffff;
	[tilespmem:s23+$0xFFFFFDA0] =	vst v11  }
0x305: {  	v11 =	vadd.s32 v9, v12;
	v55 =	vld.idx.msk [tilespmem:v48+s15+$0x0], $0xffff;
	[tilespmem:s23+$0xFFFFFCA0] =	vst v50  }
0x306: {  	v56 =	vadd.s32 v9, v14;
	[tilespmem:s23+$0x2A0] =	vst v51;
	v59 =	vld.idx.msk [tilespmem:v52+s15+$0x0], $0xffff  }
0x307: {  	v60 =	vadd.s32 v9, v17;
	[tilespmem:s23+$0x1C0] =	vst v46;
	v61 =	vld.idx.msk [tilespmem:v53+s15+$0x0], $0xffff  }
0x308: {  	v15 =	vld.idx.msk [tilespmem:v38+s15+$0x0], $0xffff;
	[tilespmem:s23+$0xE0] =	vst v10;
	v10 =	vadd.s32 v9, v18  }
0x309: {  	v62 =	vld.idx.msk [tilespmem:v58+s15+$0x0], $0xffff;
	[tilespmem:s23+$0xFFFFFEE0] =	vst v13  }
0x30a: {  	v11 =	vld.idx.msk [tilespmem:v11+s15+$0x0], $0xffff;
	[tilespmem:s23+$0xFFFFFDC0] =	vst v55  }
0x30b: {  	v12 =	vld.idx.msk [tilespmem:v56+s15+$0x0], $0xffff;
	[tilespmem:s23+$0xFFFFFCC0] =	vst v59  }
0x30c: {  	[tilespmem:s23+$0x2C0] =	vst v61;
	v63 =	vld.idx.msk [tilespmem:v60+s15+$0x0], $0xffff  }
0x30d: {  	[tilespmem:s23+$0x3E0] =	vst v15;
	v10 =	vld.idx.msk [tilespmem:v10+s15+$0x0], $0xffff  }
0x30e: {  	[tilespmem:s23+$0xFFFFFFE0] =	vst v62  }
0x30f: {  	[tilespmem:s23+$0x1E0] =	vst v11  }
0x310: {  	[tilespmem:s23+$0xFFFFFDE0] =	vst v12  }
0x311: {  	[tilespmem:s23+$0xFFFFFCE0] =	vst v63  }
0x312: {  	s0 =	simm.s32 $0x3C0;
	[tilespmem:s23+$0x2E0] =	vst v10  }
.LBB2_15:
0x313: {  	v10 =	vmov s0  }
0x314: {  	v10 =	vshrl.u32 v10, $0x3  }
0x315: {  	v10 =	vshll.u32 v10, $0x3  }
0x316: {  	v10 =	vbroadcast v10, $0x0;
	_ =	sdelay $0x1  }
0x317: {  	v11 =	vadd.s32 v0, v10;
	_ =	sdelay $0x4  }
0x318: {  	v11 =	vld.idx.msk [tilespmem:v11+s15+$0x0], $0xffff  }
0x319: {  	v12 =	vadd.s32 v3, v10;
	_ =	sdelay $0x2  }
0x31a: {  	s5 =	sshra.s32 s1, $0x2  }
0x31b: {  	[tilespmem:s5+$0x1A7E8] =	vst v11  }
0x31c: {  	v11 =	vld.idx.msk [tilespmem:v12+s15+$0x0], $0xffff  }
0x31d: {  	v59 =	vadd.s32 v4, v10;
	_ =	sdelay $0x3  }
0x31e: {  	[tilespmem:s5+$0x1A808] =	vst v11  }
0x31f: {  	v11 =	vld.idx.msk [tilespmem:v59+s15+$0x0], $0xffff  }
0x320: {  	v60 =	vadd.s32 v5, v10;
	_ =	sdelay $0x3  }
0x321: {  	[tilespmem:s5+$0x1A828] =	vst v11  }
0x322: {  	v11 =	vld.idx.msk [tilespmem:v60+s15+$0x0], $0xffff  }
0x323: {  	v61 =	vadd.s32 v6, v10;
	_ =	sdelay $0x3  }
0x324: {  	[tilespmem:s5+$0x1A848] =	vst v11  }
0x325: {  	v11 =	vld.idx.msk [tilespmem:v61+s15+$0x0], $0xffff  }
0x326: {  	v62 =	vadd.s32 v7, v10;
	_ =	sdelay $0x3  }
0x327: {  	[tilespmem:s5+$0x1A868] =	vst v11  }
0x328: {  	v11 =	vld.idx.msk [tilespmem:v62+s15+$0x0], $0xffff  }
0x329: {  	v63 =	vadd.s32 v8, v10;
	_ =	sdelay $0x3  }
0x32a: {  	[tilespmem:s5+$0x1A888] =	vst v11  }
0x32b: {  	v11 =	vld.idx.msk [tilespmem:v63+s15+$0x0], $0xffff  }
0x32c: {  	v10 =	vadd.s32 v9, v10;
	_ =	sdelay $0x3  }
0x32d: {  	[tilespmem:s5+$0x1A8A8] =	vst v11  }
0x32e: {  	p0 =	sne.s32 s1, $0x1000;
	v10 =	vld.idx.msk [tilespmem:v10+s15+$0x0], $0xffff  }
.Ltmp8:
0x32f: {  	_ = 	snop;
	(pc) =	sbr.rel @p0 .LBB2_15-.Ltmp8, $2  }
0x330: {  	_ =	sdelay $0x2  }
0x331: {  	s0 =	sadd.s32 $0x8, s0;
	s1 =	sadd.s32 $0x400, s1;
	[tilespmem:s5+$0x1A8C8] =	vst v10  }
0x332: {  	v10 =	vld [tilespmem:s30+$0x1900]  }
0x333: {  	v11 =	vld [tilespmem:s30+$0x0];
	_ =	sdelay $0x3  }
0x334: {  	v10 =	vadd.s32 v0, v10;
	_ =	sdelay $0x3  }
0x335: {  	v11 =	vld.idx.msk [tilespmem:v11+s13+$0x0], $0xffff  }
0x336: {  	v10 =	vld.idx.msk [tilespmem:v10+s15+$0x0], $0xffff;
	_ =	sdelay $0x1  }
0x337: {  	v12 =	vld [tilespmem:$0x1ACE8];
	_ =	sdelay $0x2  }
0x338: {  	v10 =	vsub.f32 v11, v10  }
0x339: {  	s0 =	simm.s32 $0x10  }
0x33a: {  	v11 =	vmov s0;
	v10 =	vadd.f32 v10, v12  }
0x33b: {  	p0 =	seq.s32 s25, $0x63;
	v11 =	vshrl.u32 v11, $0x3  }
0x33c: {  	s10 =	simm.s32 $0x20;
	s12 =	simm.s32 $0x8;
	s1 =	sshll.u32 @!p0 s25, $0x6;
	[tilespmem:$0x1ACE8] =	vst v10;
	v10 =	vshll.u32 v11, v2  }
0x33d: {  	s23 =	simm.s32 $0x18;
	s30 =	simm.s32 $0x38;
	s0 =	sand.u32 @!p0 $0x3FFFFFC0, s1;
	v12 =	vmov s12;
	v20 =	vbroadcast v10, $0x0  }
0x33e: {  	s5 =	simm.s32 @!p0 $0x35E8;
	v13 =	vmov s23;
	s1 =	simm.s32 @!p0 $0x10;
	s0 =	sadd.s32 @!p0 $0x40, s0;
	v12 =	vshrl.u32 v12, $0x3;
	v10 =	vmov s10  }
0x33f: {  	v12 =	vshll.u32 v12, v2;
	[tilespmem:s5], [sflag:$0x1] =	stream.indirect.gather @!p0 [hbm4b:s4+s1], $0x3E8, s0, s1, $0xb8;
	v10 =	vshrl.u32 v10, $0x3;
	v11 =	vadd.s32 v0, v20;
	[tilespmem:$0x1ACF8] =	vst v63  }
0x340: {  	v14 =	vmov s30;
	s1 =	simm.s32 $0x28;
	v27 =	vbroadcast v12, $0x0;
	v10 =	vshll.u32 v10, v2  }
0x341: {  	v13 =	vshrl.u32 v13, $0x3;
	_ =	swait.ge [sflag:s18], $0x3E80;
	v15 =	vmov s1;
	v21 =	vbroadcast v10, $0x0  }
0x342: {  	[sflag:s18] =	ssyncset.done $0x0;
	v10 =	vshrl.u32 v14, $0x3;
	v14 =	vshrl.u32 v15, $0x3;
	v15 =	vadd.s32 v0, v27  }
0x343: {  	v13 =	vshll.u32 v13, v2;
	[sflag:s18] =	ssyncadd.s32 $0xFFFFC180;
	v12 =	vadd.s32 v0, v21  }
0x344: {  	v31 =	vbroadcast v13, $0x0;
	v14 =	vshll.u32 v14, v2;
	v10 =	vshll.u32 v10, v2;
	v11 =	vld.idx.msk [tilespmem:v11+s16+$0x0], $0xffff  }
0x345: {  	v29 =	vbroadcast v14, $0x0;
	v14 =	vadd.s32 v3, v20;
	v19 =	vbroadcast v10, $0x0  }
0x346: {  	v17 =	vadd.s32 v0, v31;
	s5 =	simm.s32 $0x30  }
0x347: {  	v10 =	vmov s5;
	v16 =	vadd.s32 v0, v19;
	v15 =	vld.idx.msk [tilespmem:v15+s16+$0x0], $0xffff  }
0x348: {  	s0 =	simm.s32 $0x133F8;
	v23 =	vadd.s32 v3, v27;
	v10 =	vshrl.u32 v10, $0x3;
	v12 =	vld.idx.msk [tilespmem:v12+s16+$0x0], $0xffff  }
0x349: {  	v13 =	vadd.s32 v0, v29;
	v10 =	vshll.u32 v10, v2;
	[tilespmem:s0+$0xFFFFFE00] =	vst v11  }
0x34a: {  	v11 =	vbroadcast v10, $0x0;
	v10 =	vadd.s32 v3, v21;
	v14 =	vld.idx.msk [tilespmem:v14+s16+$0x0], $0xffff  }
0x34b: {  	v18 =	vadd.s32 v4, v20;
	v17 =	vld.idx.msk [tilespmem:v17+s16+$0x0], $0xffff  }
0x34c: {  	v16 =	vld.idx.msk [tilespmem:v16+s16+$0x0], $0xffff;
	[tilespmem:s0+$0xFFFFFD00] =	vst v15;
	v22 =	vadd.s32 v0, v11  }
0x34d: {  	s1 =	simm.s32 $0x0;
	v23 =	vld.idx.msk [tilespmem:v23+s16+$0x0], $0xffff;
	[tilespmem:s0+$0x0] =	vst v12;
	v12 =	vadd.s32 v3, v19  }
0x34e: {  	v24 =	vmov s1;
	v28 =	vadd.s32 v4, v27;
	v13 =	vld.idx.msk [tilespmem:v13+s16+$0x0], $0xffff  }
0x34f: {  	v25 =	vadd.s32 v3, v31;
	v24 =	vshrl.u32 v24, $0x3;
	v10 =	vld.idx.msk [tilespmem:v10+s16+$0x0], $0xffff;
	[tilespmem:s0+$0xFFFFFE20] =	vst v14  }
0x350: {  	[tilespmem:s0+$0xFFFFFF00] =	vst v17;
	v14 =	vshll.u32 v24, v2;
	v24 =	vadd.s32 v4, v21;
	v18 =	vld.idx.msk [tilespmem:v18+s16+$0x0], $0xffff  }
0x351: {  	v15 =	vadd.s32 v5, v20;
	[tilespmem:s0+$0x300] =	vst v16;
	v33 =	vbroadcast v14, $0x0;
	v14 =	vld.idx.msk [tilespmem:v22+s16+$0x0], $0xffff  }
0x352: {  	v22 =	vadd.s32 v3, v29;
	[tilespmem:s0+$0xFFFFFD20] =	vst v23;
	v12 =	vld.idx.msk [tilespmem:v12+s16+$0x0], $0xffff  }
0x353: {  	[tilespmem:s0+$0x100] =	vst v13;
	v28 =	vld.idx.msk [tilespmem:v28+s16+$0x0], $0xffff;
	v16 =	vadd.s32 v0, v33  }
0x354: {  	v17 =	vadd.s32 v4, v19;
	[tilespmem:s0+$0x20] =	vst v10;
	v10 =	vld.idx.msk [tilespmem:v25+s16+$0x0], $0xffff  }
0x355: {  	v44 =	vadd.s32 v5, v27;
	v24 =	vld.idx.msk [tilespmem:v24+s16+$0x0], $0xffff;
	[tilespmem:s0+$0xFFFFFE40] =	vst v18  }
0x356: {  	v25 =	vadd.s32 v4, v31;
	[tilespmem:s0+$0x200] =	vst v14;
	v13 =	vld.idx.msk [tilespmem:v15+s16+$0x0], $0xffff  }
0x357: {  	v18 =	vadd.s32 v3, v11;
	v15 =	vld.idx.msk [tilespmem:v22+s16+$0x0], $0xffff;
	[tilespmem:s0+$0x320] =	vst v12  }
0x358: {  	v26 =	vadd.s32 v4, v29;
	[tilespmem:s0+$0xFFFFFD40] =	vst v28;
	v16 =	vld.idx.msk [tilespmem:v16+s16+$0x0], $0xffff  }
0x359: {  	v12 =	vadd.s32 v5, v21;
	v17 =	vld.idx.msk [tilespmem:v17+s16+$0x0], $0xffff;
	[tilespmem:s0+$0xFFFFFF20] =	vst v10  }
0x35a: {  	s7 =	simm.s32 $0x60;
	v30 =	vadd.s32 v5, v19;
	v46 =	vld.idx.msk [tilespmem:v44+s16+$0x0], $0xffff;
	[tilespmem:s0+$0x40] =	vst v24  }
0x35b: {  	v22 =	vadd.s32 v6, v20;
	v10 =	vmov s7;
	v14 =	vld.idx.msk [tilespmem:v25+s16+$0x0], $0xffff;
	[tilespmem:s0+$0xFFFFFE60] =	vst v13  }
0x35c: {  	v10 =	vshrl.u32 v10, $0x3;
	v24 =	vadd.s32 v3, v33;
	v13 =	vld.idx.msk [tilespmem:v18+s16+$0x0], $0xffff;
	[tilespmem:s0+$0x120] =	vst v15  }
0x35d: {  	s8 =	simm.s32 $0x48;
	v32 =	vadd.s32 v5, v31;
	v10 =	vshll.u32 v10, v2;
	v15 =	vld.idx.msk [tilespmem:v26+s16+$0x0], $0xffff  }
0x35e: {  	v25 =	vadd.s32 v5, v29;
	v10 =	vbroadcast v10, $0x0;
	v36 =	vld.idx.msk [tilespmem:v12+s16+$0x0], $0xffff;
	v12 =	vmov s8;
	[tilespmem:s0+$0x340] =	vst v17  }
0x35f: {  	v34 =	vadd.s32 v6, v21;
	s7 =	simm.s32 $0x58;
	v18 =	vadd.s32 v4, v11;
	v12 =	vshrl.u32 v12, $0x3;
	v30 =	vld.idx.msk [tilespmem:v30+s16+$0x0], $0xffff  }
0x360: {  	s12 =	simm.s32 $0x68;
	v22 =	vld.idx.msk [tilespmem:v22+s16+$0x0], $0xffff;
	v17 =	vmov s7;
	[tilespmem:s0+$0xFFFFFC00] =	vst v16;
	v37 =	vadd.s32 v0, v10;
	v12 =	vshll.u32 v12, v2  }
0x361: {  	v16 =	vmov s12;
	v17 =	vshrl.u32 v17, $0x3;
	[tilespmem:s0+$0xFFFFFF40] =	vst v14;
	v14 =	vbroadcast v12, $0x0;
	v24 =	vld.idx.msk [tilespmem:v24+s16+$0x0], $0xffff  }
0x362: {  	v35 =	vadd.s32 v6, v19;
	v12 =	vshrl.u32 v16, $0x3;
	v16 =	vshll.u32 v17, v2;
	v32 =	vld.idx.msk [tilespmem:v32+s16+$0x0], $0xffff;
	[tilespmem:s0+$0x140] =	vst v15  }
0x363: {  	v12 =	vshll.u32 v12, v2;
	v16 =	vbroadcast v16, $0x0;
	[tilespmem:s0+$0x220] =	vst v13;
	v58 =	vadd.s32 v0, v14;
	v25 =	vld.idx.msk [tilespmem:v25+s16+$0x0], $0xffff  }
0x364: {  	s9 =	simm.s32 $0x78;
	v12 =	vbroadcast v12, $0x0;
	v39 =	vld.idx.msk [tilespmem:v18+s16+$0x0], $0xffff;
	[tilespmem:s0+$0x360] =	vst v30;
	v30 =	vadd.s32 v7, v20  }
0x365: {  	v38 =	vmov s9;
	[tilespmem:s0+$0x60] =	vst v36;
	v60 =	vadd.s32 v0, v16;
	v17 =	vld.idx.msk [tilespmem:v37+s16+$0x0], $0xffff  }
0x366: {  	s23 =	simm.s32 $0x70;
	v42 =	vadd.s32 v4, v33;
	v26 =	vadd.s32 v6, v29;
	v34 =	vld.idx.msk [tilespmem:v34+s16+$0x0], $0xffff;
	v23 =	vadd.s32 v0, v12  }
0x367: {  	s10 =	simm.s32 $0x50;
	v63 =	vadd.s32 v3, v10;
	v18 =	vshrl.u32 v38, $0x3;
	v15 =	vmov s23;
	[tilespmem:s0+$0xFFFFFE80] =	vst v22;
	v35 =	vld.idx.msk [tilespmem:v35+s16+$0x0], $0xffff  }
0x368: {  	v13 =	vmov s10;
	v15 =	vshrl.u32 v15, $0x3;
	v18 =	vshll.u32 v18, v2;
	[tilespmem:s0+$0x160] =	vst v25;
	v25 =	vld.idx.msk [tilespmem:v58+s16+$0x0], $0xffff  }
0x369: {  	s12 =	simm.s32 $0x13BF8;
	v13 =	vshrl.u32 v13, $0x3;
	v59 =	vshll.u32 v15, v2;
	v15 =	vbroadcast v18, $0x0;
	[tilespmem:s0+$0xFFFFFC20] =	vst v24;
	v30 =	vld.idx.msk [tilespmem:v30+s16+$0x0], $0xffff  }
0x36a: {  	v43 =	vadd.s32 v7, v19;
	v13 =	vshll.u32 v13, v2;
	v18 =	vbroadcast v59, $0x0;
	[tilespmem:s12+$0x0] =	vst v17;
	v17 =	vld.idx.msk [tilespmem:v60+s16+$0x0], $0xffff  }
0x36b: {  	v13 =	vbroadcast v13, $0x0;
	v61 =	vadd.s32 v0, v15;
	[tilespmem:s0+$0x240] =	vst v39;
	v23 =	vld.idx.msk [tilespmem:v23+s16+$0x0], $0xffff  }
0x36c: {  	v22 =	vadd.s32 v0, v18;
	v26 =	vld.idx.msk [tilespmem:v26+s16+$0x0], $0xffff;
	[tilespmem:s0+$0x380] =	vst v35  }
0x36d: {  	v62 =	vadd.s32 v0, v13;
	v39 =	vld.idx.msk [tilespmem:v63+s16+$0x0], $0xffff;
	[tilespmem:s12+$0xFFFFFD00] =	vst v25  }
0x36e: {  	v24 =	vadd.s32 v3, v14;
	v35 =	vld.idx.msk [tilespmem:v42+s16+$0x0], $0xffff;
	[tilespmem:s0+$0xFFFFFEA0] =	vst v30  }
0x36f: {  	v47 =	vadd.s32 v4, v10;
	v28 =	vld.idx.msk [tilespmem:v43+s16+$0x0], $0xffff;
	[tilespmem:s12+$0xFFFFFF00] =	vst v17  }
0x370: {  	v48 =	vadd.s32 v8, v19;
	v36 =	vld.idx.msk [tilespmem:v61+s16+$0x0], $0xffff;
	[tilespmem:s12+$0x100] =	vst v23  }
0x371: {  	v50 =	vadd.s32 v7, v29;
	v22 =	vld.idx.msk [tilespmem:v22+s16+$0x0], $0xffff;
	[tilespmem:s0+$0x180] =	vst v26  }
0x372: {  	v45 =	vadd.s32 v3, v15;
	v25 =	vld.idx.msk [tilespmem:v62+s16+$0x0], $0xffff;
	[tilespmem:s12+$0x20] =	vst v39  }
0x373: {  	v17 =	vadd.s32 v5, v33;
	v24 =	vld.idx.msk [tilespmem:v24+s16+$0x0], $0xffff;
	[tilespmem:s0+$0xFFFFFC40] =	vst v35  }
0x374: {  	v40 =	vadd.s32 v3, v12;
	[tilespmem:s0+$0x3A0] =	vst v28;
	v37 =	vld.idx.msk [tilespmem:v47+s16+$0x0], $0xffff  }
0x375: {  	s30 =	simm.s32 $0x40;
	v23 =	vadd.s32 v6, v27;
	[tilespmem:s12+$0x300] =	vst v36;
	v52 =	vld.idx.msk [tilespmem:v48+s16+$0x0], $0xffff  }
0x376: {  	v49 =	vmov s30;
	v30 =	vadd.s32 v3, v13;
	[tilespmem:s12+$0x200] =	vst v22;
	v22 =	vld.idx.msk [tilespmem:v50+s16+$0x0], $0xffff  }
0x377: {  	v38 =	vshrl.u32 v49, $0x3;
	v26 =	vadd.s32 v5, v11;
	[tilespmem:s12+$0xFFFFFE00] =	vst v25;
	v25 =	vld.idx.msk [tilespmem:v45+s16+$0x0], $0xffff  }
0x378: {  	[tilespmem:s0+$0xFFFFFD60] =	vst v46;
	v46 =	vadd.s32 v8, v20;
	v38 =	vshll.u32 v38, v2;
	v51 =	vld.idx.msk [tilespmem:v17+s16+$0x0], $0xffff  }
0x379: {  	v19 =	vadd.s32 v9, v19;
	v17 =	vbroadcast v38, $0x0;
	v38 =	vld.idx.msk [tilespmem:v40+s16+$0x0], $0xffff  }
0x37a: {  	[tilespmem:s0+$0xFFFFFF60] =	vst v32;
	v32 =	vld.idx.msk [tilespmem:v23+s16+$0x0], $0xffff;
	v23 =	vadd.s32 v8, v29  }
0x37b: {  	v41 =	vadd.s32 v7, v21;
	[tilespmem:s0+$0x80] =	vst v34;
	v30 =	vld.idx.msk [tilespmem:v30+s16+$0x0], $0xffff  }
0x37c: {  	v26 =	vld.idx.msk [tilespmem:v26+s16+$0x0], $0xffff;
	[tilespmem:s12+$0xFFFFFD20] =	vst v24;
	v24 =	vadd.s32 v6, v33  }
0x37d: {  	v58 =	vadd.s32 v7, v27;
	[tilespmem:s0+$0x3C0] =	vst v52;
	v52 =	vld.idx.msk [tilespmem:v46+s16+$0x0], $0xffff  }
0x37e: {  	v60 =	vadd.s32 v6, v31;
	[tilespmem:s0+$0x1A0] =	vst v22;
	v22 =	vld.idx.msk [tilespmem:v19+s16+$0x0], $0xffff  }
0x37f: {  	v28 =	vadd.s32 v4, v13;
	[tilespmem:s0+$0xFFFFFC60] =	vst v51;
	v59 =	vld.idx.msk [tilespmem:v23+s16+$0x0], $0xffff  }
0x380: {  	v61 =	vadd.s32 v4, v15;
	[tilespmem:s12+$0xFFFFFE20] =	vst v30;
	v30 =	vld.idx.msk [tilespmem:v41+s16+$0x0], $0xffff  }
0x381: {  	v53 =	vadd.s32 v0, v17;
	[tilespmem:s0+$0xFFFFFD80] =	vst v32;
	v57 =	vld.idx.msk [tilespmem:v24+s16+$0x0], $0xffff  }
0x382: {  	v54 =	vadd.s32 v6, v11;
	v47 =	vld.idx.msk [tilespmem:v58+s16+$0x0], $0xffff  }
0x383: {  	[tilespmem:s12+$0x40] =	vst v37;
	v24 =	vadd.s32 v3, v16;
	v41 =	vld.idx.msk [tilespmem:v60+s16+$0x0], $0xffff  }
0x384: {  	v55 =	vadd.s32 v8, v21;
	[tilespmem:s12+$0x320] =	vst v25;
	v28 =	vld.idx.msk [tilespmem:v28+s16+$0x0], $0xffff  }
0x385: {  	v62 =	vadd.s32 v7, v33;
	[tilespmem:s12+$0x120] =	vst v38;
	v39 =	vld.idx.msk [tilespmem:v61+s16+$0x0], $0xffff  }
0x386: {  	v56 =	vadd.s32 v5, v13;
	[tilespmem:s0+$0x260] =	vst v26;
	v36 =	vld.idx.msk [tilespmem:v53+s16+$0x0], $0xffff  }
0x387: {  	v51 =	vadd.s32 v7, v31;
	v26 =	vld.idx.msk [tilespmem:v54+s16+$0x0], $0xffff;
	[tilespmem:s0+$0xA0] =	vst v30  }
0x388: {  	v54 =	vadd.s32 v8, v27;
	v43 =	vld.idx.msk [tilespmem:v24+s16+$0x0], $0xffff;
	[tilespmem:s0+$0xFFFFFC80] =	vst v57  }
0x389: {  	v30 =	vadd.s32 v7, v11;
	[tilespmem:s12+$0xFFFFFE40] =	vst v28;
	v28 =	vld.idx.msk [tilespmem:v55+s16+$0x0], $0xffff  }
0x38a: {  	v45 =	vadd.s32 v4, v12;
	[tilespmem:s0+$0xFFFFFEC0] =	vst v52;
	v44 =	vld.idx.msk [tilespmem:v62+s16+$0x0], $0xffff  }
0x38b: {  	v21 =	vadd.s32 v9, v21;
	[tilespmem:s0+$0xFFFFFF80] =	vst v41;
	v42 =	vld.idx.msk [tilespmem:v56+s16+$0x0], $0xffff  }
0x38c: {  	v49 =	vadd.s32 v6, v13;
	v34 =	vadd.s32 v3, v18;
	[tilespmem:s0+$0xFFFFFDA0] =	vst v47;
	v38 =	vld.idx.msk [tilespmem:v51+s16+$0x0], $0xffff  }
0x38d: {  	v63 =	vadd.s32 v9, v20;
	v25 =	vadd.s32 v5, v10;
	[tilespmem:s0+$0x280] =	vst v26;
	v47 =	vld.idx.msk [tilespmem:v54+s16+$0x0], $0xffff  }
0x38e: {  	v20 =	vadd.s32 v6, v16;
	v50 =	vadd.s32 v4, v16;
	v48 =	vld.idx.msk [tilespmem:v30+s16+$0x0], $0xffff;
	[tilespmem:s12+$0xFFFFFF20] =	vst v43  }
0x38f: {  	v35 =	vadd.s32 v6, v15;
	v37 =	vadd.s32 v5, v16;
	v43 =	vld.idx.msk [tilespmem:v45+s16+$0x0], $0xffff;
	[tilespmem:s0+$0xC0] =	vst v28  }
0x390: {  	v19 =	vadd.s32 v8, v16;
	v23 =	vadd.s32 v8, v31;
	[tilespmem:s12+$0xFFFFFE60] =	vst v42;
	v53 =	vld.idx.msk [tilespmem:v21+s16+$0x0], $0xffff  }
0x391: {  	v32 =	vadd.s32 v4, v18;
	[tilespmem:s0+$0x3E0] =	vst v22;
	v22 =	vadd.s32 v5, v14;
	v40 =	vld.idx.msk [tilespmem:v49+s16+$0x0], $0xffff  }
0x392: {  	[tilespmem:s0+$0x1C0] =	vst v59;
	v24 =	vadd.s32 v4, v14;
	v51 =	vadd.s32 v8, v11;
	v49 =	vld.idx.msk [tilespmem:v25+s16+$0x0], $0xffff  }
0x393: {  	v41 =	vadd.s32 v9, v33;
	[tilespmem:s12+$0xFFFFFC00] =	vst v36;
	v36 =	vadd.s32 v5, v15;
	v46 =	vld.idx.msk [tilespmem:v50+s16+$0x0], $0xffff  }
0x394: {  	v26 =	vadd.s32 v6, v10;
	v30 =	vadd.s32 v5, v12;
	v45 =	vld.idx.msk [tilespmem:v63+s16+$0x0], $0xffff;
	v28 =	vadd.s32 v6, v12  }
0x395: {  	v50 =	vadd.s32 v9, v29;
	v21 =	vadd.s32 v6, v14;
	v42 =	vadd.s32 v9, v31;
	[tilespmem:s0+$0x2A0] =	vst v48  }
0x396: {  	s5 =	simm.s32 $0x8;
	s7 =	simm.s32 $0x80;
	s23 =	simm.s32 $0x13BF8;
	v25 =	vadd.s32 v5, v18;
	v48 =	vadd.s32 v8, v33;
	v33 =	vadd.s32 v9, v27;
	[tilespmem:s0+$0xE0] =	vst v53  }
.LBB2_17:
0x397: {  	v54 =	vmov s7;
	s8 =	sadd.s32 $0x8, s7;
	s9 =	sadd.s32 $0x18, s7;
	s10 =	sadd.s32 $0x38, s7;
	v52 =	vadd.s32 v3, v17;
	[tilespmem:s12+$0x60] =	vst v49;
	v49 =	vld.idx.msk [tilespmem:v51+s16+$0x0], $0xffff;
	v51 =	vadd.s32 v9, v11;
	v27 =	vmovc v14  }
0x398: {  	s5 =	sadd.s32 $0x8, s5;
	v29 =	vmovc v16;
	v11 =	vmovc v18;
	v14 =	vshrl.u32 v54, $0x3;
	v31 =	vmov s8;
	s8 =	sadd.s32 $0x10, s7;
	v53 =	vmov s9;
	[tilespmem:s12+$0xFFFFFF40] =	vst v46;
	v34 =	vld.idx.msk [tilespmem:v34+s16+$0x0], $0xffff  }
0x399: {  	v18 =	vmov s10;
	p1 =	slt.u32 s5, $0x70;
	v14 =	vshll.u32 v14, v2;
	v16 =	vshrl.u32 v53, $0x3;
	v37 =	vld.idx.msk [tilespmem:v37+s16+$0x0], $0xffff;
	[tilespmem:s0+$0xFFFFFFA0] =	vst v38  }
0x39a: {  	v38 =	vshrl.u32 v31, $0x3;
	v31 =	vmov s8;
	s8 =	sadd.s32 $0x20, s7;
	v18 =	vshrl.u32 v18, $0x3;
	[tilespmem:s0+$0xFFFFFCA0] =	vst v44;
	v44 =	vld.idx.msk [tilespmem:v50+s16+$0x0], $0xffff  }
0x39b: {  	v46 =	vshrl.u32 v31, $0x3;
	v16 =	vshll.u32 v16, v2;
	v50 =	vmov s8;
	s8 =	sadd.s32 $0x28, s7;
	[tilespmem:s12+$0x340] =	vst v39;
	v48 =	vld.idx.msk [tilespmem:v48+s16+$0x0], $0xffff  }
0x39c: {  	v31 =	vbroadcast v14, $0x0;
	v14 =	vshrl.u32 v50, $0x3;
	v39 =	vmov s8;
	s8 =	sadd.s32 $0x30, s7;
	[tilespmem:s0+$0xFFFFFDC0] =	vst v47;
	v47 =	vld.idx.msk [tilespmem:v23+s16+$0x0], $0xffff;
	v23 =	vmovc v19  }
0x39d: {  	v19 =	vshll.u32 v46, v2;
	v14 =	vshll.u32 v14, v2;
	v46 =	vshrl.u32 v39, $0x3;
	v50 =	vld.idx.msk [tilespmem:v33+s16+$0x0], $0xffff;
	[tilespmem:s0+$0x2C0] =	vst v49  }
0x39e: {  	v49 =	vshll.u32 v38, v2;
	v39 =	vbroadcast v14, $0x0;
	v14 =	vshll.u32 v46, v2;
	[tilespmem:s12+$0x220] =	vst v34;
	v34 =	vld.idx.msk [tilespmem:v51+s16+$0x0], $0xffff  }
0x39f: {  	v38 =	vbroadcast v19, $0x0;
	v19 =	vmov s8;
	v33 =	vbroadcast v14, $0x0;
	v36 =	vld.idx.msk [tilespmem:v36+s16+$0x0], $0xffff;
	[tilespmem:s0+$0xFFFFFEE0] =	vst v45  }
0x3a0: {  	v14 =	vbroadcast v49, $0x0;
	v19 =	vshrl.u32 v19, $0x3;
	v45 =	vadd.s32 v0, v39;
	v32 =	vld.idx.msk [tilespmem:v32+s16+$0x0], $0xffff;
	[tilespmem:s0+$0x1E0] =	vst v44  }
0x3a1: {  	v18 =	vshll.u32 v18, v2;
	v16 =	vbroadcast v16, $0x0;
	v44 =	vadd.s32 v0, v33;
	v46 =	vld.idx.msk [tilespmem:v52+s16+$0x0], $0xffff;
	[tilespmem:s12+$0x140] =	vst v43  }
0x3a2: {  	v51 =	vshll.u32 v19, v2;
	v49 =	vadd.s32 v0, v14;
	v43 =	vbroadcast v18, $0x0;
	v30 =	vld.idx.msk [tilespmem:v30+s16+$0x0], $0xffff;
	[tilespmem:s0+$0xFFFFFFC0] =	vst v47  }
0x3a3: {  	v19 =	vadd.s32 v8, v16;
	v18 =	vbroadcast v51, $0x0;
	v47 =	vadd.s32 v0, v16;
	[tilespmem:s0+$0xFFFFFCC0] =	vst v48;
	v42 =	vld.idx.msk [tilespmem:v42+s16+$0x0], $0xffff  }
0x3a4: {  	v48 =	vadd.s32 v0, v43;
	[tilespmem:s12+$0xFFFFFE80] =	vst v40;
	v41 =	vld.idx.msk [tilespmem:v41+s16+$0x0], $0xffff  }
0x3a5: {  	v51 =	vadd.s32 v0, v18;
	v45 =	vld.idx.msk [tilespmem:v45+s16+$0x0], $0xffff;
	[tilespmem:s12+$0x360] =	vst v36  }
0x3a6: {  	v52 =	vadd.s32 v7, v13;
	v36 =	vadd.s32 v0, v38;
	s12 =	sadd.s32 $0x800, s12;
	[tilespmem:s23+$0x240] =	vst v32;
	v32 =	vld.idx.msk [tilespmem:v35+s16+$0x0], $0xffff  }
0x3a7: {  	v35 =	vadd.s32 v3, v39;
	v26 =	vld.idx.msk [tilespmem:v26+s16+$0x0], $0xffff;
	[tilespmem:s0+$0xFFFFFDE0] =	vst v50  }
0x3a8: {  	v50 =	vadd.s32 v3, v33;
	v53 =	vld.idx.msk [tilespmem:v24+s16+$0x0], $0xffff;
	[tilespmem:s23+$0x160] =	vst v30  }
0x3a9: {  	v30 =	vadd.s32 v3, v14;
	v24 =	vld.idx.msk [tilespmem:v49+s16+$0x0], $0xffff;
	[tilespmem:s0+$0xFFFFFFE0] =	vst v42  }
0x3aa: {  	v40 =	vadd.s32 v3, v16;
	v28 =	vld.idx.msk [tilespmem:v28+s16+$0x0], $0xffff;
	[tilespmem:s0+$0xFFFFFCE0] =	vst v41  }
0x3ab: {  	[tilespmem:s12+$0x0] =	vst v45;
	v45 =	vadd.s32 v3, v43;
	v49 =	vld.idx.msk [tilespmem:v52+s16+$0x0], $0xffff  }
0x3ac: {  	v44 =	vld.idx.msk [tilespmem:v44+s16+$0x0], $0xffff;
	[tilespmem:s23+$0x380] =	vst v32  }
0x3ad: {  	v52 =	vadd.s32 v3, v38;
	v32 =	vld.idx.msk [tilespmem:v47+s16+$0x0], $0xffff;
	v47 =	vadd.s32 v4, v17;
	[tilespmem:s0+$0x2E0] =	vst v34;
	s0 =	smov.u32 s23;
	s23 =	smov.u32 s12  }
0x3ae: {  	v54 =	vadd.s32 v4, v39;
	v48 =	vld.idx.msk [tilespmem:v48+s16+$0x0], $0xffff;
	[tilespmem:s0+$0xFFFFFF60] =	vst v37;
	v37 =	vadd.s32 v7, v15  }
0x3af: {  	v41 =	vadd.s32 v4, v33;
	v34 =	vadd.s32 v3, v18;
	v51 =	vld.idx.msk [tilespmem:v51+s16+$0x0], $0xffff;
	[tilespmem:s0+$0xFFFFFC20] =	vst v46  }
0x3b0: {  	[tilespmem:s12+$0xFFFFFD00] =	vst v24;
	v24 =	vadd.s32 v4, v14;
	v36 =	vld.idx.msk [tilespmem:v36+s16+$0x0], $0xffff  }
0x3b1: {  	v42 =	vadd.s32 v4, v16;
	v35 =	vld.idx.msk [tilespmem:v35+s16+$0x0], $0xffff;
	[tilespmem:s0+$0x180] =	vst v28  }
0x3b2: {  	v46 =	vadd.s32 v4, v43;
	v28 =	vld.idx.msk [tilespmem:v47+s16+$0x0], $0xffff;
	[tilespmem:s0+$0xFFFFFEA0] =	vst v49  }
0x3b3: {  	[tilespmem:s0+$0xFFFFFD40] =	vst v53;
	v47 =	vld.idx.msk [tilespmem:v37+s16+$0x0], $0xffff  }
0x3b4: {  	v49 =	vadd.s32 v4, v38;
	v53 =	vadd.s32 v5, v17;
	[tilespmem:s12+$0xFFFFFF00] =	vst v32;
	v55 =	vld.idx.msk [tilespmem:v22+s16+$0x0], $0xffff  }
0x3b5: {  	v57 =	vadd.s32 v5, v39;
	v56 =	vld.idx.msk [tilespmem:v30+s16+$0x0], $0xffff;
	[tilespmem:s12+$0x300] =	vst v48;
	v48 =	vadd.s32 v8, v15  }
0x3b6: {  	v32 =	vadd.s32 v4, v18;
	v30 =	vadd.s32 v5, v33;
	[tilespmem:s12+$0xFFFFFE00] =	vst v36;
	v45 =	vld.idx.msk [tilespmem:v45+s16+$0x0], $0xffff  }
0x3b7: {  	v22 =	vadd.s32 v5, v14;
	[tilespmem:s12+$0x20] =	vst v35;
	v58 =	vld.idx.msk [tilespmem:v25+s16+$0x0], $0xffff  }
0x3b8: {  	v37 =	vadd.s32 v5, v16;
	v35 =	vld.idx.msk [tilespmem:v52+s16+$0x0], $0xffff;
	[tilespmem:s0+$0xFFFFFC40] =	vst v28;
	v52 =	vadd.s32 v7, v12  }
0x3b9: {  	v59 =	vadd.s32 v7, v10;
	v36 =	vadd.s32 v5, v43;
	v53 =	vld.idx.msk [tilespmem:v53+s16+$0x0], $0xffff;
	[tilespmem:s0+$0x3A0] =	vst v47  }
0x3ba: {  	v47 =	vld.idx.msk [tilespmem:v54+s16+$0x0], $0xffff;
	[tilespmem:s12+$0x100] =	vst v44  }
0x3bb: {  	v44 =	vadd.s32 v5, v38;
	v54 =	vadd.s32 v6, v17;
	[tilespmem:s0+$0x80] =	vst v26;
	v48 =	vld.idx.msk [tilespmem:v48+s16+$0x0], $0xffff  }
0x3bc: {  	v60 =	vadd.s32 v0, v31;
	v26 =	vadd.s32 v6, v39;
	[tilespmem:s12+$0xFFFFFD20] =	vst v56;
	v50 =	vld.idx.msk [tilespmem:v50+s16+$0x0], $0xffff  }
0x3bd: {  	v25 =	vadd.s32 v5, v18;
	v28 =	vadd.s32 v6, v33;
	[tilespmem:s12+$0x200] =	vst v51;
	v51 =	vld.idx.msk [tilespmem:v52+s16+$0x0], $0xffff  }
0x3be: {  	v52 =	vadd.s32 v6, v14;
	[tilespmem:s12+$0xFFFFFE20] =	vst v35;
	v56 =	vld.idx.msk [tilespmem:v59+s16+$0x0], $0xffff;
	v59 =	vadd.s32 v6, v11  }
0x3bf: {  	v61 =	vadd.s32 v6, v16;
	v49 =	vld.idx.msk [tilespmem:v49+s16+$0x0], $0xffff;
	[tilespmem:s0+$0xFFFFFD60] =	vst v55;
	v55 =	vadd.s32 v9, v15;
	v15 =	vmov v43  }
0x3c0: {  	[tilespmem:s12+$0x40] =	vst v47;
	v35 =	vadd.s32 v6, v15;
	v43 =	vld.idx.msk [tilespmem:v21+s16+$0x0], $0xffff;
	v47 =	vadd.s32 v8, v12;
	v21 =	vmov v52  }
0x3c1: {  	v52 =	vld.idx.msk [tilespmem:v60+s16+$0x0], $0xffff;
	[tilespmem:s0+$0xFFFFFC60] =	vst v53;
	v53 =	vadd.s32 v8, v10  }
0x3c2: {  	v54 =	vld.idx.msk [tilespmem:v54+s16+$0x0], $0xffff;
	[tilespmem:s0+$0x260] =	vst v58  }
0x3c3: {  	v58 =	vld.idx.msk [tilespmem:v59+s16+$0x0], $0xffff;
	[tilespmem:s0+$0x3C0] =	vst v48  }
0x3c4: {  	v48 =	vadd.s32 v7, v27;
	[tilespmem:s0+$0x1A0] =	vst v51;
	v51 =	vld.idx.msk [tilespmem:v55+s16+$0x0], $0xffff  }
0x3c5: {  	v55 =	vadd.s32 v7, v11;
	[tilespmem:s0+$0xA0] =	vst v56;
	v47 =	vld.idx.msk [tilespmem:v47+s16+$0x0], $0xffff  }
0x3c6: {  	[tilespmem:s12+$0xFFFFFE40] =	vst v49;
	v49 =	vld.idx.msk [tilespmem:v53+s16+$0x0], $0xffff  }
0x3c7: {  	[tilespmem:s12+$0xFFFFFC00] =	vst v52;
	v52 =	vld.idx.msk [tilespmem:v44+s16+$0x0], $0xffff  }
0x3c8: {  	v53 =	vld.idx.msk [tilespmem:v40+s16+$0x0], $0xffff;
	v40 =	vadd.s32 v7, v17;
	[tilespmem:s0+$0xFFFFFD80] =	vst v43  }
0x3c9: {  	v43 =	vadd.s32 v8, v13;
	v48 =	vld.idx.msk [tilespmem:v48+s16+$0x0], $0xffff;
	[tilespmem:s0+$0x280] =	vst v58  }
0x3ca: {  	v56 =	vadd.s32 v9, v10;
	v10 =	vmov v39;
	v55 =	vld.idx.msk [tilespmem:v55+s16+$0x0], $0xffff;
	[tilespmem:s0+$0x3E0] =	vst v51  }
0x3cb: {  	v51 =	vadd.s32 v6, v38;
	[tilespmem:s12+$0x320] =	vst v45;
	v45 =	vld.idx.msk [tilespmem:v20+s16+$0x0], $0xffff;
	v20 =	vmov v61  }
0x3cc: {  	v39 =	vld.idx.msk [tilespmem:v46+s16+$0x0], $0xffff;
	[tilespmem:s0+$0xFFFFFC80] =	vst v54  }
0x3cd: {  	v44 =	vld.idx.msk [tilespmem:v40+s16+$0x0], $0xffff;
	[tilespmem:s0+$0xC0] =	vst v49  }
0x3ce: {  	v54 =	vld.idx.msk [tilespmem:v43+s16+$0x0], $0xffff;
	v43 =	vadd.s32 v7, v29;
	[tilespmem:s0+$0x1C0] =	vst v47  }
0x3cf: {  	[tilespmem:s12+$0xFFFFFE60] =	vst v52;
	v52 =	vld.idx.msk [tilespmem:v56+s16+$0x0], $0xffff  }
0x3d0: {  	v47 =	vadd.s32 v9, v13;
	v13 =	vmov v38;
	v40 =	vld.idx.msk [tilespmem:v51+s16+$0x0], $0xffff;
	[tilespmem:s0+$0x2A0] =	vst v55  }
0x3d1: {  	[tilespmem:s12+$0xFFFFFF20] =	vst v53;
	v49 =	vld.idx.msk [tilespmem:v57+s16+$0x0], $0xffff;
	v53 =	vadd.s32 v8, v27  }
.Ltmp9:
0x3d2: {  	v51 =	vadd.s32 v8, v11;
	v46 =	vld.idx.msk [tilespmem:v42+s16+$0x0], $0xffff;
	[tilespmem:s0+$0xFFFFFF80] =	vst v45;
	(pc) =	sbr.rel @p1 .LBB2_17-.Ltmp9, $4  }
0x3d3: {  	[tilespmem:s12+$0x120] =	vst v50;
	v38 =	vld.idx.msk [tilespmem:v43+s16+$0x0], $0xffff  }
0x3d4: {  	v43 =	vld.idx.msk [tilespmem:v41+s16+$0x0], $0xffff;
	v41 =	vadd.s32 v9, v17;
	[tilespmem:s0+$0xFFFFFEC0] =	vst v54  }
0x3d5: {  	v42 =	vadd.s32 v9, v29;
	v50 =	vadd.s32 v9, v12;
	v12 =	vmov v33;
	[tilespmem:s0+$0xFFFFFDA0] =	vst v48;
	v45 =	vld.idx.msk [tilespmem:v47+s16+$0x0], $0xffff  }
0x3d6: {  	s7 =	sadd.s32 $0x40, s7;
	v33 =	vadd.s32 v9, v27;
	v48 =	vadd.s32 v8, v17;
	v17 =	vmov v31;
	v47 =	vld.idx.msk [tilespmem:v53+s16+$0x0], $0xffff;
	[tilespmem:s0+$0xE0] =	vst v52  }
0x3d7: {  	[tilespmem:s12+$0x60] =	vst v49  }
0x3d8: {  	[tilespmem:s12+$0xFFFFFF40] =	vst v46  }
0x3d9: {  	[tilespmem:s0+$0xFFFFFCA0] =	vst v44  }
0x3da: {  	[tilespmem:s12+$0x340] =	vst v39  }
0x3db: {  	v27 =	vld.idx.msk [tilespmem:v51+s16+$0x0], $0xffff;
	[tilespmem:s12+$0xFFFFFE80] =	vst v40  }
0x3dc: {  	v29 =	vld.idx.msk [tilespmem:v34+s16+$0x0], $0xffff;
	[tilespmem:s0+$0xFFFFFFA0] =	vst v38  }
0x3dd: {  	v31 =	vld.idx.msk [tilespmem:v50+s16+$0x0], $0xffff;
	[tilespmem:s12+$0x140] =	vst v43  }
0x3de: {  	v24 =	vld.idx.msk [tilespmem:v24+s16+$0x0], $0xffff;
	[tilespmem:s0+$0xFFFFFEE0] =	vst v45  }
0x3df: {  	v48 =	vld.idx.msk [tilespmem:v48+s16+$0x0], $0xffff;
	[tilespmem:s0+$0xFFFFFDC0] =	vst v47  }
0x3e0: {  	v49 =	vld.idx.msk [tilespmem:v36+s16+$0x0], $0xffff;
	[tilespmem:s0+$0x2C0] =	vst v27  }
0x3e1: {  	v50 =	vadd.s32 v3, v17;
	v58 =	vld.idx.msk [tilespmem:v37+s16+$0x0], $0xffff;
	[tilespmem:s12+$0x220] =	vst v29  }
0x3e2: {  	v59 =	vadd.s32 v7, v13;
	v26 =	vld.idx.msk [tilespmem:v26+s16+$0x0], $0xffff;
	[tilespmem:s0+$0x1E0] =	vst v31  }
0x3e3: {  	v23 =	vld.idx.msk [tilespmem:v23+s16+$0x0], $0xffff;
	[tilespmem:s23+$0xFFFFFD40] =	vst v24  }
0x3e4: {  	v11 =	vadd.s32 v9, v11;
	v51 =	vld.idx.msk [tilespmem:v30+s16+$0x0], $0xffff;
	[tilespmem:s0+$0xFFFFFCC0] =	vst v48  }
0x3e5: {  	v33 =	vld.idx.msk [tilespmem:v33+s16+$0x0], $0xffff;
	[tilespmem:s12+$0x360] =	vst v49  }
0x3e6: {  	v54 =	vld.idx.msk [tilespmem:v50+s16+$0x0], $0xffff;
	[tilespmem:s23+$0xFFFFFF60] =	vst v58  }
0x3e7: {  	v63 =	vld.idx.msk [tilespmem:v59+s16+$0x0], $0xffff;
	[tilespmem:s23+$0x80] =	vst v26  }
0x3e8: {  	v56 =	vadd.s32 v4, v17;
	[tilespmem:s0+$0xFFFFFFC0] =	vst v23;
	v55 =	vld.idx.msk [tilespmem:v35+s16+$0x0], $0xffff  }
0x3e9: {  	v57 =	vadd.s32 v7, v15;
	v11 =	vld.idx.msk [tilespmem:v11+s16+$0x0], $0xffff;
	[tilespmem:s23+$0x160] =	vst v51  }
0x3ea: {  	v32 =	vld.idx.msk [tilespmem:v32+s16+$0x0], $0xffff;
	[tilespmem:s0+$0xFFFFFDE0] =	vst v33  }
0x3eb: {  	v22 =	vld.idx.msk [tilespmem:v22+s16+$0x0], $0xffff;
	[tilespmem:s23+$0xFFFFFC20] =	vst v54  }
0x3ec: {  	v53 =	vld.idx.msk [tilespmem:v41+s16+$0x0], $0xffff;
	[tilespmem:s23+$0xFFFFFEA0] =	vst v63  }
0x3ed: {  	v61 =	vld.idx.msk [tilespmem:v56+s16+$0x0], $0xffff;
	[tilespmem:s23+$0x380] =	vst v55  }
0x3ee: {  	v62 =	vadd.s32 v5, v17;
	[tilespmem:s0+$0x2E0] =	vst v11;
	v11 =	vld.idx.msk [tilespmem:v57+s16+$0x0], $0xffff  }
0x3ef: {  	v35 =	vadd.s32 v7, v10;
	v20 =	vld.idx.msk [tilespmem:v20+s16+$0x0], $0xffff;
	[tilespmem:s23+$0x240] =	vst v32  }
0x3f0: {  	v52 =	vld.idx.msk [tilespmem:v42+s16+$0x0], $0xffff;
	[tilespmem:s23+$0xFFFFFD60] =	vst v22  }
0x3f1: {  	v43 =	vadd.s32 v7, v16;
	v60 =	vld.idx.msk [tilespmem:v28+s16+$0x0], $0xffff;
	[tilespmem:s0+$0xFFFFFCE0] =	vst v53  }
0x3f2: {  	v34 =	vadd.s32 v7, v12;
	v25 =	vld.idx.msk [tilespmem:v25+s16+$0x0], $0xffff;
	[tilespmem:s23+$0xFFFFFC40] =	vst v61  }
0x3f3: {  	v23 =	vld.idx.msk [tilespmem:v62+s16+$0x0], $0xffff;
	[tilespmem:s23+$0x3A0] =	vst v11;
	v11 =	vadd.s32 v6, v18  }
0x3f4: {  	v37 =	vadd.s32 v6, v17;
	v26 =	vld.idx.msk [tilespmem:v35+s16+$0x0], $0xffff;
	[tilespmem:s23+$0xFFFFFF80] =	vst v20  }
0x3f5: {  	v47 =	vadd.s32 v8, v13;
	v21 =	vld.idx.msk [tilespmem:v21+s16+$0x0], $0xffff;
	[tilespmem:s0+$0xFFFFFFE0] =	vst v52  }
0x3f6: {  	v39 =	vadd.s32 v8, v10;
	v49 =	vld.idx.msk [tilespmem:v43+s16+$0x0], $0xffff;
	[tilespmem:s23+$0x180] =	vst v60  }
0x3f7: {  	v33 =	vadd.s32 v8, v15;
	v24 =	vld.idx.msk [tilespmem:v34+s16+$0x0], $0xffff;
	[tilespmem:s23+$0x260] =	vst v25  }
0x3f8: {  	[tilespmem:s23+$0xFFFFFC60] =	vst v23;
	v11 =	vld.idx.msk [tilespmem:v11+s16+$0x0], $0xffff  }
0x3f9: {  	v41 =	vadd.s32 v7, v14;
	[tilespmem:s23+$0xA0] =	vst v26;
	v42 =	vld.idx.msk [tilespmem:v37+s16+$0x0], $0xffff  }
0x3fa: {  	v44 =	vadd.s32 v7, v17;
	[tilespmem:s23+$0xFFFFFD80] =	vst v21;
	v25 =	vld.idx.msk [tilespmem:v47+s16+$0x0], $0xffff  }
0x3fb: {  	v45 =	vadd.s32 v7, v18;
	v22 =	vld.idx.msk [tilespmem:v39+s16+$0x0], $0xffff;
	[tilespmem:s23+$0xFFFFFFA0] =	vst v49  }
0x3fc: {  	v40 =	vadd.s32 v8, v12;
	v36 =	vld.idx.msk [tilespmem:v33+s16+$0x0], $0xffff;
	[tilespmem:s23+$0x1A0] =	vst v24  }
0x3fd: {  	v10 =	vadd.s32 v9, v10;
	v57 =	vld.idx.msk [tilespmem:v19+s16+$0x0], $0xffff;
	[tilespmem:s23+$0x280] =	vst v11  }
0x3fe: {  	v54 =	vadd.s32 v9, v13;
	v11 =	vld.idx.msk [tilespmem:v41+s16+$0x0], $0xffff;
	[tilespmem:s23+$0xFFFFFC80] =	vst v42  }
0x3ff: {  	v48 =	vadd.s32 v8, v14;
	[tilespmem:s23+$0xFFFFFEC0] =	vst v25;
	v50 =	vld.idx.msk [tilespmem:v44+s16+$0x0], $0xffff  }
0x400: {  	v52 =	vadd.s32 v8, v17;
	[tilespmem:s23+$0xC0] =	vst v22;
	v51 =	vld.idx.msk [tilespmem:v45+s16+$0x0], $0xffff  }
0x401: {  	v53 =	vadd.s32 v8, v18;
	v46 =	vld.idx.msk [tilespmem:v40+s16+$0x0], $0xffff;
	[tilespmem:s23+$0x3C0] =	vst v36  }
0x402: {  	v38 =	vadd.s32 v9, v15;
	v10 =	vld.idx.msk [tilespmem:v10+s16+$0x0], $0xffff;
	[tilespmem:s23+$0xFFFFFFC0] =	vst v57  }
0x403: {  	v58 =	vadd.s32 v9, v16;
	v13 =	vld.idx.msk [tilespmem:v54+s16+$0x0], $0xffff;
	[tilespmem:s23+$0xFFFFFDA0] =	vst v11  }
0x404: {  	v11 =	vadd.s32 v9, v12;
	v55 =	vld.idx.msk [tilespmem:v48+s16+$0x0], $0xffff;
	[tilespmem:s23+$0xFFFFFCA0] =	vst v50  }
0x405: {  	v56 =	vadd.s32 v9, v14;
	[tilespmem:s23+$0x2A0] =	vst v51;
	v59 =	vld.idx.msk [tilespmem:v52+s16+$0x0], $0xffff  }
0x406: {  	v60 =	vadd.s32 v9, v17;
	[tilespmem:s23+$0x1C0] =	vst v46;
	v61 =	vld.idx.msk [tilespmem:v53+s16+$0x0], $0xffff  }
0x407: {  	v15 =	vld.idx.msk [tilespmem:v38+s16+$0x0], $0xffff;
	[tilespmem:s23+$0xE0] =	vst v10;
	v10 =	vadd.s32 v9, v18  }
0x408: {  	v62 =	vld.idx.msk [tilespmem:v58+s16+$0x0], $0xffff;
	[tilespmem:s23+$0xFFFFFEE0] =	vst v13  }
0x409: {  	v11 =	vld.idx.msk [tilespmem:v11+s16+$0x0], $0xffff;
	[tilespmem:s23+$0xFFFFFDC0] =	vst v55  }
0x40a: {  	v12 =	vld.idx.msk [tilespmem:v56+s16+$0x0], $0xffff;
	[tilespmem:s23+$0xFFFFFCC0] =	vst v59  }
0x40b: {  	[tilespmem:s23+$0x2C0] =	vst v61;
	v63 =	vld.idx.msk [tilespmem:v60+s16+$0x0], $0xffff  }
0x40c: {  	[tilespmem:s23+$0x3E0] =	vst v15;
	v10 =	vld.idx.msk [tilespmem:v10+s16+$0x0], $0xffff  }
0x40d: {  	[tilespmem:s23+$0xFFFFFFE0] =	vst v62  }
0x40e: {  	[tilespmem:s23+$0x1E0] =	vst v11  }
0x40f: {  	[tilespmem:s23+$0xFFFFFDE0] =	vst v12  }
0x410: {  	[tilespmem:s23+$0xFFFFFCE0] =	vst v63  }
0x411: {  	s0 =	simm.s32 $0x3C0;
	[tilespmem:s23+$0x2E0] =	vst v10  }
.LBB2_19:
0x412: {  	v10 =	vmov s0  }
0x413: {  	v10 =	vshrl.u32 v10, $0x3  }
0x414: {  	v10 =	vshll.u32 v10, $0x3  }
0x415: {  	v10 =	vbroadcast v10, $0x0;
	_ =	sdelay $0x1  }
0x416: {  	v11 =	vadd.s32 v0, v10;
	_ =	sdelay $0x4  }
0x417: {  	v11 =	vld.idx.msk [tilespmem:v11+s16+$0x0], $0xffff  }
0x418: {  	v12 =	vadd.s32 v3, v10;
	_ =	sdelay $0x2  }
0x419: {  	s5 =	sshra.s32 s1, $0x2  }
0x41a: {  	[tilespmem:s5+$0x1A7F8] =	vst v11  }
0x41b: {  	v11 =	vld.idx.msk [tilespmem:v12+s16+$0x0], $0xffff  }
0x41c: {  	v59 =	vadd.s32 v4, v10;
	_ =	sdelay $0x3  }
0x41d: {  	[tilespmem:s5+$0x1A818] =	vst v11  }
0x41e: {  	v11 =	vld.idx.msk [tilespmem:v59+s16+$0x0], $0xffff  }
0x41f: {  	v60 =	vadd.s32 v5, v10;
	_ =	sdelay $0x3  }
0x420: {  	[tilespmem:s5+$0x1A838] =	vst v11  }
0x421: {  	v11 =	vld.idx.msk [tilespmem:v60+s16+$0x0], $0xffff  }
0x422: {  	v61 =	vadd.s32 v6, v10;
	_ =	sdelay $0x3  }
0x423: {  	[tilespmem:s5+$0x1A858] =	vst v11  }
0x424: {  	v11 =	vld.idx.msk [tilespmem:v61+s16+$0x0], $0xffff  }
0x425: {  	v62 =	vadd.s32 v7, v10;
	_ =	sdelay $0x3  }
0x426: {  	[tilespmem:s5+$0x1A878] =	vst v11  }
0x427: {  	v11 =	vld.idx.msk [tilespmem:v62+s16+$0x0], $0xffff  }
0x428: {  	v63 =	vadd.s32 v8, v10;
	_ =	sdelay $0x3  }
0x429: {  	[tilespmem:s5+$0x1A898] =	vst v11  }
0x42a: {  	v11 =	vld.idx.msk [tilespmem:v63+s16+$0x0], $0xffff  }
0x42b: {  	v10 =	vadd.s32 v9, v10;
	_ =	sdelay $0x3  }
0x42c: {  	[tilespmem:s5+$0x1A8B8] =	vst v11  }
0x42d: {  	p1 =	sne.s32 s1, $0x1000;
	v10 =	vld.idx.msk [tilespmem:v10+s16+$0x0], $0xffff  }
.Ltmp10:
0x42e: {  	_ = 	snop;
	(pc) =	sbr.rel @p1 .LBB2_19-.Ltmp10, $2  }
0x42f: {  	_ =	sdelay $0x2  }
0x430: {  	s0 =	sadd.s32 $0x8, s0;
	s1 =	sadd.s32 $0x400, s1;
	[tilespmem:s5+$0x1A8D8] =	vst v10  }
0x431: {  	s0 =	sadd.s32 s29, s2  }
0x432: {  	s0 =	sadd.s32 s28, s0  }
0x433: {  	s1 =	simm.s32 $0x12FE8;
	s0 =	sadd.s32 $0x4, s0  }
0x434: {  	[hbm4b:s0+s19] =	stream.strided.scatter [tilespmem:s1], [sflag:$0x4], $0x100, s20, s19, $0x38;
	[tilespmem:$0x1ACF8] =	vst v63  }
0x435: {  	s1 =	simm.s32 $0x400  }
.LBB2_21:
0x436: {  	p1 =	sne.s32 s1, $0x1F000  }
.Ltmp11:
0x437: {  	_ = 	snop;
	(pc) =	sbr.rel @p1 .LBB2_21-.Ltmp11, $4  }
0x438: {  	_ = 	snop  }
0x439: {  	s5 =	sshra.s32 s1, $0x2;
	s1 =	sadd.s32 $0x400, s1  }
0x43a: {  	s0 =	sadd.s32 $0x32000, s0;
	s5 =	sadd.s32 $0x12FE8, s5  }
0x43b: {  	[hbm4b:s0+s19] =	stream.strided.scatter [tilespmem:s5], [sflag:$0x4], $0x100, s20, s19, $0x38;
	[tilespmem:$0x1ACF8] =	vst v63  }
0x43c: {  	v10 =	vld [tilespmem:s31+$0x1900]  }
0x43d: {  	v11 =	vld [tilespmem:s31+$0x0];
	_ =	sdelay $0x3  }
0x43e: {  	v10 =	vadd.s32 v0, v10;
	_ =	sdelay $0x3  }
0x43f: {  	v11 =	vld.idx.msk [tilespmem:v11+s13+$0x0], $0xffff  }
0x440: {  	v10 =	vld.idx.msk [tilespmem:v10+s16+$0x0], $0xffff;
	_ =	sdelay $0x1  }
0x441: {  	v12 =	vld [tilespmem:$0x1ACE8];
	_ =	sdelay $0x2  }
.Ltmp12:
0x442: {  	v10 =	vsub.f32 v11, v10;
	(pc) =	sbr.rel @p0 .LBB2_24-.Ltmp12, $3  }
0x443: {  	_ = 	snop  }
0x444: {  	v10 =	vadd.f32 v10, v12;
	_ =	sdelay $0x1  }
0x445: {  	[tilespmem:$0x1ACE8] =	vst v10  }
.Ltmp13:
0x446: {  	(pc) =	sbr.rel .LBB2_2-.Ltmp13, $4  }
0x447: {  	_ = 	snop  }
0x448: {  	s0 =	sand.u32 $0x3FFFFFC0, s26  }
0x449: {  	s25 =	sadd.s32 $0x1, s25;
	s0 =	sadd.s32 $0x50, s0  }
0x44a: {  	[tilespmem:s16], [sflag:$0x2] =	stream.indirect.gather [hbm4b:s4+s14], $0x3E8, s0, s14, $0xb8;
	[tilespmem:$0x1ACF8] =	vst v63  }
.LBB2_25:
0x44b: {  	_ =	sfence.sel $0x180000  }
0x44c: {  	[bflag:$0x0] =	sbarrier.arrive $0xFFFF  }
0x44d: {  	_ =	strace $0x90000047  }
0x44e: {  	s0 =	stileid.u32;
	[bflag:$0x2] =	sbarrier.arrive $0xFFFF  }
0x44f: {  	p0 =	sne.s32 s0, $0x0;
	s0 =	rddreg [dreg:$0x2]  }
0x450: {  	s0 =	sadd.s32 @!p0 $0x100000, s0  }
0x451: {  	[sflag:s0] =	ssyncadd.tile.s32 @!p0 $0x1;
	_ =	shalt  }
.Lfunc_end2:
_tile_overlayer_lowered:
.L_overlay_start_2:
0x452: {  	(tag) =	ssettag $0x2  }
0x453: {  	s0 =	rddreg [dreg:$0x0];
	s2 =	stileid.u32  }
0x454: {  	s1 =	rddreg [dreg:$0x1];
	p0 =	sne.s32 s2, $0x0  }
0x455: {  	s3 =	rddreg [dreg:$0x2];
	[bflag:$0x3] =	sbarrier.arrive $0xFFFF;
	s2 =	simm.s32 @!p0 $0x1C05  }
0x456: {  	[timem:s3], [sflag:s2] =	dma.local @!p0 [hbm:s0], s1  }
0x457: {  	s0 =	simm.s32 @!p0 $0x5  }
0x458: {  	_ =	swait.ge @!p0 [sflag:s0], s1  }
0x459: {  	s1 =	ssub.s32 @!p0 $0x0, s1;
	[sflag:s0] =	ssyncset.done @!p0 $0x0  }
0x45a: {  	[sflag:s0] =	ssyncadd.s32 @!p0 s1  }
0x45b: {  	[bflag:$0x3] =	sbarrier.arrive $0xFFFF  }
0x45c: {  	_ =	shalt  }

</sc_bundles>
